<compile_context>
chip_gen: v7x
topology: tpu7x:2x2x1
jax: 0.10.2.dev20260603
libtpu: 0.0.44.dev20260713+nightly
codegen_flags: <defaults>
</compile_context>

<pallas_src>
import dataclasses

import jax
import jax.numpy as jnp
from jax import lax
from jax.experimental import pallas as pl
from jax.experimental.pallas import tpu as pltpu
from jax.experimental.pallas import tpu_sc as plsc

VOCAB = 13
L = 200
B = 16384
E = 32
H = 16
O = 4

NUM_TILES = 32
HALF = B // 2
ROWS_PER_TILE = HALF // NUM_TILES
CHUNK_ROWS = 128
NUM_CHUNKS = ROWS_PER_TILE // CHUNK_ROWS
CHUNK_BINS = CHUNK_ROWS * 16
FULL_VECS = L // 16
TAIL_OFF = L - 16
TAIL_MASKED = 16 - (L - 16 * FULL_VECS)


def _sc_hist_kernel(x_hbm, cnt_hbm,
                    xv0, xv1, cnt0, cnt1,
                    s_in0, s_in1, s_out0, s_out1):
    wid = lax.axis_index("s") * 2 + lax.axis_index("c")
    row_base = wid * ROWS_PER_TILE

    ones = jnp.full((16,), 1.0, dtype=jnp.float32)
    zeros = jnp.zeros((16,), dtype=jnp.float32)
    tail_mask = jnp.arange(16, dtype=jnp.int32) >= TAIL_MASKED

    xbufs = [xv0, xv1]
    cbufs = [cnt0, cnt1]
    in_sems = [s_in0, s_in1]
    out_sems = [s_out0, s_out1]

    in_copies = [None, None]
    out_copies = [None, None]

    in_copies[0] = pltpu.async_copy(
        x_hbm.at[pl.ds(row_base, CHUNK_ROWS)], xbufs[0], in_sems[0])

    for ch in range(NUM_CHUNKS):
        p = ch % 2
        if ch + 1 < NUM_CHUNKS:
            in_copies[1 - p] = pltpu.async_copy(
                x_hbm.at[pl.ds(row_base + (ch + 1) * CHUNK_ROWS, CHUNK_ROWS)],
                xbufs[1 - p], in_sems[1 - p])
        if out_copies[p] is not None:
            out_copies[p].wait()
        in_copies[p].wait()
        xv = xbufs[p]
        cntv = cbufs[p]

        @plsc.parallel_loop(0, CHUNK_BINS, step=16, unroll=8)
        def _zero(j, cntv=cntv):
            cntv[pl.ds(j, 16)] = zeros

        @plsc.parallel_loop(0, CHUNK_ROWS, step=1, unroll=4)
        def _row(r, xv=xv, cntv=cntv):
            roff = jnp.full((16,), r * 16, dtype=jnp.int32)
            for k in range(FULL_VECS):
                vals = xv[r, pl.ds(k * 16, 16)]
                plsc.addupdate_scatter(cntv, [vals + roff], ones)
            tail = xv[r, pl.ds(TAIL_OFF, 16)]
            plsc.addupdate_scatter(cntv, [tail + roff], ones, mask=tail_mask)

        out_copies[p] = pltpu.async_copy(
            cntv,
            cnt_hbm.at[pl.ds((row_base + ch * CHUNK_ROWS) * 16, CHUNK_BINS)],
            out_sems[p])

    for p in range(2):
        if out_copies[p] is not None:
            out_copies[p].wait()


def _sc_histogram(x):
    mesh = plsc.VectorSubcoreMesh(core_axis_name="c", subcore_axis_name="s")
    cp = pltpu.CompilerParams()
    if "needs_layout_passes" in pltpu.CompilerParams.__dataclass_fields__:
        cp = dataclasses.replace(cp, needs_layout_passes=False)
    f = pl.kernel(
        _sc_hist_kernel,
        out_type=jax.ShapeDtypeStruct((HALF * 16,), jnp.float32),
        mesh=mesh,
        scratch_types=[
            pltpu.VMEM((CHUNK_ROWS, L), jnp.int32),
            pltpu.VMEM((CHUNK_ROWS, L), jnp.int32),
            pltpu.VMEM((CHUNK_BINS,), jnp.float32),
            pltpu.VMEM((CHUNK_BINS,), jnp.float32),
            pltpu.SemaphoreType.DMA,
            pltpu.SemaphoreType.DMA,
            pltpu.SemaphoreType.DMA,
            pltpu.SemaphoreType.DMA,
        ],
        compiler_params=cp,
    )
    return f(x)


MLP_ROWS = 4096
MLP_BLK = MLP_ROWS * 16


def _mlp_kernel(cnt_ref, table_ref, w1_ref, b1_ref, w2_ref, b2_ref, out_ref):
    m = jnp.dot(table_ref[...], w1_ref[...].T,
                preferred_element_type=jnp.float32) * (1.0 / L)
    mp = jnp.concatenate([m, jnp.zeros((16 - VOCAB, H), jnp.float32)], axis=0)

    blk = jnp.equal(lax.broadcasted_iota(jnp.int32, (128, 128), 0) // 16,
                    lax.broadcasted_iota(jnp.int32, (128, 128), 1) // 16)
    blkf = blk.astype(jnp.float32)
    m8 = jnp.tile(mp, (8, 8)) * blkf
    w2p = jnp.concatenate(
        [w2_ref[...].T, jnp.zeros((H, 16 - O), jnp.float32)], axis=1)
    w28 = jnp.tile(w2p, (8, 8)) * blkf
    b1t = jnp.tile(b1_ref[0], (8,))
    b2t = jnp.tile(jnp.concatenate(
        [b2_ref[0], jnp.zeros((16 - O,), jnp.float32)]), (8,))

    cnt = cnt_ref[...].reshape(MLP_BLK // 128, 128)
    h = jnp.maximum(
        jnp.dot(cnt, m8, preferred_element_type=jnp.float32) + b1t[None, :],
        0.0)
    out = jnp.dot(h, w28, preferred_element_type=jnp.float32) + b2t[None, :]
    out_ref[...] = out


def _tc_mlp(counts_flat, table, W1, b1, W2, b2):
    out_pad = pl.pallas_call(
        _mlp_kernel,
        grid=(HALF // MLP_ROWS,),
        in_specs=[
            pl.BlockSpec((MLP_BLK,), lambda i: (i,)),
            pl.BlockSpec((VOCAB, E), lambda i: (0, 0)),
            pl.BlockSpec((H, E), lambda i: (0, 0)),
            pl.BlockSpec((1, H), lambda i: (0, 0)),
            pl.BlockSpec((O, H), lambda i: (0, 0)),
            pl.BlockSpec((1, O), lambda i: (0, 0)),
        ],
        out_specs=pl.BlockSpec((MLP_BLK // 128, 128), lambda i: (i, 0)),
        out_shape=jax.ShapeDtypeStruct((HALF * 16 // 128, 128), jnp.float32),
        compiler_params=pltpu.CompilerParams(
            dimension_semantics=("arbitrary",),
        ),
    )(counts_flat, table, W1, b1.reshape(1, H), W2, b2.reshape(1, O))
    return out_pad.reshape(HALF // 8, 8, 16)[:, :, :O].reshape(HALF, O)


def kernel(x, table, W1, b1, W2, b2):
    xi = x.astype(jnp.int32)
    c0 = _sc_histogram(xi[:HALF])
    c1 = _sc_histogram(xi[HALF:])
    out0 = _tc_mlp(c0, table, W1, b1, W2, b2)
    out1 = _tc_mlp(c1, table, W1, b1, W2, b2)
    return jnp.concatenate([out0, out1], axis=0)

# --- scband reference (transcript-rebuilt; emitter-appended) ---
"""Pipeline reference for scband-micro-loan-model-3513283248252 (READ-ONLY COPY).

The authoritative reference and input builder live on the scoring server;
editing this copy changes nothing except your own understanding.
"""

import jax, jax.numpy as jnp
import numpy as np

VOCAB_SIZE = 13
EMBED_DIM = 32
HIDDEN_DIM = 16
OUTPUT_DIM = 4

def setup_inputs(seed: int = 0) -> dict:
    key = jax.random.key(seed)
    k1, k2, k3, k4, k5, k6 = jax.random.split(key, 6)
    x = jax.random.randint(k1, (16384, 200), 0, VOCAB_SIZE, dtype=jnp.int64 if jax.config.jax_enable_x64 else jnp.int32)
    table = jax.random.normal(k2, (VOCAB_SIZE, EMBED_DIM), dtype=jnp.float32)
    W1 = jax.random.normal(k3, (HIDDEN_DIM, EMBED_DIM), dtype=jnp.float32) * (1.0 / np.sqrt(EMBED_DIM))
    b1 = jax.random.normal(k4, (HIDDEN_DIM,), dtype=jnp.float32) * 0.01
    W2 = jax.random.normal(k5, (OUTPUT_DIM, HIDDEN_DIM), dtype=jnp.float32) * (1.0 / np.sqrt(HIDDEN_DIM))
    b2 = jax.random.normal(k6, (OUTPUT_DIM,), dtype=jnp.float32) * 0.01
    return {"x": x, "table": table, "W1": W1, "b1": b1, "W2": W2, "b2": b2}

def reference(x, table, W1, b1, W2, b2):
    # embedding lookup: gather rows of table
    emb = jnp.take(table, x, axis=0)            # [B, L, E]
    pooled = jnp.mean(emb, axis=1)               # [B, E]
    h = jnp.maximum(pooled @ W1.T + b1, 0.0)     # [B, H]
    out = h @ W2.T + b2                          # [B, O]
    return out

if __name__ == "__main__":
    import jax
    _d = setup_inputs()
    print(jax.jit(kernel)(*tuple(_d.values())))

</pallas_src>

<mosaic_0001>
#map = affine_map<(d0, d1) -> (0, 0)>
#map1 = affine_map<(d0, d1) -> (0)>
module attributes {stable_mosaic.version = 14 : i64} {
  func.func @_sc_hist_kernel(%arg0: i32, %arg1: i32, %arg2: memref<8192x200xi32, #tpu.memory_space<hbm>>, %arg3: memref<131072xf32, #tpu.memory_space<hbm>>, %arg4: memref<128x200xi32, #tpu.memory_space<vmem>>, %arg5: memref<128x200xi32, #tpu.memory_space<vmem>>, %arg6: memref<2048xf32, #tpu.memory_space<vmem>>, %arg7: memref<2048xf32, #tpu.memory_space<vmem>>, %arg8: memref<!tpu.dma_semaphore, #tpu.memory_space<semaphore_mem>>, %arg9: memref<!tpu.dma_semaphore, #tpu.memory_space<semaphore_mem>>, %arg10: memref<!tpu.dma_semaphore, #tpu.memory_space<semaphore_mem>>, %arg11: memref<!tpu.dma_semaphore, #tpu.memory_space<semaphore_mem>>) attributes {dimension_semantics = [#tpu.dimension_semantics<core_parallel>, #tpu.dimension_semantics<subcore_parallel>], iteration_bounds = array<i64: 2, 16>, scalar_prefetch = 0 : i64, scratch_operands = 8 : i64, tpu.core_type = #tpu.core_type<sc_vector_subcore>, window_params = [{transform_indices = #map}, {transform_indices = #map1}]} {
    %mul3A = arith.constant 2 : i32
    %mul3A_0 = arith.muli %arg1, %mul3A : i32
    %add3A = arith.addi %mul3A_0, %arg0 : i32
    %mul3A_1 = arith.constant 256 : i32
    %mul3A_2 = arith.muli %add3A, %mul3A_1 : i32
    %broadcast_in_dim3A = arith.constant 1.000000e+00 : f32
    %broadcast_in_dim3A_3 = vector.broadcast %broadcast_in_dim3A : f32 to vector<16xf32>
    %broadcast_in_dim3A_4 = arith.constant 0.000000e+00 : f32
    %broadcast_in_dim3A_5 = vector.broadcast %broadcast_in_dim3A_4 : f32 to vector<16xf32>
    %iota3A = tpu.iota {dimensions = array<i32: 0>} : vector<16xi32>
    %ge3A = arith.constant 8 : i32
    %ge3A_6 = vector.broadcast %ge3A : i32 to vector<16xi32>
    %ge3A_7 = arith.cmpi sge, %iota3A, %ge3A_6 : vector<16xi32>
    %dma_start3A = arith.constant 0 : i32
    %dma_start3A_8 = tpu.memref_slice %arg2[%mul3A_2, %dma_start3A] : memref<8192x200xi32, #tpu.memory_space<hbm>> -> memref<128x200xi32, #tpu.memory_space<hbm>>
    %dma_start3A_9 = arith.constant 0 : i32
    %dma_start3A_10 = tpu.memref_slice %arg2[%mul3A_2, %dma_start3A_9] : memref<8192x200xi32, #tpu.memory_space<hbm>> -> memref<128x200xi32, #tpu.memory_space<hbm>>
    tpu.enqueue_dma source(%dma_start3A_10 : memref<128x200xi32, #tpu.memory_space<hbm>>) target(%arg4 : memref<128x200xi32, #tpu.memory_space<vmem>>) target_semaphore(%arg8 : memref<!tpu.dma_semaphore, #tpu.memory_space<semaphore_mem>>)
    %add3A_11 = arith.constant 128 : i32
    %add3A_12 = arith.addi %mul3A_2, %add3A_11 : i32
    %dma_start3A_13 = arith.constant 0 : i32
    %dma_start3A_14 = tpu.memref_slice %arg2[%add3A_12, %dma_start3A_13] : memref<8192x200xi32, #tpu.memory_space<hbm>> -> memref<128x200xi32, #tpu.memory_space<hbm>>
    %dma_start3A_15 = arith.constant 0 : i32
    %dma_start3A_16 = tpu.memref_slice %arg2[%add3A_12, %dma_start3A_15] : memref<8192x200xi32, #tpu.memory_space<hbm>> -> memref<128x200xi32, #tpu.memory_space<hbm>>
    tpu.enqueue_dma source(%dma_start3A_16 : memref<128x200xi32, #tpu.memory_space<hbm>>) target(%arg5 : memref<128x200xi32, #tpu.memory_space<vmem>>) target_semaphore(%arg9 : memref<!tpu.dma_semaphore, #tpu.memory_space<semaphore_mem>>)
    %dma_wait3A = arith.constant 0 : i32
    %dma_wait3A_17 = tpu.memref_slice %arg2[%mul3A_2, %dma_wait3A] : memref<8192x200xi32, #tpu.memory_space<hbm>> -> memref<128x200xi32, #tpu.memory_space<hbm>>
    %dma_wait3A_18 = arith.constant 0 : i32
    %dma_wait3A_19 = tpu.memref_slice %arg2[%mul3A_2, %dma_wait3A_18] : memref<8192x200xi32, #tpu.memory_space<hbm>> -> memref<128x200xi32, #tpu.memory_space<hbm>>
    tpu.wait_dma2 semaphore(%arg8 : memref<!tpu.dma_semaphore, #tpu.memory_space<semaphore_mem>>) src(%dma_wait3A_19 : memref<128x200xi32, #tpu.memory_space<hbm>>) dst(%arg4 : memref<128x200xi32, #tpu.memory_space<vmem>>)
    %parallel_loop3A = arith.constant 0 : i32
    %parallel_loop3A_20 = arith.constant 2048 : i32
    %parallel_loop3A_21 = arith.constant 16 : i32
    scf.for %parallel_loop3A_51 = %parallel_loop3A to %parallel_loop3A_20 step %parallel_loop3A_21  : i32 {
      %parallel_loop3A_52 = arith.index_cast %parallel_loop3A_51 : i32 to index
      %parallel_loop3A_53 = tpu.vector_load %arg6[%parallel_loop3A_52] {strides = array<i32>} : memref<2048xf32, #tpu.memory_space<vmem>>, vector<16xf32>,
      tpu.vector_store %arg6[%parallel_loop3A_52], %broadcast_in_dim3A_5 {strides = array<i32>} : memref<2048xf32, #tpu.memory_space<vmem>>, vector<16xf32>,
    } {sc.loop_unroll_factor = 8 : i64, sc.parallel_access}
    %parallel_loop3A_22 = arith.constant 0 : i32
    %parallel_loop3A_23 = arith.constant 128 : i32
    %parallel_loop3A_24 = arith.constant 1 : i32
    scf.for %parallel_loop3A_51 = %parallel_loop3A_22 to %parallel_loop3A_23 step %parallel_loop3A_24  : i32 {
      %parallel_loop3A_52 = arith.constant 16 : i32
      %parallel_loop3A_53 = arith.muli %parallel_loop3A_51, %parallel_loop3A_52 : i32
      %parallel_loop3A_54 = vector.broadcast %parallel_loop3A_53 : i32 to vector<16xi32>
      %parallel_loop3A_55 = arith.index_cast %parallel_loop3A_51 : i32 to index
      %parallel_loop3A_56 = arith.constant 0 : index
      %parallel_loop3A_57 = tpu.vector_load %arg4[%parallel_loop3A_55, %parallel_loop3A_56] {strides = array<i32>} : memref<128x200xi32, #tpu.memory_space<vmem>>, vector<16xi32>,
      %parallel_loop3A_58 = arith.addi %parallel_loop3A_57, %parallel_loop3A_54 : vector<16xi32>
      tpu.vector_store_idx %arg6[%parallel_loop3A_58], %broadcast_in_dim3A_3 {add = true} : memref<2048xf32, #tpu.memory_space<vmem>>[vector<16xi32>], vector<16xf32>,
      %parallel_loop3A_59 = arith.index_cast %parallel_loop3A_51 : i32 to index
      %parallel_loop3A_60 = arith.constant 16 : index
      %parallel_loop3A_61 = tpu.vector_load %arg4[%parallel_loop3A_59, %parallel_loop3A_60] {strides = array<i32>} : memref<128x200xi32, #tpu.memory_space<vmem>>, vector<16xi32>,
      %parallel_loop3A_62 = arith.addi %parallel_loop3A_61, %parallel_loop3A_54 : vector<16xi32>
      tpu.vector_store_idx %arg6[%parallel_loop3A_62], %broadcast_in_dim3A_3 {add = true} : memref<2048xf32, #tpu.memory_space<vmem>>[vector<16xi32>], vector<16xf32>,
      %parallel_loop3A_63 = arith.index_cast %parallel_loop3A_51 : i32 to index
      %parallel_loop3A_64 = arith.constant 32 : index
      %parallel_loop3A_65 = tpu.vector_load %arg4[%parallel_loop3A_63, %parallel_loop3A_64] {strides = array<i32>} : memref<128x200xi32, #tpu.memory_space<vmem>>, vector<16xi32>,
      %parallel_loop3A_66 = arith.addi %parallel_loop3A_65, %parallel_loop3A_54 : vector<16xi32>
      tpu.vector_store_idx %arg6[%parallel_loop3A_66], %broadcast_in_dim3A_3 {add = true} : memref<2048xf32, #tpu.memory_space<vmem>>[vector<16xi32>], vector<16xf32>,
      %parallel_loop3A_67 = arith.index_cast %parallel_loop3A_51 : i32 to index
      %parallel_loop3A_68 = arith.constant 48 : index
      %parallel_loop3A_69 = tpu.vector_load %arg4[%parallel_loop3A_67, %parallel_loop3A_68] {strides = array<i32>} : memref<128x200xi32, #tpu.memory_space<vmem>>, vector<16xi32>,
      %parallel_loop3A_70 = arith.addi %parallel_loop3A_69, %parallel_loop3A_54 : vector<16xi32>
      tpu.vector_store_idx %arg6[%parallel_loop3A_70], %broadcast_in_dim3A_3 {add = true} : memref<2048xf32, #tpu.memory_space<vmem>>[vector<16xi32>], vector<16xf32>,
      %parallel_loop3A_71 = arith.index_cast %parallel_loop3A_51 : i32 to index
      %parallel_loop3A_72 = arith.constant 64 : index
      %parallel_loop3A_73 = tpu.vector_load %arg4[%parallel_loop3A_71, %parallel_loop3A_72] {strides = array<i32>} : memref<128x200xi32, #tpu.memory_space<vmem>>, vector<16xi32>,
      %parallel_loop3A_74 = arith.addi %parallel_loop3A_73, %parallel_loop3A_54 : vector<16xi32>
      tpu.vector_store_idx %arg6[%parallel_loop3A_74], %broadcast_in_dim3A_3 {add = true} : memref<2048xf32, #tpu.memory_space<vmem>>[vector<16xi32>], vector<16xf32>,
      %parallel_loop3A_75 = arith.index_cast %parallel_loop3A_51 : i32 to index
      %parallel_loop3A_76 = arith.constant 80 : index
      %parallel_loop3A_77 = tpu.vector_load %arg4[%parallel_loop3A_75, %parallel_loop3A_76] {strides = array<i32>} : memref<128x200xi32, #tpu.memory_space<vmem>>, vector<16xi32>,
      %parallel_loop3A_78 = arith.addi %parallel_loop3A_77, %parallel_loop3A_54 : vector<16xi32>
      tpu.vector_store_idx %arg6[%parallel_loop3A_78], %broadcast_in_dim3A_3 {add = true} : memref<2048xf32, #tpu.memory_space<vmem>>[vector<16xi32>], vector<16xf32>,
      %parallel_loop3A_79 = arith.index_cast %parallel_loop3A_51 : i32 to index
      %parallel_loop3A_80 = arith.constant 96 : index
      %parallel_loop3A_81 = tpu.vector_load %arg4[%parallel_loop3A_79, %parallel_loop3A_80] {strides = array<i32>} : memref<128x200xi32, #tpu.memory_space<vmem>>, vector<16xi32>,
      %parallel_loop3A_82 = arith.addi %parallel_loop3A_81, %parallel_loop3A_54 : vector<16xi32>
      tpu.vector_store_idx %arg6[%parallel_loop3A_82], %broadcast_in_dim3A_3 {add = true} : memref<2048xf32, #tpu.memory_space<vmem>>[vector<16xi32>], vector<16xf32>,
      %parallel_loop3A_83 = arith.index_cast %parallel_loop3A_51 : i32 to index
      %parallel_loop3A_84 = arith.constant 112 : index
      %parallel_loop3A_85 = tpu.vector_load %arg4[%parallel_loop3A_83, %parallel_loop3A_84] {strides = array<i32>} : memref<128x200xi32, #tpu.memory_space<vmem>>, vector<16xi32>,
      %parallel_loop3A_86 = arith.addi %parallel_loop3A_85, %parallel_loop3A_54 : vector<16xi32>
      tpu.vector_store_idx %arg6[%parallel_loop3A_86], %broadcast_in_dim3A_3 {add = true} : memref<2048xf32, #tpu.memory_space<vmem>>[vector<16xi32>], vector<16xf32>,
      %parallel_loop3A_87 = arith.index_cast %parallel_loop3A_51 : i32 to index
      %parallel_loop3A_88 = arith.constant 128 : index
      %parallel_loop3A_89 = tpu.vector_load %arg4[%parallel_loop3A_87, %parallel_loop3A_88] {strides = array<i32>} : memref<128x200xi32, #tpu.memory_space<vmem>>, vector<16xi32>,
      %parallel_loop3A_90 = arith.addi %parallel_loop3A_89, %parallel_loop3A_54 : vector<16xi32>
      tpu.vector_store_idx %arg6[%parallel_loop3A_90], %broadcast_in_dim3A_3 {add = true} : memref<2048xf32, #tpu.memory_space<vmem>>[vector<16xi32>], vector<16xf32>,
      %parallel_loop3A_91 = arith.index_cast %parallel_loop3A_51 : i32 to index
      %parallel_loop3A_92 = arith.constant 144 : index
      %parallel_loop3A_93 = tpu.vector_load %arg4[%parallel_loop3A_91, %parallel_loop3A_92] {strides = array<i32>} : memref<128x200xi32, #tpu.memory_space<vmem>>, vector<16xi32>,
      %parallel_loop3A_94 = arith.addi %parallel_loop3A_93, %parallel_loop3A_54 : vector<16xi32>
      tpu.vector_store_idx %arg6[%parallel_loop3A_94], %broadcast_in_dim3A_3 {add = true} : memref<2048xf32, #tpu.memory_space<vmem>>[vector<16xi32>], vector<16xf32>,
      %parallel_loop3A_95 = arith.index_cast %parallel_loop3A_51 : i32 to index
      %parallel_loop3A_96 = arith.constant 160 : index
      %parallel_loop3A_97 = tpu.vector_load %arg4[%parallel_loop3A_95, %parallel_loop3A_96] {strides = array<i32>} : memref<128x200xi32, #tpu.memory_space<vmem>>, vector<16xi32>,
      %parallel_loop3A_98 = arith.addi %parallel_loop3A_97, %parallel_loop3A_54 : vector<16xi32>
      tpu.vector_store_idx %arg6[%parallel_loop3A_98], %broadcast_in_dim3A_3 {add = true} : memref<2048xf32, #tpu.memory_space<vmem>>[vector<16xi32>], vector<16xf32>,
      %parallel_loop3A_99 = arith.index_cast %parallel_loop3A_51 : i32 to index
      %parallel_loop3A_100 = arith.constant 176 : index
      %parallel_loop3A_101 = tpu.vector_load %arg4[%parallel_loop3A_99, %parallel_loop3A_100] {strides = array<i32>} : memref<128x200xi32, #tpu.memory_space<vmem>>, vector<16xi32>,
      %parallel_loop3A_102 = arith.addi %parallel_loop3A_101, %parallel_loop3A_54 : vector<16xi32>
      tpu.vector_store_idx %arg6[%parallel_loop3A_102], %broadcast_in_dim3A_3 {add = true} : memref<2048xf32, #tpu.memory_space<vmem>>[vector<16xi32>], vector<16xf32>,
      %parallel_loop3A_103 = arith.index_cast %parallel_loop3A_51 : i32 to index
      %parallel_loop3A_104 = arith.constant 184 : index
      %parallel_loop3A_105 = tpu.vector_load %arg4[%parallel_loop3A_103, %parallel_loop3A_104] {strides = array<i32>} : memref<128x200xi32, #tpu.memory_space<vmem>>, vector<16xi32>,
      %parallel_loop3A_106 = arith.addi %parallel_loop3A_105, %parallel_loop3A_54 : vector<16xi32>
      tpu.vector_store_idx %arg6[%parallel_loop3A_106], %broadcast_in_dim3A_3 masked %ge3A_7 {add = true} : memref<2048xf32, #tpu.memory_space<vmem>>[vector<16xi32>], vector<16xf32>, vector<16xi1>
    } {sc.loop_unroll_factor = 4 : i64, sc.parallel_access}
    %add3A_25 = arith.constant 0 : i32
    %add3A_26 = arith.addi %mul3A_2, %add3A_25 : i32
    %mul3A_27 = arith.constant 16 : i32
    %mul3A_28 = arith.muli %add3A_26, %mul3A_27 : i32
    %dma_start3A_29 = tpu.memref_slice %arg3[%mul3A_28] : memref<131072xf32, #tpu.memory_space<hbm>> -> memref<2048xf32, #tpu.memory_space<hbm>>
    %dma_start3A_30 = tpu.memref_slice %arg3[%mul3A_28] : memref<131072xf32, #tpu.memory_space<hbm>> -> memref<2048xf32, #tpu.memory_space<hbm>>
    tpu.enqueue_dma source(%arg6 : memref<2048xf32, #tpu.memory_space<vmem>>) target(%dma_start3A_30 : memref<2048xf32, #tpu.memory_space<hbm>>) target_semaphore(%arg10 : memref<!tpu.dma_semaphore, #tpu.memory_space<semaphore_mem>>)
    %dma_wait3A_31 = arith.constant 0 : i32
    %dma_wait3A_32 = tpu.memref_slice %arg2[%add3A_12, %dma_wait3A_31] : memref<8192x200xi32, #tpu.memory_space<hbm>> -> memref<128x200xi32, #tpu.memory_space<hbm>>
    %dma_wait3A_33 = arith.constant 0 : i32
    %dma_wait3A_34 = tpu.memref_slice %arg2[%add3A_12, %dma_wait3A_33] : memref<8192x200xi32, #tpu.memory_space<hbm>> -> memref<128x200xi32, #tpu.memory_space<hbm>>
    tpu.wait_dma2 semaphore(%arg9 : memref<!tpu.dma_semaphore, #tpu.memory_space<semaphore_mem>>) src(%dma_wait3A_34 : memref<128x200xi32, #tpu.memory_space<hbm>>) dst(%arg5 : memref<128x200xi32, #tpu.memory_space<vmem>>)
    %parallel_loop3A_35 = arith.constant 0 : i32
    %parallel_loop3A_36 = arith.constant 2048 : i32
    %parallel_loop3A_37 = arith.constant 16 : i32
    scf.for %parallel_loop3A_51 = %parallel_loop3A_35 to %parallel_loop3A_36 step %parallel_loop3A_37  : i32 {
      %parallel_loop3A_52 = arith.index_cast %parallel_loop3A_51 : i32 to index
      %parallel_loop3A_53 = tpu.vector_load %arg7[%parallel_loop3A_52] {strides = array<i32>} : memref<2048xf32, #tpu.memory_space<vmem>>, vector<16xf32>,
      tpu.vector_store %arg7[%parallel_loop3A_52], %broadcast_in_dim3A_5 {strides = array<i32>} : memref<2048xf32, #tpu.memory_space<vmem>>, vector<16xf32>,
    } {sc.loop_unroll_factor = 8 : i64, sc.parallel_access}
    %parallel_loop3A_38 = arith.constant 0 : i32
    %parallel_loop3A_39 = arith.constant 128 : i32
    %parallel_loop3A_40 = arith.constant 1 : i32
    scf.for %parallel_loop3A_51 = %parallel_loop3A_38 to %parallel_loop3A_39 step %parallel_loop3A_40  : i32 {
      %parallel_loop3A_52 = arith.constant 16 : i32
      %parallel_loop3A_53 = arith.muli %parallel_loop3A_51, %parallel_loop3A_52 : i32
      %parallel_loop3A_54 = vector.broadcast %parallel_loop3A_53 : i32 to vector<16xi32>
      %parallel_loop3A_55 = arith.index_cast %parallel_loop3A_51 : i32 to index
      %parallel_loop3A_56 = arith.constant 0 : index
      %parallel_loop3A_57 = tpu.vector_load %arg5[%parallel_loop3A_55, %parallel_loop3A_56] {strides = array<i32>} : memref<128x200xi32, #tpu.memory_space<vmem>>, vector<16xi32>,
      %parallel_loop3A_58 = arith.addi %parallel_loop3A_57, %parallel_loop3A_54 : vector<16xi32>
      tpu.vector_store_idx %arg7[%parallel_loop3A_58], %broadcast_in_dim3A_3 {add = true} : memref<2048xf32, #tpu.memory_space<vmem>>[vector<16xi32>], vector<16xf32>,
      %parallel_loop3A_59 = arith.index_cast %parallel_loop3A_51 : i32 to index
      %parallel_loop3A_60 = arith.constant 16 : index
      %parallel_loop3A_61 = tpu.vector_load %arg5[%parallel_loop3A_59, %parallel_loop3A_60] {strides = array<i32>} : memref<128x200xi32, #tpu.memory_space<vmem>>, vector<16xi32>,
      %parallel_loop3A_62 = arith.addi %parallel_loop3A_61, %parallel_loop3A_54 : vector<16xi32>
      tpu.vector_store_idx %arg7[%parallel_loop3A_62], %broadcast_in_dim3A_3 {add = true} : memref<2048xf32, #tpu.memory_space<vmem>>[vector<16xi32>], vector<16xf32>,
      %parallel_loop3A_63 = arith.index_cast %parallel_loop3A_51 : i32 to index
      %parallel_loop3A_64 = arith.constant 32 : index
      %parallel_loop3A_65 = tpu.vector_load %arg5[%parallel_loop3A_63, %parallel_loop3A_64] {strides = array<i32>} : memref<128x200xi32, #tpu.memory_space<vmem>>, vector<16xi32>,
      %parallel_loop3A_66 = arith.addi %parallel_loop3A_65, %parallel_loop3A_54 : vector<16xi32>
      tpu.vector_store_idx %arg7[%parallel_loop3A_66], %broadcast_in_dim3A_3 {add = true} : memref<2048xf32, #tpu.memory_space<vmem>>[vector<16xi32>], vector<16xf32>,
      %parallel_loop3A_67 = arith.index_cast %parallel_loop3A_51 : i32 to index
      %parallel_loop3A_68 = arith.constant 48 : index
      %parallel_loop3A_69 = tpu.vector_load %arg5[%parallel_loop3A_67, %parallel_loop3A_68] {strides = array<i32>} : memref<128x200xi32, #tpu.memory_space<vmem>>, vector<16xi32>,
      %parallel_loop3A_70 = arith.addi %parallel_loop3A_69, %parallel_loop3A_54 : vector<16xi32>
      tpu.vector_store_idx %arg7[%parallel_loop3A_70], %broadcast_in_dim3A_3 {add = true} : memref<2048xf32, #tpu.memory_space<vmem>>[vector<16xi32>], vector<16xf32>,
      %parallel_loop3A_71 = arith.index_cast %parallel_loop3A_51 : i32 to index
      %parallel_loop3A_72 = arith.constant 64 : index
      %parallel_loop3A_73 = tpu.vector_load %arg5[%parallel_loop3A_71, %parallel_loop3A_72] {strides = array<i32>} : memref<128x200xi32, #tpu.memory_space<vmem>>, vector<16xi32>,
      %parallel_loop3A_74 = arith.addi %parallel_loop3A_73, %parallel_loop3A_54 : vector<16xi32>
      tpu.vector_store_idx %arg7[%parallel_loop3A_74], %broadcast_in_dim3A_3 {add = true} : memref<2048xf32, #tpu.memory_space<vmem>>[vector<16xi32>], vector<16xf32>,
      %parallel_loop3A_75 = arith.index_cast %parallel_loop3A_51 : i32 to index
      %parallel_loop3A_76 = arith.constant 80 : index
      %parallel_loop3A_77 = tpu.vector_load %arg5[%parallel_loop3A_75, %parallel_loop3A_76] {strides = array<i32>} : memref<128x200xi32, #tpu.memory_space<vmem>>, vector<16xi32>,
      %parallel_loop3A_78 = arith.addi %parallel_loop3A_77, %parallel_loop3A_54 : vector<16xi32>
      tpu.vector_store_idx %arg7[%parallel_loop3A_78], %broadcast_in_dim3A_3 {add = true} : memref<2048xf32, #tpu.memory_space<vmem>>[vector<16xi32>], vector<16xf32>,
      %parallel_loop3A_79 = arith.index_cast %parallel_loop3A_51 : i32 to index
      %parallel_loop3A_80 = arith.constant 96 : index
      %parallel_loop3A_81 = tpu.vector_load %arg5[%parallel_loop3A_79, %parallel_loop3A_80] {strides = array<i32>} : memref<128x200xi32, #tpu.memory_space<vmem>>, vector<16xi32>,
      %parallel_loop3A_82 = arith.addi %parallel_loop3A_81, %parallel_loop3A_54 : vector<16xi32>
      tpu.vector_store_idx %arg7[%parallel_loop3A_82], %broadcast_in_dim3A_3 {add = true} : memref<2048xf32, #tpu.memory_space<vmem>>[vector<16xi32>], vector<16xf32>,
      %parallel_loop3A_83 = arith.index_cast %parallel_loop3A_51 : i32 to index
      %parallel_loop3A_84 = arith.constant 112 : index
      %parallel_loop3A_85 = tpu.vector_load %arg5[%parallel_loop3A_83, %parallel_loop3A_84] {strides = array<i32>} : memref<128x200xi32, #tpu.memory_space<vmem>>, vector<16xi32>,
      %parallel_loop3A_86 = arith.addi %parallel_loop3A_85, %parallel_loop3A_54 : vector<16xi32>
      tpu.vector_store_idx %arg7[%parallel_loop3A_86], %broadcast_in_dim3A_3 {add = true} : memref<2048xf32, #tpu.memory_space<vmem>>[vector<16xi32>], vector<16xf32>,
      %parallel_loop3A_87 = arith.index_cast %parallel_loop3A_51 : i32 to index
      %parallel_loop3A_88 = arith.constant 128 : index
      %parallel_loop3A_89 = tpu.vector_load %arg5[%parallel_loop3A_87, %parallel_loop3A_88] {strides = array<i32>} : memref<128x200xi32, #tpu.memory_space<vmem>>, vector<16xi32>,
      %parallel_loop3A_90 = arith.addi %parallel_loop3A_89, %parallel_loop3A_54 : vector<16xi32>
      tpu.vector_store_idx %arg7[%parallel_loop3A_90], %broadcast_in_dim3A_3 {add = true} : memref<2048xf32, #tpu.memory_space<vmem>>[vector<16xi32>], vector<16xf32>,
      %parallel_loop3A_91 = arith.index_cast %parallel_loop3A_51 : i32 to index
      %parallel_loop3A_92 = arith.constant 144 : index
      %parallel_loop3A_93 = tpu.vector_load %arg5[%parallel_loop3A_91, %parallel_loop3A_92] {strides = array<i32>} : memref<128x200xi32, #tpu.memory_space<vmem>>, vector<16xi32>,
      %parallel_loop3A_94 = arith.addi %parallel_loop3A_93, %parallel_loop3A_54 : vector<16xi32>
      tpu.vector_store_idx %arg7[%parallel_loop3A_94], %broadcast_in_dim3A_3 {add = true} : memref<2048xf32, #tpu.memory_space<vmem>>[vector<16xi32>], vector<16xf32>,
      %parallel_loop3A_95 = arith.index_cast %parallel_loop3A_51 : i32 to index
      %parallel_loop3A_96 = arith.constant 160 : index
      %parallel_loop3A_97 = tpu.vector_load %arg5[%parallel_loop3A_95, %parallel_loop3A_96] {strides = array<i32>} : memref<128x200xi32, #tpu.memory_space<vmem>>, vector<16xi32>,
      %parallel_loop3A_98 = arith.addi %parallel_loop3A_97, %parallel_loop3A_54 : vector<16xi32>
      tpu.vector_store_idx %arg7[%parallel_loop3A_98], %broadcast_in_dim3A_3 {add = true} : memref<2048xf32, #tpu.memory_space<vmem>>[vector<16xi32>], vector<16xf32>,
      %parallel_loop3A_99 = arith.index_cast %parallel_loop3A_51 : i32 to index
      %parallel_loop3A_100 = arith.constant 176 : index
      %parallel_loop3A_101 = tpu.vector_load %arg5[%parallel_loop3A_99, %parallel_loop3A_100] {strides = array<i32>} : memref<128x200xi32, #tpu.memory_space<vmem>>, vector<16xi32>,
      %parallel_loop3A_102 = arith.addi %parallel_loop3A_101, %parallel_loop3A_54 : vector<16xi32>
      tpu.vector_store_idx %arg7[%parallel_loop3A_102], %broadcast_in_dim3A_3 {add = true} : memref<2048xf32, #tpu.memory_space<vmem>>[vector<16xi32>], vector<16xf32>,
      %parallel_loop3A_103 = arith.index_cast %parallel_loop3A_51 : i32 to index
      %parallel_loop3A_104 = arith.constant 184 : index
      %parallel_loop3A_105 = tpu.vector_load %arg5[%parallel_loop3A_103, %parallel_loop3A_104] {strides = array<i32>} : memref<128x200xi32, #tpu.memory_space<vmem>>, vector<16xi32>,
      %parallel_loop3A_106 = arith.addi %parallel_loop3A_105, %parallel_loop3A_54 : vector<16xi32>
      tpu.vector_store_idx %arg7[%parallel_loop3A_106], %broadcast_in_dim3A_3 masked %ge3A_7 {add = true} : memref<2048xf32, #tpu.memory_space<vmem>>[vector<16xi32>], vector<16xf32>, vector<16xi1>
    } {sc.loop_unroll_factor = 4 : i64, sc.parallel_access}
    %add3A_41 = arith.constant 128 : i32
    %add3A_42 = arith.addi %mul3A_2, %add3A_41 : i32
    %mul3A_43 = arith.constant 16 : i32
    %mul3A_44 = arith.muli %add3A_42, %mul3A_43 : i32
    %dma_start3A_45 = tpu.memref_slice %arg3[%mul3A_44] : memref<131072xf32, #tpu.memory_space<hbm>> -> memref<2048xf32, #tpu.memory_space<hbm>>
    %dma_start3A_46 = tpu.memref_slice %arg3[%mul3A_44] : memref<131072xf32, #tpu.memory_space<hbm>> -> memref<2048xf32, #tpu.memory_space<hbm>>
    tpu.enqueue_dma source(%arg7 : memref<2048xf32, #tpu.memory_space<vmem>>) target(%dma_start3A_46 : memref<2048xf32, #tpu.memory_space<hbm>>) target_semaphore(%arg11 : memref<!tpu.dma_semaphore, #tpu.memory_space<semaphore_mem>>)
    %dma_wait3A_47 = tpu.memref_slice %arg3[%mul3A_28] : memref<131072xf32, #tpu.memory_space<hbm>> -> memref<2048xf32, #tpu.memory_space<hbm>>
    %dma_wait3A_48 = tpu.memref_slice %arg3[%mul3A_28] : memref<131072xf32, #tpu.memory_space<hbm>> -> memref<2048xf32, #tpu.memory_space<hbm>>
    tpu.wait_dma2 semaphore(%arg10 : memref<!tpu.dma_semaphore, #tpu.memory_space<semaphore_mem>>) src(%arg6 : memref<2048xf32, #tpu.memory_space<vmem>>) dst(%dma_wait3A_48 : memref<2048xf32, #tpu.memory_space<hbm>>)
    %dma_wait3A_49 = tpu.memref_slice %arg3[%mul3A_44] : memref<131072xf32, #tpu.memory_space<hbm>> -> memref<2048xf32, #tpu.memory_space<hbm>>
    %dma_wait3A_50 = tpu.memref_slice %arg3[%mul3A_44] : memref<131072xf32, #tpu.memory_space<hbm>> -> memref<2048xf32, #tpu.memory_space<hbm>>
    tpu.wait_dma2 semaphore(%arg11 : memref<!tpu.dma_semaphore, #tpu.memory_space<semaphore_mem>>) src(%arg7 : memref<2048xf32, #tpu.memory_space<vmem>>) dst(%dma_wait3A_50 : memref<2048xf32, #tpu.memory_space<hbm>>)
    return
  }
}

#map = affine_map<(d0, d1) -> (0, 0)>
#map1 = affine_map<(d0, d1) -> (0)>
module attributes {stable_mosaic.version = 14 : i64} {
  func.func @_sc_hist_kernel(%arg0: i32, %arg1: i32, %arg2: memref<8192x200xi32, #tpu.memory_space<hbm>>, %arg3: memref<131072xf32, #tpu.memory_space<hbm>>, %arg4: memref<128x200xi32, #tpu.memory_space<vmem>>, %arg5: memref<128x200xi32, #tpu.memory_space<vmem>>, %arg6: memref<2048xf32, #tpu.memory_space<vmem>>, %arg7: memref<2048xf32, #tpu.memory_space<vmem>>, %arg8: memref<!tpu.dma_semaphore, #tpu.memory_space<semaphore_mem>>, %arg9: memref<!tpu.dma_semaphore, #tpu.memory_space<semaphore_mem>>, %arg10: memref<!tpu.dma_semaphore, #tpu.memory_space<semaphore_mem>>, %arg11: memref<!tpu.dma_semaphore, #tpu.memory_space<semaphore_mem>>) attributes {dimension_semantics = [#tpu.dimension_semantics<core_parallel>, #tpu.dimension_semantics<subcore_parallel>], iteration_bounds = array<i64: 2, 16>, scalar_prefetch = 0 : i64, scratch_operands = 8 : i64, tpu.core_type = #tpu.core_type<sc_vector_subcore>, window_params = [{transform_indices = #map}, {transform_indices = #map1}]} {
    %mul3A = arith.constant 2 : i32
    %mul3A_0 = arith.muli %arg1, %mul3A : i32
    %add3A = arith.addi %mul3A_0, %arg0 : i32
    %mul3A_1 = arith.constant 256 : i32
    %mul3A_2 = arith.muli %add3A, %mul3A_1 : i32
    %broadcast_in_dim3A = arith.constant 1.000000e+00 : f32
    %broadcast_in_dim3A_3 = vector.broadcast %broadcast_in_dim3A : f32 to vector<16xf32>
    %broadcast_in_dim3A_4 = arith.constant 0.000000e+00 : f32
    %broadcast_in_dim3A_5 = vector.broadcast %broadcast_in_dim3A_4 : f32 to vector<16xf32>
    %iota3A = tpu.iota {dimensions = array<i32: 0>} : vector<16xi32>
    %ge3A = arith.constant 8 : i32
    %ge3A_6 = vector.broadcast %ge3A : i32 to vector<16xi32>
    %ge3A_7 = arith.cmpi sge, %iota3A, %ge3A_6 : vector<16xi32>
    %dma_start3A = arith.constant 0 : i32
    %dma_start3A_8 = tpu.memref_slice %arg2[%mul3A_2, %dma_start3A] : memref<8192x200xi32, #tpu.memory_space<hbm>> -> memref<128x200xi32, #tpu.memory_space<hbm>>
    %dma_start3A_9 = arith.constant 0 : i32
    %dma_start3A_10 = tpu.memref_slice %arg2[%mul3A_2, %dma_start3A_9] : memref<8192x200xi32, #tpu.memory_space<hbm>> -> memref<128x200xi32, #tpu.memory_space<hbm>>
    tpu.enqueue_dma source(%dma_start3A_10 : memref<128x200xi32, #tpu.memory_space<hbm>>) target(%arg4 : memref<128x200xi32, #tpu.memory_space<vmem>>) target_semaphore(%arg8 : memref<!tpu.dma_semaphore, #tpu.memory_space<semaphore_mem>>)
    %add3A_11 = arith.constant 128 : i32
    %add3A_12 = arith.addi %mul3A_2, %add3A_11 : i32
    %dma_start3A_13 = arith.constant 0 : i32
    %dma_start3A_14 = tpu.memref_slice %arg2[%add3A_12, %dma_start3A_13] : memref<8192x200xi32, #tpu.memory_space<hbm>> -> memref<128x200xi32, #tpu.memory_space<hbm>>
    %dma_start3A_15 = arith.constant 0 : i32
    %dma_start3A_16 = tpu.memref_slice %arg2[%add3A_12, %dma_start3A_15] : memref<8192x200xi32, #tpu.memory_space<hbm>> -> memref<128x200xi32, #tpu.memory_space<hbm>>
    tpu.enqueue_dma source(%dma_start3A_16 : memref<128x200xi32, #tpu.memory_space<hbm>>) target(%arg5 : memref<128x200xi32, #tpu.memory_space<vmem>>) target_semaphore(%arg9 : memref<!tpu.dma_semaphore, #tpu.memory_space<semaphore_mem>>)
    %dma_wait3A = arith.constant 0 : i32
    %dma_wait3A_17 = tpu.memref_slice %arg2[%mul3A_2, %dma_wait3A] : memref<8192x200xi32, #tpu.memory_space<hbm>> -> memref<128x200xi32, #tpu.memory_space<hbm>>
    %dma_wait3A_18 = arith.constant 0 : i32
    %dma_wait3A_19 = tpu.memref_slice %arg2[%mul3A_2, %dma_wait3A_18] : memref<8192x200xi32, #tpu.memory_space<hbm>> -> memref<128x200xi32, #tpu.memory_space<hbm>>
    tpu.wait_dma2 semaphore(%arg8 : memref<!tpu.dma_semaphore, #tpu.memory_space<semaphore_mem>>) src(%dma_wait3A_19 : memref<128x200xi32, #tpu.memory_space<hbm>>) dst(%arg4 : memref<128x200xi32, #tpu.memory_space<vmem>>)
    %parallel_loop3A = arith.constant 0 : i32
    %parallel_loop3A_20 = arith.constant 2048 : i32
    %parallel_loop3A_21 = arith.constant 16 : i32
    scf.for %parallel_loop3A_51 = %parallel_loop3A to %parallel_loop3A_20 step %parallel_loop3A_21  : i32 {
      %parallel_loop3A_52 = arith.index_cast %parallel_loop3A_51 : i32 to index
      %parallel_loop3A_53 = tpu.vector_load %arg6[%parallel_loop3A_52] {strides = array<i32>} : memref<2048xf32, #tpu.memory_space<vmem>>, vector<16xf32>,
      tpu.vector_store %arg6[%parallel_loop3A_52], %broadcast_in_dim3A_5 {strides = array<i32>} : memref<2048xf32, #tpu.memory_space<vmem>>, vector<16xf32>,
    } {sc.loop_unroll_factor = 8 : i64, sc.parallel_access}
    %parallel_loop3A_22 = arith.constant 0 : i32
    %parallel_loop3A_23 = arith.constant 128 : i32
    %parallel_loop3A_24 = arith.constant 1 : i32
    scf.for %parallel_loop3A_51 = %parallel_loop3A_22 to %parallel_loop3A_23 step %parallel_loop3A_24  : i32 {
      %parallel_loop3A_52 = arith.constant 16 : i32
      %parallel_loop3A_53 = arith.muli %parallel_loop3A_51, %parallel_loop3A_52 : i32
      %parallel_loop3A_54 = vector.broadcast %parallel_loop3A_53 : i32 to vector<16xi32>
      %parallel_loop3A_55 = arith.index_cast %parallel_loop3A_51 : i32 to index
      %parallel_loop3A_56 = arith.constant 0 : index
      %parallel_loop3A_57 = tpu.vector_load %arg4[%parallel_loop3A_55, %parallel_loop3A_56] {strides = array<i32>} : memref<128x200xi32, #tpu.memory_space<vmem>>, vector<16xi32>,
      %parallel_loop3A_58 = arith.addi %parallel_loop3A_57, %parallel_loop3A_54 : vector<16xi32>
      tpu.vector_store_idx %arg6[%parallel_loop3A_58], %broadcast_in_dim3A_3 {add = true} : memref<2048xf32, #tpu.memory_space<vmem>>[vector<16xi32>], vector<16xf32>,
      %parallel_loop3A_59 = arith.index_cast %parallel_loop3A_51 : i32 to index
      %parallel_loop3A_60 = arith.constant 16 : index
      %parallel_loop3A_61 = tpu.vector_load %arg4[%parallel_loop3A_59, %parallel_loop3A_60] {strides = array<i32>} : memref<128x200xi32, #tpu.memory_space<vmem>>, vector<16xi32>,
      %parallel_loop3A_62 = arith.addi %parallel_loop3A_61, %parallel_loop3A_54 : vector<16xi32>
      tpu.vector_store_idx %arg6[%parallel_loop3A_62], %broadcast_in_dim3A_3 {add = true} : memref<2048xf32, #tpu.memory_space<vmem>>[vector<16xi32>], vector<16xf32>,
      %parallel_loop3A_63 = arith.index_cast %parallel_loop3A_51 : i32 to index
      %parallel_loop3A_64 = arith.constant 32 : index
      %parallel_loop3A_65 = tpu.vector_load %arg4[%parallel_loop3A_63, %parallel_loop3A_64] {strides = array<i32>} : memref<128x200xi32, #tpu.memory_space<vmem>>, vector<16xi32>,
      %parallel_loop3A_66 = arith.addi %parallel_loop3A_65, %parallel_loop3A_54 : vector<16xi32>
      tpu.vector_store_idx %arg6[%parallel_loop3A_66], %broadcast_in_dim3A_3 {add = true} : memref<2048xf32, #tpu.memory_space<vmem>>[vector<16xi32>], vector<16xf32>,
      %parallel_loop3A_67 = arith.index_cast %parallel_loop3A_51 : i32 to index
      %parallel_loop3A_68 = arith.constant 48 : index
      %parallel_loop3A_69 = tpu.vector_load %arg4[%parallel_loop3A_67, %parallel_loop3A_68] {strides = array<i32>} : memref<128x200xi32, #tpu.memory_space<vmem>>, vector<16xi32>,
      %parallel_loop3A_70 = arith.addi %parallel_loop3A_69, %parallel_loop3A_54 : vector<16xi32>
      tpu.vector_store_idx %arg6[%parallel_loop3A_70], %broadcast_in_dim3A_3 {add = true} : memref<2048xf32, #tpu.memory_space<vmem>>[vector<16xi32>], vector<16xf32>,
      %parallel_loop3A_71 = arith.index_cast %parallel_loop3A_51 : i32 to index
      %parallel_loop3A_72 = arith.constant 64 : index
      %parallel_loop3A_73 = tpu.vector_load %arg4[%parallel_loop3A_71, %parallel_loop3A_72] {strides = array<i32>} : memref<128x200xi32, #tpu.memory_space<vmem>>, vector<16xi32>,
      %parallel_loop3A_74 = arith.addi %parallel_loop3A_73, %parallel_loop3A_54 : vector<16xi32>
      tpu.vector_store_idx %arg6[%parallel_loop3A_74], %broadcast_in_dim3A_3 {add = true} : memref<2048xf32, #tpu.memory_space<vmem>>[vector<16xi32>], vector<16xf32>,
      %parallel_loop3A_75 = arith.index_cast %parallel_loop3A_51 : i32 to index
      %parallel_loop3A_76 = arith.constant 80 : index
      %parallel_loop3A_77 = tpu.vector_load %arg4[%parallel_loop3A_75, %parallel_loop3A_76] {strides = array<i32>} : memref<128x200xi32, #tpu.memory_space<vmem>>, vector<16xi32>,
      %parallel_loop3A_78 = arith.addi %parallel_loop3A_77, %parallel_loop3A_54 : vector<16xi32>
      tpu.vector_store_idx %arg6[%parallel_loop3A_78], %broadcast_in_dim3A_3 {add = true} : memref<2048xf32, #tpu.memory_space<vmem>>[vector<16xi32>], vector<16xf32>,
      %parallel_loop3A_79 = arith.index_cast %parallel_loop3A_51 : i32 to index
      %parallel_loop3A_80 = arith.constant 96 : index
      %parallel_loop3A_81 = tpu.vector_load %arg4[%parallel_loop3A_79, %parallel_loop3A_80] {strides = array<i32>} : memref<128x200xi32, #tpu.memory_space<vmem>>, vector<16xi32>,
      %parallel_loop3A_82 = arith.addi %parallel_loop3A_81, %parallel_loop3A_54 : vector<16xi32>
      tpu.vector_store_idx %arg6[%parallel_loop3A_82], %broadcast_in_dim3A_3 {add = true} : memref<2048xf32, #tpu.memory_space<vmem>>[vector<16xi32>], vector<16xf32>,
      %parallel_loop3A_83 = arith.index_cast %parallel_loop3A_51 : i32 to index
      %parallel_loop3A_84 = arith.constant 112 : index
      %parallel_loop3A_85 = tpu.vector_load %arg4[%parallel_loop3A_83, %parallel_loop3A_84] {strides = array<i32>} : memref<128x200xi32, #tpu.memory_space<vmem>>, vector<16xi32>,
      %parallel_loop3A_86 = arith.addi %parallel_loop3A_85, %parallel_loop3A_54 : vector<16xi32>
      tpu.vector_store_idx %arg6[%parallel_loop3A_86], %broadcast_in_dim3A_3 {add = true} : memref<2048xf32, #tpu.memory_space<vmem>>[vector<16xi32>], vector<16xf32>,
      %parallel_loop3A_87 = arith.index_cast %parallel_loop3A_51 : i32 to index
      %parallel_loop3A_88 = arith.constant 128 : index
      %parallel_loop3A_89 = tpu.vector_load %arg4[%parallel_loop3A_87, %parallel_loop3A_88] {strides = array<i32>} : memref<128x200xi32, #tpu.memory_space<vmem>>, vector<16xi32>,
      %parallel_loop3A_90 = arith.addi %parallel_loop3A_89, %parallel_loop3A_54 : vector<16xi32>
      tpu.vector_store_idx %arg6[%parallel_loop3A_90], %broadcast_in_dim3A_3 {add = true} : memref<2048xf32, #tpu.memory_space<vmem>>[vector<16xi32>], vector<16xf32>,
      %parallel_loop3A_91 = arith.index_cast %parallel_loop3A_51 : i32 to index
      %parallel_loop3A_92 = arith.constant 144 : index
      %parallel_loop3A_93 = tpu.vector_load %arg4[%parallel_loop3A_91, %parallel_loop3A_92] {strides = array<i32>} : memref<128x200xi32, #tpu.memory_space<vmem>>, vector<16xi32>,
      %parallel_loop3A_94 = arith.addi %parallel_loop3A_93, %parallel_loop3A_54 : vector<16xi32>
      tpu.vector_store_idx %arg6[%parallel_loop3A_94], %broadcast_in_dim3A_3 {add = true} : memref<2048xf32, #tpu.memory_space<vmem>>[vector<16xi32>], vector<16xf32>,
      %parallel_loop3A_95 = arith.index_cast %parallel_loop3A_51 : i32 to index
      %parallel_loop3A_96 = arith.constant 160 : index
      %parallel_loop3A_97 = tpu.vector_load %arg4[%parallel_loop3A_95, %parallel_loop3A_96] {strides = array<i32>} : memref<128x200xi32, #tpu.memory_space<vmem>>, vector<16xi32>,
      %parallel_loop3A_98 = arith.addi %parallel_loop3A_97, %parallel_loop3A_54 : vector<16xi32>
      tpu.vector_store_idx %arg6[%parallel_loop3A_98], %broadcast_in_dim3A_3 {add = true} : memref<2048xf32, #tpu.memory_space<vmem>>[vector<16xi32>], vector<16xf32>,
      %parallel_loop3A_99 = arith.index_cast %parallel_loop3A_51 : i32 to index
      %parallel_loop3A_100 = arith.constant 176 : index
      %parallel_loop3A_101 = tpu.vector_load %arg4[%parallel_loop3A_99, %parallel_loop3A_100] {strides = array<i32>} : memref<128x200xi32, #tpu.memory_space<vmem>>, vector<16xi32>,
      %parallel_loop3A_102 = arith.addi %parallel_loop3A_101, %parallel_loop3A_54 : vector<16xi32>
      tpu.vector_store_idx %arg6[%parallel_loop3A_102], %broadcast_in_dim3A_3 {add = true} : memref<2048xf32, #tpu.memory_space<vmem>>[vector<16xi32>], vector<16xf32>,
      %parallel_loop3A_103 = arith.index_cast %parallel_loop3A_51 : i32 to index
      %parallel_loop3A_104 = arith.constant 184 : index
      %parallel_loop3A_105 = tpu.vector_load %arg4[%parallel_loop3A_103, %parallel_loop3A_104] {strides = array<i32>} : memref<128x200xi32, #tpu.memory_space<vmem>>, vector<16xi32>,
      %parallel_loop3A_106 = arith.addi %parallel_loop3A_105, %parallel_loop3A_54 : vector<16xi32>
      tpu.vector_store_idx %arg6[%parallel_loop3A_106], %broadcast_in_dim3A_3 masked %ge3A_7 {add = true} : memref<2048xf32, #tpu.memory_space<vmem>>[vector<16xi32>], vector<16xf32>, vector<16xi1>
    } {sc.loop_unroll_factor = 4 : i64, sc.parallel_access}
    %add3A_25 = arith.constant 0 : i32
    %add3A_26 = arith.addi %mul3A_2, %add3A_25 : i32
    %mul3A_27 = arith.constant 16 : i32
    %mul3A_28 = arith.muli %add3A_26, %mul3A_27 : i32
    %dma_start3A_29 = tpu.memref_slice %arg3[%mul3A_28] : memref<131072xf32, #tpu.memory_space<hbm>> -> memref<2048xf32, #tpu.memory_space<hbm>>
    %dma_start3A_30 = tpu.memref_slice %arg3[%mul3A_28] : memref<131072xf32, #tpu.memory_space<hbm>> -> memref<2048xf32, #tpu.memory_space<hbm>>
    tpu.enqueue_dma source(%arg6 : memref<2048xf32, #tpu.memory_space<vmem>>) target(%dma_start3A_30 : memref<2048xf32, #tpu.memory_space<hbm>>) target_semaphore(%arg10 : memref<!tpu.dma_semaphore, #tpu.memory_space<semaphore_mem>>)
    %dma_wait3A_31 = arith.constant 0 : i32
    %dma_wait3A_32 = tpu.memref_slice %arg2[%add3A_12, %dma_wait3A_31] : memref<8192x200xi32, #tpu.memory_space<hbm>> -> memref<128x200xi32, #tpu.memory_space<hbm>>
    %dma_wait3A_33 = arith.constant 0 : i32
    %dma_wait3A_34 = tpu.memref_slice %arg2[%add3A_12, %dma_wait3A_33] : memref<8192x200xi32, #tpu.memory_space<hbm>> -> memref<128x200xi32, #tpu.memory_space<hbm>>
    tpu.wait_dma2 semaphore(%arg9 : memref<!tpu.dma_semaphore, #tpu.memory_space<semaphore_mem>>) src(%dma_wait3A_34 : memref<128x200xi32, #tpu.memory_space<hbm>>) dst(%arg5 : memref<128x200xi32, #tpu.memory_space<vmem>>)
    %parallel_loop3A_35 = arith.constant 0 : i32
    %parallel_loop3A_36 = arith.constant 2048 : i32
    %parallel_loop3A_37 = arith.constant 16 : i32
    scf.for %parallel_loop3A_51 = %parallel_loop3A_35 to %parallel_loop3A_36 step %parallel_loop3A_37  : i32 {
      %parallel_loop3A_52 = arith.index_cast %parallel_loop3A_51 : i32 to index
      %parallel_loop3A_53 = tpu.vector_load %arg7[%parallel_loop3A_52] {strides = array<i32>} : memref<2048xf32, #tpu.memory_space<vmem>>, vector<16xf32>,
      tpu.vector_store %arg7[%parallel_loop3A_52], %broadcast_in_dim3A_5 {strides = array<i32>} : memref<2048xf32, #tpu.memory_space<vmem>>, vector<16xf32>,
    } {sc.loop_unroll_factor = 8 : i64, sc.parallel_access}
    %parallel_loop3A_38 = arith.constant 0 : i32
    %parallel_loop3A_39 = arith.constant 128 : i32
    %parallel_loop3A_40 = arith.constant 1 : i32
    scf.for %parallel_loop3A_51 = %parallel_loop3A_38 to %parallel_loop3A_39 step %parallel_loop3A_40  : i32 {
      %parallel_loop3A_52 = arith.constant 16 : i32
      %parallel_loop3A_53 = arith.muli %parallel_loop3A_51, %parallel_loop3A_52 : i32
      %parallel_loop3A_54 = vector.broadcast %parallel_loop3A_53 : i32 to vector<16xi32>
      %parallel_loop3A_55 = arith.index_cast %parallel_loop3A_51 : i32 to index
      %parallel_loop3A_56 = arith.constant 0 : index
      %parallel_loop3A_57 = tpu.vector_load %arg5[%parallel_loop3A_55, %parallel_loop3A_56] {strides = array<i32>} : memref<128x200xi32, #tpu.memory_space<vmem>>, vector<16xi32>,
      %parallel_loop3A_58 = arith.addi %parallel_loop3A_57, %parallel_loop3A_54 : vector<16xi32>
      tpu.vector_store_idx %arg7[%parallel_loop3A_58], %broadcast_in_dim3A_3 {add = true} : memref<2048xf32, #tpu.memory_space<vmem>>[vector<16xi32>], vector<16xf32>,
      %parallel_loop3A_59 = arith.index_cast %parallel_loop3A_51 : i32 to index
      %parallel_loop3A_60 = arith.constant 16 : index
      %parallel_loop3A_61 = tpu.vector_load %arg5[%parallel_loop3A_59, %parallel_loop3A_60] {strides = array<i32>} : memref<128x200xi32, #tpu.memory_space<vmem>>, vector<16xi32>,
      %parallel_loop3A_62 = arith.addi %parallel_loop3A_61, %parallel_loop3A_54 : vector<16xi32>
      tpu.vector_store_idx %arg7[%parallel_loop3A_62], %broadcast_in_dim3A_3 {add = true} : memref<2048xf32, #tpu.memory_space<vmem>>[vector<16xi32>], vector<16xf32>,
      %parallel_loop3A_63 = arith.index_cast %parallel_loop3A_51 : i32 to index
      %parallel_loop3A_64 = arith.constant 32 : index
      %parallel_loop3A_65 = tpu.vector_load %arg5[%parallel_loop3A_63, %parallel_loop3A_64] {strides = array<i32>} : memref<128x200xi32, #tpu.memory_space<vmem>>, vector<16xi32>,
      %parallel_loop3A_66 = arith.addi %parallel_loop3A_65, %parallel_loop3A_54 : vector<16xi32>
      tpu.vector_store_idx %arg7[%parallel_loop3A_66], %broadcast_in_dim3A_3 {add = true} : memref<2048xf32, #tpu.memory_space<vmem>>[vector<16xi32>], vector<16xf32>,
      %parallel_loop3A_67 = arith.index_cast %parallel_loop3A_51 : i32 to index
      %parallel_loop3A_68 = arith.constant 48 : index
      %parallel_loop3A_69 = tpu.vector_load %arg5[%parallel_loop3A_67, %parallel_loop3A_68] {strides = array<i32>} : memref<128x200xi32, #tpu.memory_space<vmem>>, vector<16xi32>,
      %parallel_loop3A_70 = arith.addi %parallel_loop3A_69, %parallel_loop3A_54 : vector<16xi32>
      tpu.vector_store_idx %arg7[%parallel_loop3A_70], %broadcast_in_dim3A_3 {add = true} : memref<2048xf32, #tpu.memory_space<vmem>>[vector<16xi32>], vector<16xf32>,
      %parallel_loop3A_71 = arith.index_cast %parallel_loop3A_51 : i32 to index
      %parallel_loop3A_72 = arith.constant 64 : index
      %parallel_loop3A_73 = tpu.vector_load %arg5[%parallel_loop3A_71, %parallel_loop3A_72] {strides = array<i32>} : memref<128x200xi32, #tpu.memory_space<vmem>>, vector<16xi32>,
      %parallel_loop3A_74 = arith.addi %parallel_loop3A_73, %parallel_loop3A_54 : vector<16xi32>
      tpu.vector_store_idx %arg7[%parallel_loop3A_74], %broadcast_in_dim3A_3 {add = true} : memref<2048xf32, #tpu.memory_space<vmem>>[vector<16xi32>], vector<16xf32>,
      %parallel_loop3A_75 = arith.index_cast %parallel_loop3A_51 : i32 to index
      %parallel_loop3A_76 = arith.constant 80 : index
      %parallel_loop3A_77 = tpu.vector_load %arg5[%parallel_loop3A_75, %parallel_loop3A_76] {strides = array<i32>} : memref<128x200xi32, #tpu.memory_space<vmem>>, vector<16xi32>,
      %parallel_loop3A_78 = arith.addi %parallel_loop3A_77, %parallel_loop3A_54 : vector<16xi32>
      tpu.vector_store_idx %arg7[%parallel_loop3A_78], %broadcast_in_dim3A_3 {add = true} : memref<2048xf32, #tpu.memory_space<vmem>>[vector<16xi32>], vector<16xf32>,
      %parallel_loop3A_79 = arith.index_cast %parallel_loop3A_51 : i32 to index
      %parallel_loop3A_80 = arith.constant 96 : index
      %parallel_loop3A_81 = tpu.vector_load %arg5[%parallel_loop3A_79, %parallel_loop3A_80] {strides = array<i32>} : memref<128x200xi32, #tpu.memory_space<vmem>>, vector<16xi32>,
      %parallel_loop3A_82 = arith.addi %parallel_loop3A_81, %parallel_loop3A_54 : vector<16xi32>
      tpu.vector_store_idx %arg7[%parallel_loop3A_82], %broadcast_in_dim3A_3 {add = true} : memref<2048xf32, #tpu.memory_space<vmem>>[vector<16xi32>], vector<16xf32>,
      %parallel_loop3A_83 = arith.index_cast %parallel_loop3A_51 : i32 to index
      %parallel_loop3A_84 = arith.constant 112 : index
      %parallel_loop3A_85 = tpu.vector_load %arg5[%parallel_loop3A_83, %parallel_loop3A_84] {strides = array<i32>} : memref<128x200xi32, #tpu.memory_space<vmem>>, vector<16xi32>,
      %parallel_loop3A_86 = arith.addi %parallel_loop3A_85, %parallel_loop3A_54 : vector<16xi32>
      tpu.vector_store_idx %arg7[%parallel_loop3A_86], %broadcast_in_dim3A_3 {add = true} : memref<2048xf32, #tpu.memory_space<vmem>>[vector<16xi32>], vector<16xf32>,
      %parallel_loop3A_87 = arith.index_cast %parallel_loop3A_51 : i32 to index
      %parallel_loop3A_88 = arith.constant 128 : index
      %parallel_loop3A_89 = tpu.vector_load %arg5[%parallel_loop3A_87, %parallel_loop3A_88] {strides = array<i32>} : memref<128x200xi32, #tpu.memory_space<vmem>>, vector<16xi32>,
      %parallel_loop3A_90 = arith.addi %parallel_loop3A_89, %parallel_loop3A_54 : vector<16xi32>
      tpu.vector_store_idx %arg7[%parallel_loop3A_90], %broadcast_in_dim3A_3 {add = true} : memref<2048xf32, #tpu.memory_space<vmem>>[vector<16xi32>], vector<16xf32>,
      %parallel_loop3A_91 = arith.index_cast %parallel_loop3A_51 : i32 to index
      %parallel_loop3A_92 = arith.constant 144 : index
      %parallel_loop3A_93 = tpu.vector_load %arg5[%parallel_loop3A_91, %parallel_loop3A_92] {strides = array<i32>} : memref<128x200xi32, #tpu.memory_space<vmem>>, vector<16xi32>,
      %parallel_loop3A_94 = arith.addi %parallel_loop3A_93, %parallel_loop3A_54 : vector<16xi32>
      tpu.vector_store_idx %arg7[%parallel_loop3A_94], %broadcast_in_dim3A_3 {add = true} : memref<2048xf32, #tpu.memory_space<vmem>>[vector<16xi32>], vector<16xf32>,
      %parallel_loop3A_95 = arith.index_cast %parallel_loop3A_51 : i32 to index
      %parallel_loop3A_96 = arith.constant 160 : index
      %parallel_loop3A_97 = tpu.vector_load %arg5[%parallel_loop3A_95, %parallel_loop3A_96] {strides = array<i32>} : memref<128x200xi32, #tpu.memory_space<vmem>>, vector<16xi32>,
      %parallel_loop3A_98 = arith.addi %parallel_loop3A_97, %parallel_loop3A_54 : vector<16xi32>
      tpu.vector_store_idx %arg7[%parallel_loop3A_98], %broadcast_in_dim3A_3 {add = true} : memref<2048xf32, #tpu.memory_space<vmem>>[vector<16xi32>], vector<16xf32>,
      %parallel_loop3A_99 = arith.index_cast %parallel_loop3A_51 : i32 to index
      %parallel_loop3A_100 = arith.constant 176 : index
      %parallel_loop3A_101 = tpu.vector_load %arg5[%parallel_loop3A_99, %parallel_loop3A_100] {strides = array<i32>} : memref<128x200xi32, #tpu.memory_space<vmem>>, vector<16xi32>,
      %parallel_loop3A_102 = arith.addi %parallel_loop3A_101, %parallel_loop3A_54 : vector<16xi32>
      tpu.vector_store_idx %arg7[%parallel_loop3A_102], %broadcast_in_dim3A_3 {add = true} : memref<2048xf32, #tpu.memory_space<vmem>>[vector<16xi32>], vector<16xf32>,
      %parallel_loop3A_103 = arith.index_cast %parallel_loop3A_51 : i32 to index
      %parallel_loop3A_104 = arith.constant 184 : index
      %parallel_loop3A_105 = tpu.vector_load %arg5[%parallel_loop3A_103, %parallel_loop3A_104] {strides = array<i32>} : memref<128x200xi32, #tpu.memory_space<vmem>>, vector<16xi32>,
      %parallel_loop3A_106 = arith.addi %parallel_loop3A_105, %parallel_loop3A_54 : vector<16xi32>
      tpu.vector_store_idx %arg7[%parallel_loop3A_106], %broadcast_in_dim3A_3 masked %ge3A_7 {add = true} : memref<2048xf32, #tpu.memory_space<vmem>>[vector<16xi32>], vector<16xf32>, vector<16xi1>
    } {sc.loop_unroll_factor = 4 : i64, sc.parallel_access}
    %add3A_41 = arith.constant 128 : i32
    %add3A_42 = arith.addi %mul3A_2, %add3A_41 : i32
    %mul3A_43 = arith.constant 16 : i32
    %mul3A_44 = arith.muli %add3A_42, %mul3A_43 : i32
    %dma_start3A_45 = tpu.memref_slice %arg3[%mul3A_44] : memref<131072xf32, #tpu.memory_space<hbm>> -> memref<2048xf32, #tpu.memory_space<hbm>>
    %dma_start3A_46 = tpu.memref_slice %arg3[%mul3A_44] : memref<131072xf32, #tpu.memory_space<hbm>> -> memref<2048xf32, #tpu.memory_space<hbm>>
    tpu.enqueue_dma source(%arg7 : memref<2048xf32, #tpu.memory_space<vmem>>) target(%dma_start3A_46 : memref<2048xf32, #tpu.memory_space<hbm>>) target_semaphore(%arg11 : memref<!tpu.dma_semaphore, #tpu.memory_space<semaphore_mem>>)
    %dma_wait3A_47 = tpu.memref_slice %arg3[%mul3A_28] : memref<131072xf32, #tpu.memory_space<hbm>> -> memref<2048xf32, #tpu.memory_space<hbm>>
    %dma_wait3A_48 = tpu.memref_slice %arg3[%mul3A_28] : memref<131072xf32, #tpu.memory_space<hbm>> -> memref<2048xf32, #tpu.memory_space<hbm>>
    tpu.wait_dma2 semaphore(%arg10 : memref<!tpu.dma_semaphore, #tpu.memory_space<semaphore_mem>>) src(%arg6 : memref<2048xf32, #tpu.memory_space<vmem>>) dst(%dma_wait3A_48 : memref<2048xf32, #tpu.memory_space<hbm>>)
    %dma_wait3A_49 = tpu.memref_slice %arg3[%mul3A_44] : memref<131072xf32, #tpu.memory_space<hbm>> -> memref<2048xf32, #tpu.memory_space<hbm>>
    %dma_wait3A_50 = tpu.memref_slice %arg3[%mul3A_44] : memref<131072xf32, #tpu.memory_space<hbm>> -> memref<2048xf32, #tpu.memory_space<hbm>>
    tpu.wait_dma2 semaphore(%arg11 : memref<!tpu.dma_semaphore, #tpu.memory_space<semaphore_mem>>) src(%arg7 : memref<2048xf32, #tpu.memory_space<vmem>>) dst(%dma_wait3A_50 : memref<2048xf32, #tpu.memory_space<hbm>>)
    return
  }
}

module attributes {stable_mosaic.version = 14 : i64} {
  func.func @_mlp_kernel(%arg0: i32, %arg1: memref<65536xf32, #tpu.memory_space<vmem>>, %arg2: memref<13x32xf32, #tpu.memory_space<vmem>>, %arg3: memref<16x32xf32, #tpu.memory_space<vmem>>, %arg4: memref<1x16xf32, #tpu.memory_space<vmem>>, %arg5: memref<4x16xf32, #tpu.memory_space<vmem>>, %arg6: memref<1x4xf32, #tpu.memory_space<vmem>>, %arg7: memref<512x128xf32, #tpu.memory_space<vmem>>) attributes {dimension_semantics = [#tpu.dimension_semantics<arbitrary>], iteration_bounds = array<i64: 2>, scalar_prefetch = 0 : i64, scratch_operands = 0 : i64, tpu.core_type = #tpu.core_type<tc>, window_params = [{transform_indices = @transform_0, window_bounds = array<i64: 65536>}, {pipeline_mode = #tpu.pipeline_mode<synchronous>, transform_indices = @transform_1, window_bounds = array<i64: 13, 32>}, {pipeline_mode = #tpu.pipeline_mode<synchronous>, transform_indices = @transform_2, window_bounds = array<i64: 16, 32>}, {pipeline_mode = #tpu.pipeline_mode<synchronous>, transform_indices = @transform_3, window_bounds = array<i64: 1, 16>}, {pipeline_mode = #tpu.pipeline_mode<synchronous>, transform_indices = @transform_4, window_bounds = array<i64: 4, 16>}, {pipeline_mode = #tpu.pipeline_mode<synchronous>, transform_indices = @transform_5, window_bounds = array<i64: 1, 4>}, {transform_indices = @transform_6, window_bounds = array<i64: 512, 128>}]} {
    %get3A = arith.constant 0 : index
    %get3A_0 = arith.constant 0 : index
    %get3A_1 = vector.load %arg2[%get3A, %get3A_0] : memref<13x32xf32, #tpu.memory_space<vmem>>, vector<13x32xf32>
    %get3A_2 = arith.constant 0 : index
    %get3A_3 = arith.constant 0 : index
    %get3A_4 = vector.load %arg3[%get3A_2, %get3A_3] : memref<16x32xf32, #tpu.memory_space<vmem>>, vector<16x32xf32>
    %transpose3A = tpu.transpose %get3A_4, [1, 0] : vector<16x32xf32> -> vector<32x16xf32>
    %dot_general3A = arith.constant dense<0.000000e+00> : vector<13x16xf32>
    %dot_general3A_5 = tpu.matmul %get3A_1, %transpose3A, %dot_general3A {dimension_numbers = #tpu.dot_dimension_numbers<[1], [0], [0], [1], [0, 0, 1, 1], [], []>, transpose_lhs_hint = false} : vector<13x32xf32>, vector<32x16xf32>, vector<13x16xf32> -> vector<13x16xf32>
    %mul3A = arith.constant 5.000000e-03 : f32
    %mul3A_6 = vector.broadcast %mul3A : f32 to vector<13x16xf32>
    %mul3A_7 = arith.mulf %dot_general3A_5, %mul3A_6 : vector<13x16xf32>
    %broadcast_in_dim3A = arith.constant 0.000000e+00 : f32
    %broadcast_in_dim3A_8 = vector.broadcast %broadcast_in_dim3A : f32 to vector<3x16xf32>
    %concatenate3A = tpu.concatenate %mul3A_7, %broadcast_in_dim3A_8 in 0 : vector<13x16xf32>, vector<3x16xf32> -> vector<16x16xf32>
    %iota3A = tpu.iota {dimensions = array<i32: 0>} : vector<128x128xi32>
    %jit3A = arith.constant 16 : i32
    %div3A = vector.broadcast %jit3A : i32 to vector<128x128xi32>
    %div3A_9 = arith.divsi %iota3A, %div3A : vector<128x128xi32>
    %sign3A = arith.constant 0 : i32
    %sign3A_10 = vector.broadcast %sign3A : i32 to vector<128x128xi32>
    %sign3A_11 = arith.cmpi sgt, %iota3A, %sign3A_10 : vector<128x128xi32>
    %sign3A_12 = arith.extui %sign3A_11 : vector<128x128xi1> to vector<128x128xi32>
    %sign3A_13 = arith.constant 0 : i32
    %sign3A_14 = vector.broadcast %sign3A_13 : i32 to vector<128x128xi32>
    %sign3A_15 = arith.cmpi slt, %iota3A, %sign3A_14 : vector<128x128xi32>
    %sign3A_16 = arith.extui %sign3A_15 : vector<128x128xi1> to vector<128x128xi32>
    %sign3A_17 = arith.subi %sign3A_12, %sign3A_16 : vector<128x128xi32>
    %sign3A_18 = arith.constant 0 : i32
    %sign3A_19 = arith.cmpi sgt, %jit3A, %sign3A_18 : i32
    %sign3A_20 = arith.extui %sign3A_19 : i1 to i32
    %sign3A_21 = arith.constant 0 : i32
    %sign3A_22 = arith.cmpi slt, %jit3A, %sign3A_21 : i32
    %sign3A_23 = arith.extui %sign3A_22 : i1 to i32
    %sign3A_24 = arith.subi %sign3A_20, %sign3A_23 : i32
    %ne3A = vector.broadcast %sign3A_24 : i32 to vector<128x128xi32>
    %ne3A_25 = arith.cmpi ne, %sign3A_17, %ne3A : vector<128x128xi32>
    %rem3A = vector.broadcast %jit3A : i32 to vector<128x128xi32>
    %rem3A_26 = arith.remsi %iota3A, %rem3A : vector<128x128xi32>
    %ne3A_27 = arith.constant 0 : i32
    %ne3A_28 = vector.broadcast %ne3A_27 : i32 to vector<128x128xi32>
    %ne3A_29 = arith.cmpi ne, %rem3A_26, %ne3A_28 : vector<128x128xi32>
    %and3A = arith.andi %ne3A_25, %ne3A_29 : vector<128x128xi1>
    %sub3A = arith.constant 1 : i32
    %sub3A_30 = vector.broadcast %sub3A : i32 to vector<128x128xi32>
    %sub3A_31 = arith.subi %div3A_9, %sub3A_30 : vector<128x128xi32>
    %select_n3A = arith.select %and3A, %sub3A_31, %div3A_9 : vector<128x128xi1>, vector<128x128xi32>
    %iota3A_32 = tpu.iota {dimensions = array<i32: 1>} : vector<128x128xi32>
    %jit3A_33 = arith.constant 16 : i32
    %div3A_34 = vector.broadcast %jit3A_33 : i32 to vector<128x128xi32>
    %div3A_35 = arith.divsi %iota3A_32, %div3A_34 : vector<128x128xi32>
    %sign3A_36 = arith.constant 0 : i32
    %sign3A_37 = vector.broadcast %sign3A_36 : i32 to vector<128x128xi32>
    %sign3A_38 = arith.cmpi sgt, %iota3A_32, %sign3A_37 : vector<128x128xi32>
    %sign3A_39 = arith.extui %sign3A_38 : vector<128x128xi1> to vector<128x128xi32>
    %sign3A_40 = arith.constant 0 : i32
    %sign3A_41 = vector.broadcast %sign3A_40 : i32 to vector<128x128xi32>
    %sign3A_42 = arith.cmpi slt, %iota3A_32, %sign3A_41 : vector<128x128xi32>
    %sign3A_43 = arith.extui %sign3A_42 : vector<128x128xi1> to vector<128x128xi32>
    %sign3A_44 = arith.subi %sign3A_39, %sign3A_43 : vector<128x128xi32>
    %sign3A_45 = arith.constant 0 : i32
    %sign3A_46 = arith.cmpi sgt, %jit3A_33, %sign3A_45 : i32
    %sign3A_47 = arith.extui %sign3A_46 : i1 to i32
    %sign3A_48 = arith.constant 0 : i32
    %sign3A_49 = arith.cmpi slt, %jit3A_33, %sign3A_48 : i32
    %sign3A_50 = arith.extui %sign3A_49 : i1 to i32
    %sign3A_51 = arith.subi %sign3A_47, %sign3A_50 : i32
    %ne3A_52 = vector.broadcast %sign3A_51 : i32 to vector<128x128xi32>
    %ne3A_53 = arith.cmpi ne, %sign3A_44, %ne3A_52 : vector<128x128xi32>
    %rem3A_54 = vector.broadcast %jit3A_33 : i32 to vector<128x128xi32>
    %rem3A_55 = arith.remsi %iota3A_32, %rem3A_54 : vector<128x128xi32>
    %ne3A_56 = arith.constant 0 : i32
    %ne3A_57 = vector.broadcast %ne3A_56 : i32 to vector<128x128xi32>
    %ne3A_58 = arith.cmpi ne, %rem3A_55, %ne3A_57 : vector<128x128xi32>
    %and3A_59 = arith.andi %ne3A_53, %ne3A_58 : vector<128x128xi1>
    %sub3A_60 = arith.constant 1 : i32
    %sub3A_61 = vector.broadcast %sub3A_60 : i32 to vector<128x128xi32>
    %sub3A_62 = arith.subi %div3A_35, %sub3A_61 : vector<128x128xi32>
    %select_n3A_63 = arith.select %and3A_59, %sub3A_62, %div3A_35 : vector<128x128xi1>, vector<128x128xi32>
    %eq3A = arith.cmpi eq, %select_n3A, %select_n3A_63 : vector<128x128xi32>
    %convert_element_type3A = arith.extui %eq3A : vector<128x128xi1> to vector<128x128xi32>
    %convert_element_type3A_64 = arith.sitofp %convert_element_type3A : vector<128x128xi32> to vector<128x128xf32>
    %tile3A = tpu.concatenate %concatenate3A, %concatenate3A, %concatenate3A, %concatenate3A, %concatenate3A, %concatenate3A, %concatenate3A, %concatenate3A in 0 : vector<16x16xf32>, vector<16x16xf32>, vector<16x16xf32>, vector<16x16xf32>, vector<16x16xf32>, vector<16x16xf32>, vector<16x16xf32>, vector<16x16xf32> -> vector<128x16xf32>
    %tile3A_65 = tpu.concatenate %tile3A, %tile3A, %tile3A, %tile3A, %tile3A, %tile3A, %tile3A, %tile3A in 1 : vector<128x16xf32>, vector<128x16xf32>, vector<128x16xf32>, vector<128x16xf32>, vector<128x16xf32>, vector<128x16xf32>, vector<128x16xf32>, vector<128x16xf32> -> vector<128x128xf32>
    %mul3A_66 = arith.mulf %tile3A_65, %convert_element_type3A_64 : vector<128x128xf32>
    %get3A_67 = arith.constant 0 : index
    %get3A_68 = arith.constant 0 : index
    %get3A_69 = vector.load %arg5[%get3A_67, %get3A_68] : memref<4x16xf32, #tpu.memory_space<vmem>>, vector<4x16xf32>
    %transpose3A_70 = tpu.transpose %get3A_69, [1, 0] : vector<4x16xf32> -> vector<16x4xf32>
    %broadcast_in_dim3A_71 = arith.constant 0.000000e+00 : f32
    %broadcast_in_dim3A_72 = vector.broadcast %broadcast_in_dim3A_71 : f32 to vector<16x12xf32>
    %concatenate3A_73 = tpu.concatenate %transpose3A_70, %broadcast_in_dim3A_72 in 1 : vector<16x4xf32>, vector<16x12xf32> -> vector<16x16xf32>
    %tile3A_74 = tpu.concatenate %concatenate3A_73, %concatenate3A_73, %concatenate3A_73, %concatenate3A_73, %concatenate3A_73, %concatenate3A_73, %concatenate3A_73, %concatenate3A_73 in 0 : vector<16x16xf32>, vector<16x16xf32>, vector<16x16xf32>, vector<16x16xf32>, vector<16x16xf32>, vector<16x16xf32>, vector<16x16xf32>, vector<16x16xf32> -> vector<128x16xf32>
    %tile3A_75 = tpu.concatenate %tile3A_74, %tile3A_74, %tile3A_74, %tile3A_74, %tile3A_74, %tile3A_74, %tile3A_74, %tile3A_74 in 1 : vector<128x16xf32>, vector<128x16xf32>, vector<128x16xf32>, vector<128x16xf32>, vector<128x16xf32>, vector<128x16xf32>, vector<128x16xf32>, vector<128x16xf32> -> vector<128x128xf32>
    %mul3A_76 = arith.mulf %tile3A_75, %convert_element_type3A_64 : vector<128x128xf32>
    %get3A_77 = arith.constant 0 : index
    %get3A_78 = arith.constant 0 : index
    %get3A_79 = vector.load %arg4[%get3A_77, %get3A_78] : memref<1x16xf32, #tpu.memory_space<vmem>>, vector<1x16xf32>
    %get3A_80 = vector.shape_cast %get3A_79 : vector<1x16xf32> to vector<16xf32>
    %tile3A_81 = tpu.concatenate %get3A_80, %get3A_80, %get3A_80, %get3A_80, %get3A_80, %get3A_80, %get3A_80, %get3A_80 in 0 : vector<16xf32>, vector<16xf32>, vector<16xf32>, vector<16xf32>, vector<16xf32>, vector<16xf32>, vector<16xf32>, vector<16xf32> -> vector<128xf32>
    %get3A_82 = arith.constant 0 : index
    %get3A_83 = arith.constant 0 : index
    %get3A_84 = vector.load %arg6[%get3A_82, %get3A_83] : memref<1x4xf32, #tpu.memory_space<vmem>>, vector<1x4xf32>
    %get3A_85 = vector.shape_cast %get3A_84 : vector<1x4xf32> to vector<4xf32>
    %broadcast_in_dim3A_86 = arith.constant 0.000000e+00 : f32
    %broadcast_in_dim3A_87 = vector.broadcast %broadcast_in_dim3A_86 : f32 to vector<12xf32>
    %concatenate3A_88 = tpu.concatenate %get3A_85, %broadcast_in_dim3A_87 in 0 : vector<4xf32>, vector<12xf32> -> vector<16xf32>
    %tile3A_89 = tpu.concatenate %concatenate3A_88, %concatenate3A_88, %concatenate3A_88, %concatenate3A_88, %concatenate3A_88, %concatenate3A_88, %concatenate3A_88, %concatenate3A_88 in 0 : vector<16xf32>, vector<16xf32>, vector<16xf32>, vector<16xf32>, vector<16xf32>, vector<16xf32>, vector<16xf32>, vector<16xf32> -> vector<128xf32>
    %get3A_90 = arith.constant 0 : index
    %get3A_91 = vector.load %arg1[%get3A_90] : memref<65536xf32, #tpu.memory_space<vmem>>, vector<65536xf32>
    %reshape3A = vector.shape_cast %get3A_91 : vector<65536xf32> to vector<512x128xf32>
    %dot_general3A_92 = arith.constant dense<0.000000e+00> : vector<512x128xf32>
    %dot_general3A_93 = tpu.matmul %reshape3A, %mul3A_66, %dot_general3A_92 {dimension_numbers = #tpu.dot_dimension_numbers<[1], [0], [0], [1], [0, 0, 1, 1], [], []>, transpose_lhs_hint = false} : vector<512x128xf32>, vector<128x128xf32>, vector<512x128xf32> -> vector<512x128xf32>
    %broadcast_in_dim3A_94 = vector.shape_cast %tile3A_81 : vector<128xf32> to vector<1x128xf32>
    %add3A = vector.broadcast %broadcast_in_dim3A_94 : vector<1x128xf32> to vector<512x128xf32>
    %add3A_95 = arith.addf %dot_general3A_93, %add3A : vector<512x128xf32>
    %max3A = arith.constant 0.000000e+00 : f32
    %max3A_96 = vector.broadcast %max3A : f32 to vector<512x128xf32>
    %max3A_97 = arith.maximumf %add3A_95, %max3A_96 : vector<512x128xf32>
    %dot_general3A_98 = arith.constant dense<0.000000e+00> : vector<512x128xf32>
    %dot_general3A_99 = tpu.matmul %max3A_97, %mul3A_76, %dot_general3A_98 {dimension_numbers = #tpu.dot_dimension_numbers<[1], [0], [0], [1], [0, 0, 1, 1], [], []>, transpose_lhs_hint = false} : vector<512x128xf32>, vector<128x128xf32>, vector<512x128xf32> -> vector<512x128xf32>
    %broadcast_in_dim3A_100 = vector.shape_cast %tile3A_89 : vector<128xf32> to vector<1x128xf32>
    %add3A_101 = vector.broadcast %broadcast_in_dim3A_100 : vector<1x128xf32> to vector<512x128xf32>
    %add3A_102 = arith.addf %dot_general3A_99, %add3A_101 : vector<512x128xf32>
    %swap3A = arith.constant 0 : index
    %swap3A_103 = arith.constant 0 : index
    %swap3A_104 = vector.load %arg7[%swap3A, %swap3A_103] : memref<512x128xf32, #tpu.memory_space<vmem>>, vector<512x128xf32>
    tpu.vector_store %arg7[%swap3A, %swap3A_103], %add3A_102 {strides = array<i32>} : memref<512x128xf32, #tpu.memory_space<vmem>>, vector<512x128xf32>,
    return
  }
  func.func @transform_0(%arg0: i32) -> i32 {
    %c0_i32 = arith.constant 0 : i32
    return %arg0 : i32
  }
  func.func @transform_1(%arg0: i32) -> (i32, i32) {
    %c0_i32 = arith.constant 0 : i32
    %c0_i32_0 = arith.constant 0 : i32
    %c0_i32_1 = arith.constant 0 : i32
    return %c0_i32, %c0_i32_0 : i32, i32
  }
  func.func @transform_2(%arg0: i32) -> (i32, i32) {
    %c0_i32 = arith.constant 0 : i32
    %c0_i32_0 = arith.constant 0 : i32
    %c0_i32_1 = arith.constant 0 : i32
    return %c0_i32, %c0_i32_0 : i32, i32
  }
  func.func @transform_3(%arg0: i32) -> (i32, i32) {
    %c0_i32 = arith.constant 0 : i32
    %c0_i32_0 = arith.constant 0 : i32
    %c0_i32_1 = arith.constant 0 : i32
    return %c0_i32, %c0_i32_0 : i32, i32
  }
  func.func @transform_4(%arg0: i32) -> (i32, i32) {
    %c0_i32 = arith.constant 0 : i32
    %c0_i32_0 = arith.constant 0 : i32
    %c0_i32_1 = arith.constant 0 : i32
    return %c0_i32, %c0_i32_0 : i32, i32
  }
  func.func @transform_5(%arg0: i32) -> (i32, i32) {
    %c0_i32 = arith.constant 0 : i32
    %c0_i32_0 = arith.constant 0 : i32
    %c0_i32_1 = arith.constant 0 : i32
    return %c0_i32, %c0_i32_0 : i32, i32
  }
  func.func @transform_6(%arg0: i32) -> (i32, i32) {
    %c0_i32 = arith.constant 0 : i32
    %c0_i32_0 = arith.constant 0 : i32
    return %arg0, %c0_i32 : i32, i32
  }
}

</mosaic_0001>

<sc_bundles>
// kernel: kernel.6.cloned.1.call-start
scs
__scs_entry_jumppad:
0x0: {  	(pc) =	sbr.rel $0x88, $3  }
0x1: {  	(tag) =	ssettag $0x0;
	lr =	simm.s32 $0x1  }
0x2: {  	[smem:$0x3F9B] =	sst lr;
	_ =	strace $0xD0000000  }
0x3: {  	_ = 	snop  }
0x4: {  	_ = 	snop  }
0x5: {  	_ = 	snop  }
0x6: {  	_ = 	snop  }
0x7: {  	_ = 	snop  }
__scs_overlays_trampoline_lowered:
0x8: {  	[smem:$0x3FAA] =	sst s0  }
0x9: {  	[smem:$0x3FAB] =	sst s1  }
0xa: {  	[smem:$0x3FAC] =	sst s2  }
0xb: {  	[smem:$0x3FAD] =	sst s3  }
0xc: {  	[smem:$0x3FAE] =	sst s4  }
0xd: {  	[smem:$0x3FAF] =	sst s5  }
0xe: {  	[smem:$0x3FB0] =	sst s6  }
0xf: {  	[smem:$0x3FB1] =	sst s7  }
0x10: {  	[smem:$0x3FB2] =	sst s8  }
0x11: {  	[smem:$0x3FB3] =	sst s9;
	s0 =	simm.s32 @!p0 $0x0  }
0x12: {  	s1 =	sld [smem:$0x3F99];
	s0 =	simm.s32 @p0 $0x1  }
0x13: {  	[smem:$0x3FB4] =	sst s0;
	s0 =	simm.s32 @!p1 $0x0  }
0x14: {  	s2 =	sld [smem:$0x3F98];
	s0 =	simm.s32 @p1 $0x1  }
0x15: {  	[smem:$0x3FB5] =	sst s0;
	s0 =	simm.s32 @!p2 $0x0  }
0x16: {  	s3 =	sld [smem:$0x3FDB];
	s0 =	simm.s32 @p2 $0x1  }
0x17: {  	s4 =	simm.s32 $0x1BF5;
	[smem:$0x3FB7] =	sst s0  }
0x18: {  	s0 =	sld [smem:$0x3F9A];
	_ =	swait.ge [sflag:s4], $0x0  }
0x19: {  	s7 =	sld [smem:$0x3F9B]  }
0x1a: {  	s8 =	sadd.s32 $0xFFFFE003, lr  }
0x1b: {  	s9 =	sadd.s32 $0xFFFFFEF7, lr;
	s5 =	simm.s32 $0xFFFFFFFF;
	p2 =	slt.u32 s8, $0xFFFFF086  }
0x1c: {  	p1 =	slt.u32 s9, $0xF7A;
	s5 =	simm.s32 @!p2 $0x0  }
0x1d: {  	s5 =	simm.s32 @p1 $0x1;
	p0 =	seq.s32 s7, s2  }
0x1e: {  	s7 =	smul.u32 @!p0 $0xF7A, s2;
	p2 =	seq.s32 @!p0 s5, $0x0  }
0x1f: {  	s9 =	smul.u32 $0xF7A, s1;
	s8 =	simm.s32 @!p0 $0x1BF5;
	p2 =	por !p2, p0  }
0x20: {  	[sflag:s8] =	ssyncset.s32 @!p0 $0xFFFFF086;
	s6 =	sadd.s32 @!p0 s3, s7;
	s7 =	simm.s32 @!p0 $0x108  }
0x21: {  	s3 =	sadd.s32 s3, s9;
	s6 =	sadd.s32 @!p0 $0x88, s6;
	s7 =	simm.s32 @p2 $0x1082  }
0x22: {  	[simem:s7], [sflag:s8] =	dma.local @!p0 [hbm:s6], $0xF7A  }
0x23: {  	s9 =	sor.u32 $0xD0000000, s2;
	s6 =	simm.s32 $0x108;
	_ =	swait.ge @!p0 [sflag:s8], $0x0  }
0x24: {  	s3 =	sadd.s32 $0x88, s3;
	s6 =	simm.s32 @!p1 $0x1082;
	[sflag:s4] =	ssyncset.s32 $0xFFFFF086  }
0x25: {  	[simem:s6], [sflag:s4] =	dma.local [hbm:s3], $0xF7A  }
0x26: {  	[smem:$0x3F9B] =	sst s1;
	(tag) =	ssettag s2;
	_ =	strace s9  }
0x27: {  	s1 =	sld [smem:$0x3FAB]  }
0x28: {  	s2 =	sld [smem:$0x3FAC]  }
0x29: {  	s4 =	sld [smem:$0x3FAE]  }
0x2a: {  	p0 =	seq.s32 s5, $0x0;
	s5 =	sld [smem:$0x3FAF]  }
0x2b: {  	s6 =	sld [smem:$0x3FB0]  }
0x2c: {  	s7 =	sld [smem:$0x3FB1]  }
0x2d: {  	s3 =	simm.s32 $0x108;
	s8 =	sld [smem:$0x3FB2]  }
0x2e: {  	s3 =	simm.s32 @!p0 $0x1082;
	s9 =	sld [smem:$0x3FB3]  }
0x2f: {  	lr =	sadd.s32 s0, s3;
	s0 =	sld [smem:$0x3FAA]  }
0x30: {  	s3 =	sld [smem:$0x3FAD]  }
0x31: {  	[smem:$0x3FB6] =	sst s10  }
0x32: {  	s10 =	sld [smem:$0x3FB4];
	_ =	sdelay $0x3  }
0x33: {  	p0 =	seq.s32 s10, $0x1;
	s10 =	sld [smem:$0x3FB6];
	_ =	sdelay $0x3  }
0x34: {  	[smem:$0x3FB6] =	sst s10  }
0x35: {  	s10 =	sld [smem:$0x3FB5];
	_ =	sdelay $0x3  }
0x36: {  	p1 =	seq.s32 s10, $0x1;
	s10 =	sld [smem:$0x3FB6];
	_ =	sdelay $0x3  }
0x37: {  	[smem:$0x3FB6] =	sst s10  }
0x38: {  	s10 =	sld [smem:$0x3FB7]  }
0x39: {  	_ = 	snop;
	(pc) =	sbr.ind lr, $3  }
0x3a: {  	_ = 	snop  }
0x3b: {  	_ = 	snop  }
0x3c: {  	p2 =	seq.s32 s10, $0x1;
	s10 =	sld [smem:$0x3FB6]  }
0x3d: {  	_ =	shalt  }
0x3e: {  	_ =	shalt  }
0x3f: {  	_ =	shalt  }
0x40: {  	_ =	shalt  }
0x41: {  	_ =	shalt  }
0x42: {  	_ =	shalt  }
0x43: {  	_ =	shalt  }
0x44: {  	_ =	shalt  }
0x45: {  	_ =	shalt  }
0x46: {  	_ =	shalt  }
0x47: {  	_ =	shalt  }
0x48: {  	_ =	shalt  }
0x49: {  	_ =	shalt  }
0x4a: {  	_ =	shalt  }
0x4b: {  	_ =	shalt  }
0x4c: {  	_ =	shalt  }
0x4d: {  	_ =	shalt  }
0x4e: {  	_ =	shalt  }
0x4f: {  	_ =	shalt  }
0x50: {  	_ =	shalt  }
0x51: {  	_ =	shalt  }
0x52: {  	_ =	shalt  }
0x53: {  	_ =	shalt  }
0x54: {  	_ =	shalt  }
0x55: {  	_ =	shalt  }
0x56: {  	_ =	shalt  }
0x57: {  	_ =	shalt  }
0x58: {  	_ =	shalt  }
0x59: {  	_ =	shalt  }
0x5a: {  	_ =	shalt  }
0x5b: {  	_ =	shalt  }
0x5c: {  	_ =	shalt  }
0x5d: {  	_ =	shalt  }
0x5e: {  	_ =	shalt  }
0x5f: {  	_ =	shalt  }
0x60: {  	_ =	shalt  }
0x61: {  	_ =	shalt  }
0x62: {  	_ =	shalt  }
0x63: {  	_ =	shalt  }
0x64: {  	_ =	shalt  }
0x65: {  	_ =	shalt  }
0x66: {  	_ =	shalt  }
0x67: {  	_ =	shalt  }
0x68: {  	_ =	shalt  }
0x69: {  	_ =	shalt  }
0x6a: {  	_ =	shalt  }
0x6b: {  	_ =	shalt  }
0x6c: {  	_ =	shalt  }
0x6d: {  	_ =	shalt  }
0x6e: {  	_ =	shalt  }
0x6f: {  	_ =	shalt  }
0x70: {  	_ =	shalt  }
0x71: {  	_ =	shalt  }
0x72: {  	_ =	shalt  }
0x73: {  	_ =	shalt  }
0x74: {  	_ =	shalt  }
0x75: {  	_ =	shalt  }
0x76: {  	_ =	shalt  }
0x77: {  	_ =	shalt  }
0x78: {  	_ =	shalt  }
0x79: {  	_ =	shalt  }
0x7a: {  	_ =	shalt  }
0x7b: {  	_ =	shalt  }
0x7c: {  	_ =	shalt  }
0x7d: {  	_ =	shalt  }
0x7e: {  	_ =	shalt  }
0x7f: {  	_ =	shalt  }
0x80: {  	_ =	shalt  }
0x81: {  	_ =	shalt  }
0x82: {  	_ =	shalt  }
0x83: {  	_ =	shalt  }
0x84: {  	_ =	shalt  }
0x85: {  	_ =	shalt  }
0x86: {  	_ =	shalt  }
0x87: {  	_ =	shalt  }
.Lfunc_end0:
.L_simem_size_0:
called_computation_lowered:
.L_overlay_start_0:
0x88: {  	s2 =	sld [smem:$0x3FD9]  }
0x89: {  	s3 =	sld [smem:$0x3FFE];
	_ =	sdelay $0x1  }
0x8a: {  	s1 =	srdreg.scid  }
0x8b: {  	s0 =	sand.u32 $0x1, s1  }
0x8c: {  	s16 =	sshll.u32 s0, $0xA;
	s2 =	sadd.s32 s3, s2  }
0x8d: {  	s2 =	sadd.s32 s2, s16  }
0x8e: {  	[smem:$0x3FC2] =	sst s2  }
0x8f: {  	_ = 	snop  }
0x90: {  	(tm) =	ssettm $0x1  }
0x91: {  	s17 =	sld [smem:$0x3FFB];
	_ =	sdelay $0x3  }
0x92: {  	_ =	strace s17  }
0x93: {  	s2 =	sld [smem:$0x3FFC];
	_ =	sdelay $0x3  }
0x94: {  	_ =	strace s2  }
0x95: {  	s2 =	sld [smem:$0x3FFD];
	_ =	sdelay $0x3  }
0x96: {  	_ =	strace s2  }
0x97: {  	_ =	strace $0x8FFFFFFF  }
0x98: {  	s18 =	sld [smem:$0x3FDB];
	_ =	sdelay $0x1  }
0x99: {  	s19 =	simm.s32 $_scs_section_size  }
0x9a: {  	s4 =	simm.s32 $_size__tile_overlayer_lowered;
	s5 =	simm.s32 $_tile_overlayer_lowered  }
0x9b: {  	s22 =	simm.s32 $0x1BFF;
	s21 =	sshll.u32 s5, $0x1;
	s2 =	sadd.s32 s19, s18  }
0x9c: {  	s6 =	simm.s32 $0x0;
	s20 =	sshll.u32 s4, $0x1;
	s4 =	sadd.s32 s21, s2  }
0x9d: {  	[timem:s6], [sflag:s22] =	dma.local [hbm:s4], s20  }
0x9e: {  	_ =	swait.ge [sflag:s22], s20  }
0x9f: {  	s3 =	ssub.s32 $0x0, s20;
	[sflag:s22] =	ssyncset.done $0x0  }
0xa0: {  	[sflag:s22] =	ssyncadd.s32 s3;
	_ =	sdelay $0x1  }
0xa1: {  	s23 =	simm.s32 $0x1B8B  }
0xa2: {  	_ =	swait.ge [sflag:s23], $0x1  }
0xa3: {  	[sflag:s23] =	ssyncset.done $0x0  }
0xa4: {  	s25 =	simm.s32 $0x1B8E;
	s24 =	sld [smem:$0x3FFE];
	[sflag:s23] =	ssyncadd.s32 $0xFFFFFFFF  }
0xa5: {  	s26 =	simm.s32 $execute0_lowered;
	[smem:$0x3FD2] =	sst s25  }
0xa6: {  	s4 =	sshll.u32 s26, $0x1;
	_ =	strace $0x80000046;
	[dreg:$0x1] =	wrdreg $0xFFFFFFFF  }
0xa7: {  	s28 =	simm.s32 $_size_execute0_lowered;
	s2 =	sadd.s32 s2, s4;
	[dreg:$0x0] =	wrdreg $0x0  }
0xa8: {  	s4 =	sshll.u32 s28, $0x1;
	[dreg:$0x2] =	wrdreg s2  }
0xa9: {  	[dreg:$0x3] =	wrdreg s4  }
0xaa: {  	[dreg:$0x4] =	wrdreg $0xC0  }
0xab: {  	_ =	task [dreg:s6], $0x5FFFF  }
0xac: {  	[dreg:$0x1] =	wrdreg $0xFFFFFFFF  }
0xad: {  	[dreg:$0x0] =	wrdreg $0x60  }
0xae: {  	[dreg:$0x2] =	wrdreg s24  }
0xaf: {  	[dreg:$0x3] =	wrdreg $0x9  }
0xb0: {  	_ =	task.clear_ibuf [dreg:s6], $0x4FFFF;
	_ =	strace $0x90000046  }
0xb1: {  	s29 =	simm.s32 $0x9;
	_ =	strace $0x80000048  }
0xb2: {  	_ =	swait.ge [sflag:s29], $0x1  }
0xb3: {  	[sflag:s29] =	ssyncadd.s32 $0xFFFFFFFF  }
0xb4: {  	_ =	strace $0x90000048  }
0xb5: {  	_ =	sfence  }
0xb6: {  	s30 =	sld [smem:$0x0];
	_ =	sdelay $0x2  }
0xb7: {  	s31 =	sshll.u32 s1, $0xD;
	s1 =	sshrl.u32 s1, $0x2  }
0xb8: {  	s3 =	sand.u32 $0x4000, s31;
	s1 =	sadd.s32 s1, s30  }
0xb9: {  	s0 =	sor.u32 s3, s0;
	s1 =	sshll.u32 s1, $0x11  }
0xba: {  	s0 =	sor.u32 s1, s0  }
0xbb: {  	s0 =	sadd.s32 $0x8F2B, s0  }
0xbc: {  	[sflag:s0] =	ssyncadd.remote.s32 $0x1  }
0xbd: {  	_ =	sfence.sel $0xFFFF  }
0xbe: {  	[dreg:$0x0] =	wrdreg $0xFFFFFFFF;
	(pc) =	sbr.abs _section_cstart, $3  }
0xbf: {  	[dreg:$0x1] =	wrdreg $0xFFFFFFFF  }
0xc0: {  	_ =	task.clear_ibuf [dreg:s6], $0x2FFFF;
	_ =	strace $0x9FFFFFFF  }
0xc1: {  	(tm) =	ssettm $0x7FFFFFFF  }
tec
execute0_lowered:
.L_overlay_start_1:
0x0: {  	(tag) =	ssettag $0x1  }
0x1: {  	s0 =	rddreg [dreg:$0x0];
	s7 =	simm.s32 $0x0;
	s1 =	srdreg.scid  }
0x2: {  	s3 =	stileid.u32;
	[smem:$0x7FF] =	sst s7;
	s2 =	sadd.s32 $0x1800, s0  }
0x3: {  	s1 =	sand.u32 $0x1, s1;
	s3 =	sshll.u32 s3, $0x1;
	s0 =	sadd.s32 $0x41800, s0  }
0x4: {  	_ =	strace $0x80000047;
	s4 =	ssub.s32 $0x2, s1;
	s1 =	sor.u32 s1, s3  }
0x5: {  	s28 =	sshrl.u32 s4, $0x1;
	s5 =	sshll.u32 s1, $0x8;
	s6 =	sshll.u32 s1, $0xD  }
0x6: {  	s1 =	sshll.u32 s1, $0x9;
	s3 =	ssub.s32 s4, s28;
	s29 =	sadd.s32 s2, s6  }
0x7: {  	s30 =	sor.u32 $0x80, s5;
	s1 =	sadd.s32 s0, s1;
	[smem:$0x7F9] =	sst s29  }
0x8: {  	s5 =	sshll.u32 s30, $0x5;
	[smem:$0x7FB] =	sst s1;
	s31 =	smax.u32 s3, $0x1  }
0x9: {  	s4 =	sshll.u32 s30, $0x1;
	s2 =	sadd.s32 s2, s5;
	[smem:$0x7FD] =	sst s31  }
0xa: {  	s10 =	simm.s32 $0x10000;
	s0 =	sadd.s32 s0, s4;
	[smem:$0x7FA] =	sst s2  }
0xb: {  	s12 =	simm.s32 $0x10800;
	v0 =	vimm.f32 $0.0e+00;
	v1 =	vimm.f32 $1.000000000e+00;
	vm0 =	vcmask $0x3F20;
	[smem:$0x7FC] =	sst s0;
	s2 =	simm.s32 $0x0  }
.LBB2_1:
0xc: {  	s0 =	sld [smem:$0x7F9];
	_ =	sdelay $0x1  }
0xd: {  	s29 =	sld [smem:$0x7FA]  }
0xe: {  	[tilespmem:s7], [sflag:$0x1] =	stream.linear.gather [hbm4b:s0+s7], $0x8000, $0x38;
	[tilespmem:$0x11000] =	vst v63  }
0xf: {  	[smem:$0x7F8] =	sst s2;
	s1 =	simm.s32 $0x8000;
	s31 =	simm.s32 $0x1  }
0x10: {  	[tilespmem:s1], [sflag:$0x2] =	stream.linear.gather [hbm4b:s29+s7], $0x8000, $0x38;
	[tilespmem:$0x11000] =	vst v63  }
0x11: {  	_ =	swait.ge [sflag:s31], $0x8000  }
0x12: {  	[sflag:s31] =	ssyncset.done $0x0  }
0x13: {  	s0 =	simm.s32 $0x10040;
	[sflag:s31] =	ssyncadd.s32 $0xFFFF8000  }
0x14: {  	[tilespmem:s0+$0xFFFFFFC0] =	vst v0  }
0x15: {  	[tilespmem:s0+$0x30] =	vst v0  }
0x16: {  	[tilespmem:s0+$0x20] =	vst v0  }
0x17: {  	[tilespmem:s0+$0x10] =	vst v0  }
0x18: {  	[tilespmem:s0+$0x0] =	vst v0  }
0x19: {  	s2 =	simm.s32 $0x0;
	[tilespmem:s0+$0xFFFFFFF0] =	vst v0  }
0x1a: {  	p0 =	por $0x0, $0x0;
	s30 =	simm.s32 $0x30;
	s1 =	simm.s32 $0x180;
	[tilespmem:s0+$0xFFFFFFE0] =	vst v0  }
.LBB2_2:
0x1b: {  	s2 =	sadd.s32 $0x80, s2;
	[tilespmem:s0+$0xFFFFFFD0] =	vst v0;
	s0 =	sadd.s32 $0x80, s0  }
0x1c: {  	[tilespmem:s0+$0xFFFFFFC0] =	vst v0;
	p1 =	slt.u32 s2, $0x780  }
0x1d: {  	[tilespmem:s0+$0x30] =	vst v0  }
.Ltmp0:
0x1e: {  	[tilespmem:s0+$0x20] =	vst v0;
	(pc) =	sbr.rel @p1 .LBB2_2-.Ltmp0, $4  }
0x1f: {  	[tilespmem:s0+$0x10] =	vst v0  }
0x20: {  	[tilespmem:s0+$0x0] =	vst v0  }
0x21: {  	[tilespmem:s0+$0xFFFFFFF0] =	vst v0  }
0x22: {  	s3 =	simm.s32 $0x0;
	[tilespmem:s0+$0xFFFFFFE0] =	vst v0  }
0x23: {  	s2 =	simm.s32 $0x100  }
0x24: {  	s5 =	sand.u32 $0x7800, s3;
	s25 =	simm.s32 $0x0;
	s2 =	sand.u32 $0x300, s2  }
0x25: {  	[tilespmem:s0+$0xFFFFFFD0] =	vst v0;
	s0 =	sand.u32 $0x200, s25;
	s7 =	sor.u32 s2, s5  }
0x26: {  	s6 =	sor.u32 s0, s5;
	v2 =	vld [tilespmem:s7+$0x0]  }
0x27: {  	s26 =	simm.s32 $0x80;
	v3 =	vld [tilespmem:s6+$0x0]  }
0x28: {  	s0 =	sand.u32 $0x280, s26  }
0x29: {  	s1 =	sand.u32 $0x380, s1;
	s4 =	sor.u32 s0, s5  }
0x2a: {  	s2 =	simm.s32 $0x20;
	s5 =	sor.u32 s1, s5;
	v4 =	vld [tilespmem:s4+$0x0]  }
0x2b: {  	s0 =	simm.s32 $0x0;
	v5 =	vld [tilespmem:s5+$0x0];
	v2 =	vadd.s32 s2, v2  }
0x2c: {  	v3 =	vadd.s32 s0, v3;
	_ =	sdelay $0x1  }
0x2d: {  	s1 =	simm.s32 $0x10  }
0x2e: {  	v4 =	vadd.s32 s1, v4  }
0x2f: {  	v5 =	vadd.s32 s30, v5;
	[tilespmem:v2+s10+$0x0] =	vst.idx.add.f32.msk $0xffff, v1  }
0x30: {  	[tilespmem:v3+s10+$0x0] =	vst.idx.add.f32.msk $0xffff, v1  }
0x31: {  	v2 =	vld [tilespmem:s7+$0x10]  }
0x32: {  	v3 =	vld [tilespmem:s6+$0x10]  }
0x33: {  	[tilespmem:v4+s10+$0x0] =	vst.idx.add.f32.msk $0xffff, v1  }
0x34: {  	[tilespmem:v5+s10+$0x0] =	vst.idx.add.f32.msk $0xffff, v1  }
0x35: {  	v4 =	vld [tilespmem:s4+$0x10]  }
0x36: {  	v5 =	vld [tilespmem:s5+$0x10];
	v2 =	vadd.s32 s2, v2  }
0x37: {  	v3 =	vadd.s32 s0, v3;
	_ =	sdelay $0x2  }
0x38: {  	v4 =	vadd.s32 s1, v4  }
0x39: {  	v5 =	vadd.s32 s30, v5;
	[tilespmem:v2+s10+$0x0] =	vst.idx.add.f32.msk $0xffff, v1  }
0x3a: {  	[tilespmem:v3+s10+$0x0] =	vst.idx.add.f32.msk $0xffff, v1  }
0x3b: {  	v2 =	vld [tilespmem:s7+$0x20]  }
0x3c: {  	v3 =	vld [tilespmem:s6+$0x20]  }
0x3d: {  	[tilespmem:v4+s10+$0x0] =	vst.idx.add.f32.msk $0xffff, v1  }
0x3e: {  	[tilespmem:v5+s10+$0x0] =	vst.idx.add.f32.msk $0xffff, v1  }
0x3f: {  	v4 =	vld [tilespmem:s4+$0x20]  }
0x40: {  	v5 =	vld [tilespmem:s5+$0x20];
	v2 =	vadd.s32 s2, v2  }
0x41: {  	v3 =	vadd.s32 s0, v3;
	_ =	sdelay $0x2  }
0x42: {  	v4 =	vadd.s32 s1, v4  }
0x43: {  	v5 =	vadd.s32 s30, v5;
	[tilespmem:v2+s10+$0x0] =	vst.idx.add.f32.msk $0xffff, v1  }
0x44: {  	[tilespmem:v3+s10+$0x0] =	vst.idx.add.f32.msk $0xffff, v1  }
0x45: {  	v2 =	vld [tilespmem:s7+$0x30]  }
0x46: {  	v3 =	vld [tilespmem:s6+$0x30]  }
0x47: {  	[tilespmem:v4+s10+$0x0] =	vst.idx.add.f32.msk $0xffff, v1  }
0x48: {  	[tilespmem:v5+s10+$0x0] =	vst.idx.add.f32.msk $0xffff, v1  }
0x49: {  	v4 =	vld [tilespmem:s4+$0x30]  }
0x4a: {  	v5 =	vld [tilespmem:s5+$0x30];
	v2 =	vadd.s32 s2, v2  }
0x4b: {  	v3 =	vadd.s32 s0, v3;
	_ =	sdelay $0x2  }
0x4c: {  	v4 =	vadd.s32 s1, v4  }
0x4d: {  	v5 =	vadd.s32 s30, v5;
	[tilespmem:v2+s10+$0x0] =	vst.idx.add.f32.msk $0xffff, v1  }
0x4e: {  	[tilespmem:v3+s10+$0x0] =	vst.idx.add.f32.msk $0xffff, v1  }
0x4f: {  	v2 =	vld [tilespmem:s7+$0x40]  }
0x50: {  	v3 =	vld [tilespmem:s6+$0x40]  }
0x51: {  	[tilespmem:v4+s10+$0x0] =	vst.idx.add.f32.msk $0xffff, v1  }
0x52: {  	[tilespmem:v5+s10+$0x0] =	vst.idx.add.f32.msk $0xffff, v1  }
0x53: {  	v4 =	vld [tilespmem:s4+$0x40]  }
0x54: {  	v5 =	vld [tilespmem:s5+$0x40];
	v2 =	vadd.s32 s2, v2  }
0x55: {  	v3 =	vadd.s32 s0, v3;
	_ =	sdelay $0x2  }
0x56: {  	v4 =	vadd.s32 s1, v4  }
0x57: {  	v5 =	vadd.s32 s30, v5;
	[tilespmem:v2+s10+$0x0] =	vst.idx.add.f32.msk $0xffff, v1  }
0x58: {  	[tilespmem:v3+s10+$0x0] =	vst.idx.add.f32.msk $0xffff, v1  }
0x59: {  	v3 =	vld [tilespmem:s6+$0x50]  }
0x5a: {  	v2 =	vld [tilespmem:s7+$0x50]  }
0x5b: {  	[tilespmem:v4+s10+$0x0] =	vst.idx.add.f32.msk $0xffff, v1  }
0x5c: {  	[tilespmem:v5+s10+$0x0] =	vst.idx.add.f32.msk $0xffff, v1  }
0x5d: {  	v4 =	vld [tilespmem:s4+$0x50]  }
0x5e: {  	v5 =	vld [tilespmem:s5+$0x50];
	v3 =	vadd.s32 s0, v3;
	_ =	sdelay $0x1  }
0x5f: {  	v2 =	vadd.s32 s2, v2;
	_ =	sdelay $0x1  }
0x60: {  	v4 =	vadd.s32 s1, v4  }
0x61: {  	v5 =	vadd.s32 s30, v5;
	[tilespmem:v3+s10+$0x0] =	vst.idx.add.f32.msk $0xffff, v1  }
0x62: {  	v3 =	vld [tilespmem:s6+$0x60]  }
0x63: {  	[tilespmem:v2+s10+$0x0] =	vst.idx.add.f32.msk $0xffff, v1  }
0x64: {  	v2 =	vld [tilespmem:s7+$0x60]  }
0x65: {  	[tilespmem:v4+s10+$0x0] =	vst.idx.add.f32.msk $0xffff, v1  }
0x66: {  	[tilespmem:v5+s10+$0x0] =	vst.idx.add.f32.msk $0xffff, v1  }
0x67: {  	v4 =	vld [tilespmem:s4+$0x60];
	v3 =	vadd.s32 s0, v3  }
0x68: {  	v5 =	vld [tilespmem:s5+$0x60];
	_ =	sdelay $0x1  }
0x69: {  	v2 =	vadd.s32 s2, v2;
	_ =	sdelay $0x1  }
0x6a: {  	v4 =	vadd.s32 s1, v4;
	[tilespmem:v3+s10+$0x0] =	vst.idx.add.f32.msk $0xffff, v1  }
0x6b: {  	v5 =	vadd.s32 s30, v5;
	v3 =	vld [tilespmem:s6+$0x70];
	_ =	sdelay $0x1  }
0x6c: {  	[tilespmem:v2+s10+$0x0] =	vst.idx.add.f32.msk $0xffff, v1  }
0x6d: {  	s29 =	sand.u32 $0x3, s3;
	v2 =	vld [tilespmem:s7+$0x70]  }
0x6e: {  	s6 =	sshll.u32 s29, $0x8;
	[tilespmem:v4+s10+$0x0] =	vst.idx.add.f32.msk $0xffff, v1  }
0x6f: {  	[tilespmem:v5+s10+$0x0] =	vst.idx.add.f32.msk $0xffff, v1;
	s6 =	sadd.s32 $0x0, s6;
	v3 =	vadd.s32 s0, v3  }
0x70: {  	v4 =	vld [tilespmem:s4+$0x70];
	s11 =	sadd.s32 $0x100, s6;
	s6 =	simm.s32 $0x1  }
0x71: {  	v5 =	vld [tilespmem:s5+$0x70];
	s6 =	simm.s32 @!p0 $0x0  }
0x72: {  	s8 =	sshll.u32 s6, $0x9  }
0x73: {  	v2 =	vadd.s32 s2, v2;
	s4 =	sadd.s32 $0x0, s8  }
0x74: {  	s9 =	sor.u32 $0x400, s4;
	[tilespmem:v3+s10+$0x0] =	vst.idx.add.f32.msk $0xffff, v1  }
0x75: {  	v3 =	vadd.s32 s1, v4;
	v4 =	vld [tilespmem:s9+$0x0]  }
0x76: {  	v5 =	vadd.s32 s30, v5  }
0x77: {  	s13 =	sand.u32 $0x7, s3  }
0x78: {  	s3 =	sshll.u32 s13, $0x7;
	s7 =	sor.u32 $0x400, s11;
	[tilespmem:v2+s10+$0x0] =	vst.idx.add.f32.msk $0xffff, v1  }
0x79: {  	s3 =	sadd.s32 $0x0, s3;
	v2 =	vld [tilespmem:s7+$0x0]  }
0x7a: {  	s20 =	simm.s32 $0x400;
	s5 =	sadd.s32 $0x80, s3;
	[tilespmem:v3+s10+$0x0] =	vst.idx.add.f32.msk $0xffff, v1;
	v3 =	vadd.s32 s0, v4  }
0x7b: {  	s3 =	sadd.s32 $0x180, s3;
	s15 =	sor.u32 $0x400, s5;
	[tilespmem:v5+s10+$0x0] =	vst.idx.add.f32.msk $0xffff, v1;
	s9 =	simm.s32 $0x200  }
0x7c: {  	s18 =	sand.u32 $0x7800, s20;
	s16 =	sor.u32 $0x400, s3;
	s9 =	sand.u32 $0x200, s9;
	v4 =	vld [tilespmem:s15+$0x0]  }
0x7d: {  	s17 =	simm.s32 $0x300;
	v5 =	vld [tilespmem:s16+$0x0];
	s9 =	sor.u32 s9, s18  }
0x7e: {  	s13 =	simm.s32 $0x280;
	s7 =	sand.u32 $0x300, s17;
	v7 =	vld [tilespmem:s9+$0x0]  }
0x7f: {  	s22 =	sand.u32 $0x280, s13;
	s8 =	sor.u32 s7, s18;
	v2 =	vadd.s32 s2, v2;
	[tilespmem:v3+s10+$0x0] =	vst.idx.add.f32.msk $0xffff, v1  }
0x80: {  	s21 =	simm.s32 $0x380;
	s7 =	sor.u32 s22, s18;
	v3 =	vld [tilespmem:s8+$0x0]  }
0x81: {  	s23 =	sand.u32 $0x380, s21;
	v8 =	vld [tilespmem:s7+$0x0];
	v4 =	vadd.s32 s1, v4  }
0x82: {  	s6 =	sor.u32 s23, s18  }
0x83: {  	v9 =	vld [tilespmem:s6+$0x0];
	s17 =	simm.s32 $0x40;
	v5 =	vadd.s32 s30, v5  }
0x84: {  	s14 =	sor.u32 $0x410, s11;
	s16 =	simm.s32 $0x60;
	v7 =	vadd.s32 s17, v7;
	[tilespmem:v2+s10+$0x0] =	vst.idx.add.f32.msk $0xffff, v1  }
0x85: {  	s18 =	simm.s32 $0x50;
	v2 =	vld [tilespmem:s14+$0x0];
	v3 =	vadd.s32 s16, v3  }
0x86: {  	s19 =	sor.u32 $0x410, s4;
	[tilespmem:v4+s10+$0x0] =	vst.idx.add.f32.msk $0xffff, v1;
	v4 =	vadd.s32 s18, v8  }
0x87: {  	v6 =	vld [tilespmem:s19+$0x0]  }
0x88: {  	s19 =	simm.s32 $0x70;
	[tilespmem:v5+s10+$0x0] =	vst.idx.add.f32.msk $0xffff, v1  }
0x89: {  	v5 =	vadd.s32 s19, v9;
	[tilespmem:v7+s10+$0x0] =	vst.idx.add.f32.msk $0xffff, v1  }
0x8a: {  	v2 =	vadd.s32 s2, v2;
	[tilespmem:v3+s10+$0x0] =	vst.idx.add.f32.msk $0xffff, v1  }
0x8b: {  	[tilespmem:v4+s10+$0x0] =	vst.idx.add.f32.msk $0xffff, v1  }
0x8c: {  	v4 =	vld [tilespmem:s9+$0x10]  }
0x8d: {  	v3 =	vld [tilespmem:s8+$0x10]  }
0x8e: {  	[tilespmem:v5+s10+$0x0] =	vst.idx.add.f32.msk $0xffff, v1  }
0x8f: {  	[tilespmem:v2+s10+$0x0] =	vst.idx.add.f32.msk $0xffff, v1  }
0x90: {  	s24 =	sor.u32 $0x420, s11;
	v5 =	vadd.s32 s0, v6;
	v6 =	vld [tilespmem:s7+$0x10]  }
0x91: {  	s29 =	sor.u32 $0x410, s3;
	v2 =	vld [tilespmem:s24+$0x0];
	v4 =	vadd.s32 s17, v4  }
0x92: {  	s25 =	sor.u32 $0x410, s5;
	v59 =	vld [tilespmem:s29+$0x0];
	v3 =	vadd.s32 s16, v3  }
0x93: {  	v57 =	vld [tilespmem:s25+$0x0]  }
0x94: {  	v58 =	vld [tilespmem:s6+$0x10]  }
0x95: {  	[tilespmem:v5+s10+$0x0] =	vst.idx.add.f32.msk $0xffff, v1;
	v5 =	vadd.s32 s18, v6  }
0x96: {  	v2 =	vadd.s32 s2, v2;
	[tilespmem:v4+s10+$0x0] =	vst.idx.add.f32.msk $0xffff, v1  }
0x97: {  	[tilespmem:v3+s10+$0x0] =	vst.idx.add.f32.msk $0xffff, v1  }
0x98: {  	v4 =	vld [tilespmem:s9+$0x20]  }
0x99: {  	v6 =	vadd.s32 s19, v58;
	v3 =	vld [tilespmem:s8+$0x20]  }
0x9a: {  	[tilespmem:v5+s10+$0x0] =	vst.idx.add.f32.msk $0xffff, v1  }
0x9b: {  	s26 =	sor.u32 $0x430, s11;
	v7 =	vadd.s32 s1, v57;
	[tilespmem:v2+s10+$0x0] =	vst.idx.add.f32.msk $0xffff, v1  }
0x9c: {  	v5 =	vadd.s32 s30, v59;
	v2 =	vld [tilespmem:s26+$0x0]  }
0x9d: {  	v4 =	vadd.s32 s17, v4  }
0x9e: {  	[tilespmem:v6+s10+$0x0] =	vst.idx.add.f32.msk $0xffff, v1;
	v3 =	vadd.s32 s16, v3  }
0x9f: {  	v6 =	vld [tilespmem:s7+$0x20]  }
0xa0: {  	[tilespmem:v7+s10+$0x0] =	vst.idx.add.f32.msk $0xffff, v1  }
0xa1: {  	[tilespmem:v5+s10+$0x0] =	vst.idx.add.f32.msk $0xffff, v1;
	v2 =	vadd.s32 s2, v2  }
0xa2: {  	[tilespmem:v4+s10+$0x0] =	vst.idx.add.f32.msk $0xffff, v1  }
0xa3: {  	[tilespmem:v3+s10+$0x0] =	vst.idx.add.f32.msk $0xffff, v1  }
0xa4: {  	v4 =	vadd.s32 s18, v6;
	v5 =	vld [tilespmem:s9+$0x30]  }
0xa5: {  	v3 =	vld [tilespmem:s8+$0x30]  }
0xa6: {  	s11 =	sor.u32 $0x438, s11;
	[tilespmem:v2+s10+$0x0] =	vst.idx.add.f32.msk $0xffff, v1  }
0xa7: {  	v2 =	vld [tilespmem:s11+$0x0]  }
0xa8: {  	v7 =	vld [tilespmem:s6+$0x20]  }
0xa9: {  	[tilespmem:v4+s10+$0x0] =	vst.idx.add.f32.msk $0xffff, v1;
	v4 =	vadd.s32 s17, v5  }
0xaa: {  	v3 =	vadd.s32 s16, v3  }
0xab: {  	v5 =	vld [tilespmem:s7+$0x30]  }
0xac: {  	s13 =	sor.u32 $0x420, s5;
	v2 =	vadd.s32 s2, v2  }
0xad: {  	v6 =	vadd.s32 s19, v7;
	v7 =	vld [tilespmem:s13+$0x0]  }
0xae: {  	[tilespmem:v4+s10+$0x0] =	vst.idx.add.f32.msk $0xffff, v1  }
0xaf: {  	[tilespmem:v3+s10+$0x0] =	vst.idx.add.f32.msk $0xffff, v1  }
0xb0: {  	v4 =	vadd.s32 s18, v5;
	v5 =	vld [tilespmem:s9+$0x40]  }
0xb1: {  	s11 =	sor.u32 $0x420, s4;
	[tilespmem:v2+s10+$0x0] =	vst.idx.add.f32.msk vm0, v1  }
0xb2: {  	v2 =	vld [tilespmem:s11+$0x0]  }
0xb3: {  	v3 =	vld [tilespmem:s8+$0x40];
	_ =	sdelay $0x1  }
0xb4: {  	[tilespmem:v6+s10+$0x0] =	vst.idx.add.f32.msk $0xffff, v1;
	v6 =	vadd.s32 s1, v7  }
0xb5: {  	[tilespmem:v4+s10+$0x0] =	vst.idx.add.f32.msk $0xffff, v1;
	v4 =	vadd.s32 s17, v5  }
0xb6: {  	s14 =	sor.u32 $0x420, s3;
	v7 =	vld [tilespmem:s6+$0x30];
	v2 =	vadd.s32 s0, v2  }
0xb7: {  	v60 =	vld [tilespmem:s14+$0x0];
	v3 =	vadd.s32 s16, v3  }
0xb8: {  	v5 =	vld [tilespmem:s7+$0x40]  }
0xb9: {  	[tilespmem:v6+s10+$0x0] =	vst.idx.add.f32.msk $0xffff, v1  }
0xba: {  	[tilespmem:v4+s10+$0x0] =	vst.idx.add.f32.msk $0xffff, v1  }
0xbb: {  	[tilespmem:v2+s10+$0x0] =	vst.idx.add.f32.msk $0xffff, v1;
	v2 =	vadd.s32 s19, v7  }
0xbc: {  	[tilespmem:v3+s10+$0x0] =	vst.idx.add.f32.msk $0xffff, v1  }
0xbd: {  	v4 =	vadd.s32 s18, v5;
	v5 =	vld [tilespmem:s9+$0x50]  }
0xbe: {  	v3 =	vadd.s32 s30, v60;
	v6 =	vld [tilespmem:s8+$0x50];
	_ =	sdelay $0x1  }
0xbf: {  	[tilespmem:v2+s10+$0x0] =	vst.idx.add.f32.msk $0xffff, v1  }
0xc0: {  	v2 =	vld [tilespmem:s6+$0x40]  }
0xc1: {  	[tilespmem:v4+s10+$0x0] =	vst.idx.add.f32.msk $0xffff, v1;
	v4 =	vadd.s32 s17, v5  }
0xc2: {  	s15 =	sor.u32 $0x430, s4;
	[tilespmem:v3+s10+$0x0] =	vst.idx.add.f32.msk $0xffff, v1;
	v6 =	vadd.s32 s16, v6  }
0xc3: {  	v3 =	vld [tilespmem:s15+$0x0]  }
0xc4: {  	s22 =	sor.u32 $0x430, s5;
	v5 =	vld [tilespmem:s7+$0x50]  }
0xc5: {  	v7 =	vld [tilespmem:s22+$0x0];
	v2 =	vadd.s32 s19, v2  }
0xc6: {  	[tilespmem:v4+s10+$0x0] =	vst.idx.add.f32.msk $0xffff, v1  }
0xc7: {  	[tilespmem:v6+s10+$0x0] =	vst.idx.add.f32.msk $0xffff, v1  }
0xc8: {  	v6 =	vld [tilespmem:s8+$0x60]  }
0xc9: {  	v3 =	vadd.s32 s0, v3;
	v4 =	vadd.s32 s18, v5;
	v5 =	vld [tilespmem:s9+$0x60]  }
0xca: {  	[tilespmem:v2+s10+$0x0] =	vst.idx.add.f32.msk $0xffff, v1;
	v2 =	vadd.s32 s1, v7  }
0xcb: {  	v7 =	vld [tilespmem:s6+$0x50]  }
0xcc: {  	s23 =	sor.u32 $0x430, s3  }
0xcd: {  	v61 =	vld [tilespmem:s23+$0x0];
	v6 =	vadd.s32 s16, v6  }
0xce: {  	[tilespmem:v3+s10+$0x0] =	vst.idx.add.f32.msk $0xffff, v1  }
0xcf: {  	[tilespmem:v2+s10+$0x0] =	vst.idx.add.f32.msk $0xffff, v1;
	v2 =	vadd.s32 s17, v5  }
0xd0: {  	[tilespmem:v4+s10+$0x0] =	vst.idx.add.f32.msk $0xffff, v1;
	v3 =	vadd.s32 s19, v7  }
0xd1: {  	v4 =	vld [tilespmem:s7+$0x60]  }
0xd2: {  	[tilespmem:v6+s10+$0x0] =	vst.idx.add.f32.msk $0xffff, v1  }
0xd3: {  	v6 =	vld [tilespmem:s8+$0x70]  }
0xd4: {  	v5 =	vadd.s32 s30, v61;
	[tilespmem:v2+s10+$0x0] =	vst.idx.add.f32.msk $0xffff, v1  }
0xd5: {  	[tilespmem:v3+s10+$0x0] =	vst.idx.add.f32.msk $0xffff, v1  }
0xd6: {  	v2 =	vadd.s32 s18, v4;
	v4 =	vld [tilespmem:s9+$0x70]  }
0xd7: {  	s25 =	sor.u32 $0x438, s5;
	v3 =	vld [tilespmem:s6+$0x60]  }
0xd8: {  	v7 =	vld [tilespmem:s25+$0x0]  }
0xd9: {  	s24 =	sor.u32 $0x438, s4;
	s22 =	simm.s32 $0x2;
	[tilespmem:v5+s10+$0x0] =	vst.idx.add.f32.msk $0xffff, v1;
	v6 =	vadd.s32 s16, v6  }
0xda: {  	s26 =	sand.u32 $0x3, s22;
	v5 =	vld [tilespmem:s24+$0x0]  }
0xdb: {  	s3 =	sor.u32 $0x438, s3;
	s29 =	sshll.u32 s26, $0x8;
	[tilespmem:v2+s10+$0x0] =	vst.idx.add.f32.msk $0xffff, v1;
	v2 =	vadd.s32 s17, v4  }
0xdc: {  	p0 =	por !p0, !p0;
	s2 =	sadd.s32 $0x400, s29;
	v63 =	vld [tilespmem:s3+$0x0];
	v3 =	vadd.s32 s19, v3  }
0xdd: {  	s13 =	sadd.s32 $0x100, s2;
	s2 =	simm.s32 $0x1;
	v4 =	vld [tilespmem:s7+$0x70];
	s7 =	simm.s32 $0x4  }
0xde: {  	s5 =	sor.u32 $0x400, s13;
	s2 =	simm.s32 @!p0 $0x0;
	[tilespmem:v6+s10+$0x0] =	vst.idx.add.f32.msk $0xffff, v1;
	s8 =	sand.u32 $0x7, s7  }
0xdf: {  	s2 =	sshll.u32 s2, $0x9;
	v6 =	vld [tilespmem:s5+$0x0];
	s9 =	sshll.u32 s8, $0x7  }
0xe0: {  	s2 =	sadd.s32 $0x400, s2;
	v5 =	vadd.s32 s0, v5;
	s0 =	sadd.s32 $0x400, s9;
	[tilespmem:v2+s10+$0x0] =	vst.idx.add.f32.msk $0xffff, v1  }
0xe1: {  	s11 =	sor.u32 $0x400, s2;
	s14 =	sadd.s32 $0x80, s0;
	[tilespmem:v3+s10+$0x0] =	vst.idx.add.f32.msk $0xffff, v1  }
0xe2: {  	s0 =	sadd.s32 $0x180, s0;
	v2 =	vadd.s32 s18, v4;
	s24 =	sor.u32 $0x410, s14;
	v62 =	vld [tilespmem:s11+$0x0]  }
0xe3: {  	s26 =	sor.u32 $0x410, s0;
	v3 =	vadd.s32 s1, v7;
	v7 =	vld [tilespmem:s6+$0x70];
	[dreg:$0x6] =	wrdreg s24  }
0xe4: {  	[dreg:$0x5] =	wrdreg s26  }
0xe5: {  	s4 =	simm.s32 $0x4;
	s29 =	sor.u32 $0x420, s2;
	v6 =	vadd.s32 s16, v6;
	[tilespmem:v5+s10+$0x0] =	vst.idx.add.f32.msk vm0, v1  }
0xe6: {  	p0 =	por !p0, !p0;
	s15 =	sor.u32 $0x410, s2;
	[dreg:$0x3] =	wrdreg s29  }
0xe7: {  	s28 =	sor.u32 $0x430, s2;
	s7 =	sor.u32 $0x438, s2;
	s23 =	sor.u32 $0x400, s14;
	[tilespmem:v2+s10+$0x0] =	vst.idx.add.f32.msk $0xffff, v1  }
0xe8: {  	s25 =	sor.u32 $0x400, s0;
	s31 =	sor.u32 $0x420, s14;
	s8 =	sor.u32 $0x430, s14;
	[tilespmem:v3+s10+$0x0] =	vst.idx.add.f32.msk vm0, v1  }
0xe9: {  	s3 =	sor.u32 $0x438, s0;
	s1 =	sor.u32 $0x438, s14;
	s6 =	sor.u32 $0x420, s0;
	v4 =	vld [tilespmem:s23+$0x0]  }
0xea: {  	s24 =	sor.u32 $0x430, s0;
	s0 =	sor.u32 $0x410, s13;
	v2 =	vadd.s32 s30, v63;
	s30 =	simm.s32 $0x8;
	v3 =	vadd.s32 s17, v62;
	v5 =	vadd.s32 s19, v7;
	[tilespmem:v6+s10+$0x0] =	vst.idx.add.f32.msk $0xffff, v1  }
.LBB2_4:
0xeb: {  	[dreg:$0x1e] =	wrdreg s28  }
0xec: {  	[dreg:$0x1a] =	wrdreg s8  }
0xed: {  	[dreg:$0x16] =	wrdreg s24  }
0xee: {  	[dreg:$0xf] =	wrdreg s1  }
0xef: {  	[dreg:$0xc] =	wrdreg s3  }
0xf0: {  	[dreg:$0x9] =	wrdreg s7;
	s2 =	sand.u32 $0x7, s30  }
0xf1: {  	s9 =	simm.s32 $0x1;
	s5 =	smov.u32 s19;
	s21 =	sadd.s32 $0x200, s21  }
0xf2: {  	v6 =	vld [tilespmem:s0+$0x0];
	s20 =	sadd.s32 $0x400, s20;
	s9 =	simm.s32 @!p0 $0x0;
	s2 =	sshll.u32 s2, $0x7  }
0xf3: {  	[tilespmem:v5+s10+$0x0] =	vst.idx.add.f32.msk $0xffff, v1;
	s7 =	sadd.s32 $0xFFFFFF80, s21;
	s8 =	sand.u32 $0x7800, s20;
	s11 =	sadd.s32 $0xFFFFFE80, s21  }
0xf4: {  	v5 =	vld [tilespmem:s25+$0x0];
	s14 =	sadd.s32 $0xFFFFFF00, s21;
	s25 =	sand.u32 $0x380, s21;
	s3 =	sshll.u32 s9, $0x9  }
0xf5: {  	s9 =	sand.u32 $0x300, s7;
	s23 =	sand.u32 $0x200, s11;
	s24 =	sand.u32 $0x280, s14  }
0xf6: {  	[tilespmem:v3+s10+$0x0] =	vst.idx.add.f32.msk $0xffff, v1;
	s11 =	sor.u32 s25, s8;
	s0 =	sadd.s32 s20, s2;
	s9 =	sor.u32 s9, s8  }
0xf7: {  	[tilespmem:v2+s10+$0x0] =	vst.idx.add.f32.msk vm0, v1;
	s23 =	sor.u32 s23, s8;
	s14 =	sor.u32 s24, s8;
	s8 =	sadd.s32 $0x80, s0  }
0xf8: {  	s1 =	sadd.s32 s3, s20;
	s24 =	sadd.s32 $0x180, s0;
	v3 =	vadd.s32 s18, v4;
	v7 =	vld [tilespmem:s9+$0x0];
	s26 =	sor.u32 $0x400, s8  }
0xf9: {  	v2 =	vld [tilespmem:s23+$0x0];
	s25 =	sor.u32 $0x400, s24;
	s7 =	sor.u32 $0x410, s24;
	s28 =	sor.u32 $0x420, s24;
	v6 =	vadd.s32 s16, v6  }
0xfa: {  	v9 =	vld [tilespmem:s11+$0x0];
	[dreg:$0x7] =	wrdreg s26;
	s26 =	sor.u32 $0x400, s1;
	v5 =	vadd.s32 s19, v5;
	s19 =	sadd.s32 $0x40, s19  }
0xfb: {  	v8 =	vld [tilespmem:s14+$0x0];
	[dreg:$0xe] =	wrdreg s26;
	s26 =	sor.u32 $0x430, s8;
	s0 =	sadd.s32 $0xFFFFFFF0, s19  }
0xfc: {  	v4 =	vld [tilespmem:s15+$0x0];
	[dreg:$0x1f] =	wrdreg s26;
	s26 =	sor.u32 $0x430, s24;
	s24 =	sor.u32 $0x438, s24  }
0xfd: {  	s15 =	sadd.s32 $0xFFFFFFD0, s19;
	[dreg:$0x12] =	wrdreg s24;
	v7 =	vadd.s32 s0, v7;
	[tilespmem:v3+s10+$0x0] =	vst.idx.add.f32.msk $0xffff, v1  }
0xfe: {  	s24 =	rddreg [dreg:$0x6];
	v2 =	vadd.s32 s15, v2;
	[tilespmem:v6+s10+$0x0] =	vst.idx.add.f32.msk $0xffff, v1  }
0xff: {  	s29 =	sor.u32 $0x420, s13;
	s2 =	sadd.s32 $0xFFFFFFE0, s19;
	v58 =	vld [tilespmem:s24+$0x0]  }
0x100: {  	v3 =	vadd.s32 s2, v8;
	v6 =	vld [tilespmem:s29+$0x0]  }
0x101: {  	[tilespmem:v5+s10+$0x0] =	vst.idx.add.f32.msk $0xffff, v1  }
0x102: {  	v4 =	vadd.s32 s17, v4;
	[tilespmem:v7+s10+$0x0] =	vst.idx.add.f32.msk $0xffff, v1  }
0x103: {  	v5 =	vadd.s32 s19, v9;
	[tilespmem:v2+s10+$0x0] =	vst.idx.add.f32.msk $0xffff, v1  }
0x104: {  	v7 =	vld [tilespmem:s9+$0x10]  }
0x105: {  	[tilespmem:v3+s10+$0x0] =	vst.idx.add.f32.msk $0xffff, v1  }
0x106: {  	v3 =	vld [tilespmem:s23+$0x10];
	v6 =	vadd.s32 s16, v6  }
0x107: {  	s3 =	sor.u32 $0x410, s8;
	[tilespmem:v4+s10+$0x0] =	vst.idx.add.f32.msk $0xffff, v1  }
0x108: {  	s24 =	smov.u32 s3;
	[tilespmem:v5+s10+$0x0] =	vst.idx.add.f32.msk $0xffff, v1  }
0x109: {  	s29 =	sor.u32 $0x410, s1;
	[dreg:$0x6] =	wrdreg s24;
	v59 =	vld [tilespmem:s11+$0x10];
	v5 =	vadd.s32 s0, v7  }
0x10a: {  	[dreg:$0x13] =	wrdreg s29;
	s29 =	sor.u32 $0x420, s8;
	s8 =	sor.u32 $0x438, s8;
	v7 =	vld [tilespmem:s14+$0x10]  }
0x10b: {  	[dreg:$0x15] =	wrdreg s8;
	s8 =	sor.u32 $0x430, s13;
	v2 =	vadd.s32 s18, v58;
	[tilespmem:v6+s10+$0x0] =	vst.idx.add.f32.msk $0xffff, v1  }
0x10c: {  	s24 =	rddreg [dreg:$0x5];
	v3 =	vadd.s32 s15, v3;
	v6 =	vld [tilespmem:s8+$0x0]  }
0x10d: {  	v60 =	vld [tilespmem:s24+$0x0]  }
0x10e: {  	v4 =	vadd.s32 s19, v59;
	[tilespmem:v5+s10+$0x0] =	vst.idx.add.f32.msk $0xffff, v1  }
0x10f: {  	v7 =	vadd.s32 s2, v7;
	v5 =	vld [tilespmem:s9+$0x20]  }
0x110: {  	[tilespmem:v2+s10+$0x0] =	vst.idx.add.f32.msk $0xffff, v1  }
0x111: {  	[tilespmem:v3+s10+$0x0] =	vst.idx.add.f32.msk $0xffff, v1;
	v6 =	vadd.s32 s16, v6  }
0x112: {  	v3 =	vld [tilespmem:s23+$0x20]  }
0x113: {  	[tilespmem:v4+s10+$0x0] =	vst.idx.add.f32.msk $0xffff, v1  }
0x114: {  	[tilespmem:v7+s10+$0x0] =	vst.idx.add.f32.msk $0xffff, v1;
	v5 =	vadd.s32 s0, v5  }
0x115: {  	v4 =	vld [tilespmem:s14+$0x20]  }
0x116: {  	s3 =	smov.u32 s7;
	s7 =	sor.u32 $0x438, s13;
	v2 =	vadd.s32 s5, v60;
	[tilespmem:v6+s10+$0x0] =	vst.idx.add.f32.msk $0xffff, v1  }
0x117: {  	v6 =	vld [tilespmem:s7+$0x0]  }
0x118: {  	v7 =	vld [tilespmem:s11+$0x20];
	v3 =	vadd.s32 s15, v3  }
0x119: {  	[tilespmem:v5+s10+$0x0] =	vst.idx.add.f32.msk $0xffff, v1  }
0x11a: {  	v5 =	vld [tilespmem:s9+$0x30]  }
0x11b: {  	[tilespmem:v2+s10+$0x0] =	vst.idx.add.f32.msk $0xffff, v1;
	v2 =	vadd.s32 s2, v4  }
0x11c: {  	v6 =	vadd.s32 s16, v6  }
0x11d: {  	[tilespmem:v3+s10+$0x0] =	vst.idx.add.f32.msk $0xffff, v1  }
0x11e: {  	[dreg:$0x1d] =	wrdreg s6;
	s6 =	smov.u32 s31;
	v3 =	vld [tilespmem:s23+$0x30];
	s16 =	smov.u32 s0  }
0x11f: {  	v4 =	vadd.s32 s16, v5;
	v5 =	vadd.s32 s19, v7;
	v7 =	vld [tilespmem:s6+$0x0]  }
0x120: {  	[tilespmem:v2+s10+$0x0] =	vst.idx.add.f32.msk $0xffff, v1  }
0x121: {  	s8 =	rddreg [dreg:$0x3];
	[tilespmem:v6+s10+$0x0] =	vst.idx.add.f32.msk vm0, v1  }
0x122: {  	v6 =	vld [tilespmem:s8+$0x0]  }
0x123: {  	v2 =	vadd.s32 s15, v3;
	v3 =	vld [tilespmem:s14+$0x30]  }
0x124: {  	[tilespmem:v4+s10+$0x0] =	vst.idx.add.f32.msk $0xffff, v1  }
0x125: {  	[tilespmem:v5+s10+$0x0] =	vst.idx.add.f32.msk $0xffff, v1  }
0x126: {  	v4 =	vld [tilespmem:s9+$0x40]  }
0x127: {  	v5 =	vadd.s32 s18, v7;
	v6 =	vadd.s32 s17, v6;
	v7 =	vld [tilespmem:s11+$0x30];
	_ =	sdelay $0x1  }
0x128: {  	[tilespmem:v2+s10+$0x0] =	vst.idx.add.f32.msk $0xffff, v1;
	v2 =	vadd.s32 s2, v3  }
0x129: {  	s24 =	rddreg [dreg:$0x1d];
	v3 =	vld [tilespmem:s23+$0x40]  }
0x12a: {  	v61 =	vld [tilespmem:s24+$0x0];
	v4 =	vadd.s32 s16, v4  }
0x12b: {  	[tilespmem:v6+s10+$0x0] =	vst.idx.add.f32.msk $0xffff, v1;
	v6 =	vadd.s32 s19, v7  }
0x12c: {  	[tilespmem:v5+s10+$0x0] =	vst.idx.add.f32.msk $0xffff, v1  }
0x12d: {  	[tilespmem:v2+s10+$0x0] =	vst.idx.add.f32.msk $0xffff, v1  }
0x12e: {  	v2 =	vadd.s32 s15, v3;
	v3 =	vld [tilespmem:s14+$0x40]  }
0x12f: {  	[tilespmem:v4+s10+$0x0] =	vst.idx.add.f32.msk $0xffff, v1  }
0x130: {  	[tilespmem:v6+s10+$0x0] =	vst.idx.add.f32.msk $0xffff, v1  }
0x131: {  	v5 =	vld [tilespmem:s9+$0x50]  }
0x132: {  	s31 =	sor.u32 $0x420, s1;
	v4 =	vadd.s32 s5, v61;
	v6 =	vld [tilespmem:s11+$0x40]  }
0x133: {  	[dreg:$0x1b] =	wrdreg s26;
	s26 =	sor.u32 $0x430, s1;
	s1 =	sor.u32 $0x438, s1  }
0x134: {  	[dreg:$0x18] =	wrdreg s1;
	[tilespmem:v2+s10+$0x0] =	vst.idx.add.f32.msk $0xffff, v1;
	v2 =	vadd.s32 s2, v3  }
0x135: {  	s1 =	rddreg [dreg:$0x1a];
	v3 =	vld [tilespmem:s23+$0x50]  }
0x136: {  	v7 =	vld [tilespmem:s1+$0x0];
	v5 =	vadd.s32 s16, v5  }
0x137: {  	s13 =	smov.u32 s31;
	s31 =	smov.u32 s29;
	s29 =	rddreg [dreg:$0x1e];
	[tilespmem:v4+s10+$0x0] =	vst.idx.add.f32.msk $0xffff, v1;
	v6 =	vadd.s32 s19, v6  }
0x138: {  	v4 =	vld [tilespmem:s29+$0x0]  }
0x139: {  	[tilespmem:v2+s10+$0x0] =	vst.idx.add.f32.msk $0xffff, v1  }
0x13a: {  	v2 =	vadd.s32 s15, v3;
	v3 =	vld [tilespmem:s14+$0x50]  }
0x13b: {  	[tilespmem:v5+s10+$0x0] =	vst.idx.add.f32.msk $0xffff, v1  }
0x13c: {  	[tilespmem:v6+s10+$0x0] =	vst.idx.add.f32.msk $0xffff, v1  }
0x13d: {  	v5 =	vld [tilespmem:s9+$0x60]  }
0x13e: {  	v4 =	vadd.s32 s17, v4;
	v6 =	vadd.s32 s18, v7;
	v7 =	vld [tilespmem:s11+$0x50]  }
0x13f: {  	[tilespmem:v2+s10+$0x0] =	vst.idx.add.f32.msk $0xffff, v1  }
0x140: {  	v2 =	vadd.s32 s2, v3;
	v3 =	vld [tilespmem:s23+$0x60]  }
0x141: {  	s7 =	rddreg [dreg:$0x16]  }
0x142: {  	v62 =	vld [tilespmem:s7+$0x0];
	v5 =	vadd.s32 s16, v5  }
0x143: {  	[tilespmem:v4+s10+$0x0] =	vst.idx.add.f32.msk $0xffff, v1;
	v4 =	vadd.s32 s19, v7  }
0x144: {  	[tilespmem:v6+s10+$0x0] =	vst.idx.add.f32.msk $0xffff, v1  }
0x145: {  	[tilespmem:v2+s10+$0x0] =	vst.idx.add.f32.msk $0xffff, v1;
	v2 =	vadd.s32 s15, v3  }
0x146: {  	v3 =	vld [tilespmem:s14+$0x60]  }
0x147: {  	[tilespmem:v5+s10+$0x0] =	vst.idx.add.f32.msk $0xffff, v1  }
0x148: {  	[tilespmem:v4+s10+$0x0] =	vst.idx.add.f32.msk $0xffff, v1  }
0x149: {  	v6 =	vld [tilespmem:s9+$0x70]  }
0x14a: {  	v5 =	vadd.s32 s5, v62;
	[tilespmem:v2+s10+$0x0] =	vst.idx.add.f32.msk $0xffff, v1  }
0x14b: {  	v4 =	vld [tilespmem:s11+$0x60]  }
0x14c: {  	v2 =	vadd.s32 s2, v3;
	v3 =	vld [tilespmem:s23+$0x70]  }
0x14d: {  	s9 =	rddreg [dreg:$0xf]  }
0x14e: {  	s22 =	sadd.s32 $0x2, s22;
	[dreg:$0x3] =	wrdreg s13;
	s6 =	smov.u32 s28;
	v7 =	vld [tilespmem:s9+$0x0];
	v6 =	vadd.s32 s16, v6  }
0x14f: {  	s28 =	smov.u32 s26;
	s26 =	sand.u32 $0x3, s22;
	s29 =	rddreg [dreg:$0x9];
	[tilespmem:v5+s10+$0x0] =	vst.idx.add.f32.msk $0xffff, v1  }
0x150: {  	s13 =	rddreg [dreg:$0x1b];
	s0 =	sshll.u32 s26, $0x8;
	v5 =	vld [tilespmem:s29+$0x0];
	v4 =	vadd.s32 s19, v4  }
0x151: {  	s0 =	sadd.s32 s20, s0;
	s24 =	smov.u32 s13;
	s13 =	rddreg [dreg:$0x15];
	[tilespmem:v2+s10+$0x0] =	vst.idx.add.f32.msk $0xffff, v1;
	v2 =	vadd.s32 s15, v3  }
0x152: {  	s1 =	smov.u32 s13;
	s13 =	sadd.s32 $0x100, s0;
	v3 =	vld [tilespmem:s14+$0x70]  }
0x153: {  	s0 =	sor.u32 $0x400, s13;
	[tilespmem:v6+s10+$0x0] =	vst.idx.add.f32.msk $0xffff, v1  }
0x154: {  	v6 =	vld [tilespmem:s0+$0x0]  }
0x155: {  	v5 =	vadd.s32 s17, v5;
	[tilespmem:v4+s10+$0x0] =	vst.idx.add.f32.msk $0xffff, v1  }
0x156: {  	v4 =	vadd.s32 s18, v7;
	s18 =	smov.u32 s2;
	[tilespmem:v2+s10+$0x0] =	vst.idx.add.f32.msk $0xffff, v1  }
0x157: {  	s14 =	rddreg [dreg:$0xe];
	v7 =	vld [tilespmem:s11+$0x70];
	v2 =	vadd.s32 s18, v3  }
0x158: {  	s4 =	sadd.s32 $0x4, s4;
	s23 =	rddreg [dreg:$0xc];
	v3 =	vld [tilespmem:s14+$0x0]  }
0x159: {  	p1 =	slt.u32 s4, $0x7C;
	[dreg:$0x5] =	wrdreg s3;
	v63 =	vld [tilespmem:s23+$0x0];
	v6 =	vadd.s32 s16, v6  }
.Ltmp1:
0x15a: {  	s3 =	rddreg [dreg:$0x1f];
	[tilespmem:v5+s10+$0x0] =	vst.idx.add.f32.msk vm0, v1;
	(pc) =	sbr.rel @p1 .LBB2_4-.Ltmp1, $4  }
0x15b: {  	s8 =	smov.u32 s3;
	s3 =	rddreg [dreg:$0x18];
	[tilespmem:v4+s10+$0x0] =	vst.idx.add.f32.msk vm0, v1  }
0x15c: {  	s30 =	sadd.s32 $0x4, s30;
	p0 =	por !p0, !p0;
	s29 =	rddreg [dreg:$0x7];
	[tilespmem:v2+s10+$0x0] =	vst.idx.add.f32.msk $0xffff, v1  }
0x15d: {  	s26 =	rddreg [dreg:$0x12];
	s7 =	smov.u32 s3;
	s17 =	smov.u32 s15;
	v4 =	vld [tilespmem:s29+$0x0]  }
0x15e: {  	s3 =	smov.u32 s26;
	s15 =	rddreg [dreg:$0x13];
	s0 =	sor.u32 $0x410, s13;
	v5 =	vadd.s32 s19, v7;
	v3 =	vadd.s32 s17, v3;
	v2 =	vadd.s32 s5, v63;
	[tilespmem:v6+s10+$0x0] =	vst.idx.add.f32.msk $0xffff, v1  }
0x15f: {  	_ =	sdelay $0x3  }
0x160: {  	[tilespmem:v5+s10+$0x0] =	vst.idx.add.f32.msk $0xffff, v1  }
0x161: {  	v5 =	vld [tilespmem:s25+$0x0];
	_ =	sdelay $0x3  }
0x162: {  	v4 =	vadd.s32 s18, v4  }
0x163: {  	v5 =	vadd.s32 s19, v5  }
0x164: {  	v6 =	vld [tilespmem:s0+$0x0]  }
0x165: {  	[tilespmem:v3+s10+$0x0] =	vst.idx.add.f32.msk $0xffff, v1  }
0x166: {  	v3 =	vld [tilespmem:s15+$0x0]  }
0x167: {  	[tilespmem:v4+s10+$0x0] =	vst.idx.add.f32.msk $0xffff, v1  }
0x168: {  	[tilespmem:v5+s10+$0x0] =	vst.idx.add.f32.msk $0xffff, v1  }
0x169: {  	s21 =	rddreg [dreg:$0x6]  }
0x16a: {  	s22 =	rddreg [dreg:$0x5];
	v4 =	vld [tilespmem:s21+$0x0]  }
0x16b: {  	v5 =	vld [tilespmem:s22+$0x0]  }
0x16c: {  	v6 =	vadd.s32 s16, v6  }
0x16d: {  	v3 =	vadd.s32 s17, v3;
	_ =	sdelay $0x1  }
0x16e: {  	v4 =	vadd.s32 s18, v4  }
0x16f: {  	v5 =	vadd.s32 s19, v5  }
0x170: {  	[tilespmem:v6+s10+$0x0] =	vst.idx.add.f32.msk $0xffff, v1  }
0x171: {  	s23 =	sor.u32 $0x420, s13;
	[tilespmem:v3+s10+$0x0] =	vst.idx.add.f32.msk $0xffff, v1  }
0x172: {  	v6 =	vld [tilespmem:s23+$0x0]  }
0x173: {  	[tilespmem:v4+s10+$0x0] =	vst.idx.add.f32.msk $0xffff, v1  }
0x174: {  	[tilespmem:v5+s10+$0x0] =	vst.idx.add.f32.msk $0xffff, v1  }
0x175: {  	v4 =	vld [tilespmem:s31+$0x0]  }
0x176: {  	s25 =	rddreg [dreg:$0x3];
	v5 =	vld [tilespmem:s6+$0x0]  }
0x177: {  	v3 =	vld [tilespmem:s25+$0x0]  }
0x178: {  	v6 =	vadd.s32 s16, v6;
	_ =	sdelay $0x1  }
0x179: {  	v4 =	vadd.s32 s18, v4  }
0x17a: {  	v5 =	vadd.s32 s19, v5  }
0x17b: {  	v3 =	vadd.s32 s17, v3  }
0x17c: {  	s26 =	sor.u32 $0x430, s13;
	[tilespmem:v6+s10+$0x0] =	vst.idx.add.f32.msk $0xffff, v1  }
0x17d: {  	v6 =	vld [tilespmem:s26+$0x0]  }
0x17e: {  	[tilespmem:v4+s10+$0x0] =	vst.idx.add.f32.msk $0xffff, v1  }
0x17f: {  	[tilespmem:v5+s10+$0x0] =	vst.idx.add.f32.msk $0xffff, v1  }
0x180: {  	[tilespmem:v3+s10+$0x0] =	vst.idx.add.f32.msk $0xffff, v1  }
0x181: {  	v4 =	vld [tilespmem:s8+$0x0]  }
0x182: {  	v5 =	vld [tilespmem:s24+$0x0]  }
0x183: {  	v3 =	vld [tilespmem:s28+$0x0]  }
0x184: {  	v6 =	vadd.s32 s16, v6;
	_ =	sdelay $0x1  }
0x185: {  	v4 =	vadd.s32 s18, v4  }
0x186: {  	v5 =	vadd.s32 s19, v5  }
0x187: {  	v3 =	vadd.s32 s17, v3  }
0x188: {  	[tilespmem:v6+s10+$0x0] =	vst.idx.add.f32.msk $0xffff, v1;
	s28 =	sor.u32 $0x438, s13  }
0x189: {  	v6 =	vld [tilespmem:s28+$0x0]  }
0x18a: {  	[tilespmem:v4+s10+$0x0] =	vst.idx.add.f32.msk $0xffff, v1  }
0x18b: {  	[tilespmem:v5+s10+$0x0] =	vst.idx.add.f32.msk $0xffff, v1  }
0x18c: {  	[tilespmem:v3+s10+$0x0] =	vst.idx.add.f32.msk $0xffff, v1  }
0x18d: {  	v4 =	vld [tilespmem:s1+$0x0]  }
0x18e: {  	v5 =	vld [tilespmem:s3+$0x0]  }
0x18f: {  	v3 =	vld [tilespmem:s7+$0x0];
	_ =	sdelay $0x1  }
0x190: {  	v6 =	vadd.s32 s16, v6  }
0x191: {  	v4 =	vadd.s32 s18, v4  }
0x192: {  	v5 =	vadd.s32 s19, v5  }
0x193: {  	v3 =	vadd.s32 s17, v3  }
0x194: {  	[tilespmem:v2+s10+$0x0] =	vst.idx.add.f32.msk vm0, v1  }
0x195: {  	[tilespmem:v6+s10+$0x0] =	vst.idx.add.f32.msk vm0, v1  }
0x196: {  	[tilespmem:v4+s10+$0x0] =	vst.idx.add.f32.msk vm0, v1  }
0x197: {  	[tilespmem:v5+s10+$0x0] =	vst.idx.add.f32.msk vm0, v1  }
0x198: {  	[tilespmem:v3+s10+$0x0] =	vst.idx.add.f32.msk vm0, v1  }
0x199: {  	s30 =	sld [smem:$0x7FB];
	_ =	sdelay $0x1  }
0x19a: {  	s29 =	simm.s32 $0x0;
	s31 =	simm.s32 $0x2  }
0x19b: {  	[hbm4b:s30+s29] =	stream.linear.scatter [tilespmem:s10], [sflag:$0x3], $0x800, $0x38;
	[tilespmem:$0x11000] =	vst v63  }
0x19c: {  	_ =	swait.ge [sflag:s31], $0x8000  }
0x19d: {  	[sflag:s31] =	ssyncset.done $0x0  }
0x19e: {  	s0 =	simm.s32 $0x10840;
	[sflag:s31] =	ssyncadd.s32 $0xFFFF8000  }
0x19f: {  	[tilespmem:s0+$0xFFFFFFC0] =	vst v0  }
0x1a0: {  	[tilespmem:s0+$0x30] =	vst v0  }
0x1a1: {  	[tilespmem:s0+$0x20] =	vst v0  }
0x1a2: {  	[tilespmem:s0+$0x10] =	vst v0  }
0x1a3: {  	[tilespmem:s0+$0x0] =	vst v0  }
0x1a4: {  	[tilespmem:s0+$0xFFFFFFF0] =	vst v0  }
0x1a5: {  	s1 =	simm.s32 $0x0;
	[tilespmem:s0+$0xFFFFFFE0] =	vst v0  }
.LBB2_6:
0x1a6: {  	s1 =	sadd.s32 $0x80, s1;
	[tilespmem:s0+$0xFFFFFFD0] =	vst v0;
	s0 =	sadd.s32 $0x80, s0  }
0x1a7: {  	[tilespmem:s0+$0xFFFFFFC0] =	vst v0;
	p1 =	slt.u32 s1, $0x780  }
0x1a8: {  	[tilespmem:s0+$0x30] =	vst v0  }
.Ltmp2:
0x1a9: {  	[tilespmem:s0+$0x20] =	vst v0;
	(pc) =	sbr.rel @p1 .LBB2_6-.Ltmp2, $4  }
0x1aa: {  	[tilespmem:s0+$0x10] =	vst v0  }
0x1ab: {  	[tilespmem:s0+$0x0] =	vst v0  }
0x1ac: {  	p0 =	por $0x0, $0x0;
	[tilespmem:s0+$0xFFFFFFF0] =	vst v0  }
0x1ad: {  	s4 =	simm.s32 $0x180;
	s2 =	simm.s32 $0x30;
	s3 =	simm.s32 $0x0;
	[tilespmem:s0+$0xFFFFFFE0] =	vst v0  }
0x1ae: {  	s1 =	sand.u32 $0x7800, s3  }
0x1af: {  	s4 =	sand.u32 $0x380, s4;
	s21 =	simm.s32 $0x0;
	s1 =	sor.u32 $0x8000, s1  }
0x1b0: {  	[tilespmem:s0+$0xFFFFFFD0] =	vst v0;
	s0 =	sand.u32 $0x200, s21;
	s7 =	sor.u32 s4, s1  }
0x1b1: {  	s6 =	sor.u32 s0, s1;
	v2 =	vld [tilespmem:s7+$0x0]  }
0x1b2: {  	v3 =	vld [tilespmem:s6+$0x0];
	_ =	sdelay $0x1  }
0x1b3: {  	s22 =	simm.s32 $0x80  }
0x1b4: {  	s0 =	sand.u32 $0x280, s22  }
0x1b5: {  	s23 =	sor.u32 s0, s1;
	s0 =	simm.s32 $0x0;
	v2 =	vadd.s32 s2, v2  }
0x1b6: {  	v3 =	vadd.s32 s0, v3;
	_ =	sdelay $0x2  }
0x1b7: {  	v4 =	vld [tilespmem:s23+$0x0]  }
0x1b8: {  	[tilespmem:v2+s12+$0x0] =	vst.idx.add.f32.msk $0xffff, v1  }
0x1b9: {  	[tilespmem:v3+s12+$0x0] =	vst.idx.add.f32.msk $0xffff, v1  }
0x1ba: {  	s5 =	simm.s32 $0x100;
	v2 =	vld [tilespmem:s7+$0x10]  }
0x1bb: {  	s5 =	sand.u32 $0x300, s5;
	v3 =	vld [tilespmem:s6+$0x10]  }
0x1bc: {  	s5 =	sor.u32 s5, s1;
	s1 =	simm.s32 $0x10  }
0x1bd: {  	v4 =	vadd.s32 s1, v4;
	_ =	sdelay $0x1  }
0x1be: {  	v2 =	vadd.s32 s2, v2  }
0x1bf: {  	v3 =	vadd.s32 s0, v3  }
0x1c0: {  	v5 =	vld [tilespmem:s5+$0x0]  }
0x1c1: {  	[tilespmem:v4+s12+$0x0] =	vst.idx.add.f32.msk $0xffff, v1  }
0x1c2: {  	v4 =	vld [tilespmem:s23+$0x10]  }
0x1c3: {  	[tilespmem:v2+s12+$0x0] =	vst.idx.add.f32.msk $0xffff, v1  }
0x1c4: {  	[tilespmem:v3+s12+$0x0] =	vst.idx.add.f32.msk $0xffff, v1  }
0x1c5: {  	s28 =	simm.s32 $0x20;
	v2 =	vld [tilespmem:s7+$0x20]  }
0x1c6: {  	v5 =	vadd.s32 s28, v5;
	v3 =	vld [tilespmem:s6+$0x20];
	_ =	sdelay $0x1  }
0x1c7: {  	v4 =	vadd.s32 s1, v4;
	_ =	sdelay $0x1  }
0x1c8: {  	v2 =	vadd.s32 s2, v2  }
0x1c9: {  	[tilespmem:v5+s12+$0x0] =	vst.idx.add.f32.msk $0xffff, v1;
	v3 =	vadd.s32 s0, v3  }
0x1ca: {  	v5 =	vld [tilespmem:s5+$0x10]  }
0x1cb: {  	[tilespmem:v4+s12+$0x0] =	vst.idx.add.f32.msk $0xffff, v1  }
0x1cc: {  	v4 =	vld [tilespmem:s23+$0x20]  }
0x1cd: {  	[tilespmem:v2+s12+$0x0] =	vst.idx.add.f32.msk $0xffff, v1  }
0x1ce: {  	[tilespmem:v3+s12+$0x0] =	vst.idx.add.f32.msk $0xffff, v1  }
0x1cf: {  	v2 =	vld [tilespmem:s7+$0x30]  }
0x1d0: {  	v5 =	vadd.s32 s28, v5;
	v3 =	vld [tilespmem:s6+$0x30];
	_ =	sdelay $0x1  }
0x1d1: {  	v4 =	vadd.s32 s1, v4;
	_ =	sdelay $0x1  }
0x1d2: {  	v2 =	vadd.s32 s2, v2  }
0x1d3: {  	[tilespmem:v5+s12+$0x0] =	vst.idx.add.f32.msk $0xffff, v1;
	v3 =	vadd.s32 s0, v3  }
0x1d4: {  	v5 =	vld [tilespmem:s5+$0x20]  }
0x1d5: {  	[tilespmem:v4+s12+$0x0] =	vst.idx.add.f32.msk $0xffff, v1  }
0x1d6: {  	v4 =	vld [tilespmem:s23+$0x30]  }
0x1d7: {  	[tilespmem:v2+s12+$0x0] =	vst.idx.add.f32.msk $0xffff, v1  }
0x1d8: {  	[tilespmem:v3+s12+$0x0] =	vst.idx.add.f32.msk $0xffff, v1  }
0x1d9: {  	v2 =	vld [tilespmem:s7+$0x40]  }
0x1da: {  	v5 =	vadd.s32 s28, v5;
	v3 =	vld [tilespmem:s6+$0x40];
	_ =	sdelay $0x1  }
0x1db: {  	v4 =	vadd.s32 s1, v4;
	_ =	sdelay $0x1  }
0x1dc: {  	v2 =	vadd.s32 s2, v2  }
0x1dd: {  	[tilespmem:v5+s12+$0x0] =	vst.idx.add.f32.msk $0xffff, v1;
	v3 =	vadd.s32 s0, v3  }
0x1de: {  	v5 =	vld [tilespmem:s5+$0x30]  }
0x1df: {  	[tilespmem:v4+s12+$0x0] =	vst.idx.add.f32.msk $0xffff, v1  }
0x1e0: {  	v4 =	vld [tilespmem:s23+$0x40]  }
0x1e1: {  	[tilespmem:v2+s12+$0x0] =	vst.idx.add.f32.msk $0xffff, v1  }
0x1e2: {  	[tilespmem:v3+s12+$0x0] =	vst.idx.add.f32.msk $0xffff, v1  }
0x1e3: {  	v2 =	vld [tilespmem:s7+$0x50]  }
0x1e4: {  	v5 =	vadd.s32 s28, v5;
	v3 =	vld [tilespmem:s6+$0x50];
	_ =	sdelay $0x1  }
0x1e5: {  	v4 =	vadd.s32 s1, v4;
	_ =	sdelay $0x1  }
0x1e6: {  	v2 =	vadd.s32 s2, v2  }
0x1e7: {  	[tilespmem:v5+s12+$0x0] =	vst.idx.add.f32.msk $0xffff, v1;
	v3 =	vadd.s32 s0, v3  }
0x1e8: {  	v5 =	vld [tilespmem:s5+$0x40]  }
0x1e9: {  	[tilespmem:v4+s12+$0x0] =	vst.idx.add.f32.msk $0xffff, v1  }
0x1ea: {  	v4 =	vld [tilespmem:s23+$0x50]  }
0x1eb: {  	[tilespmem:v2+s12+$0x0] =	vst.idx.add.f32.msk $0xffff, v1  }
0x1ec: {  	[tilespmem:v3+s12+$0x0] =	vst.idx.add.f32.msk $0xffff, v1  }
0x1ed: {  	v5 =	vadd.s32 s28, v5;
	v2 =	vld [tilespmem:s7+$0x60]  }
0x1ee: {  	v3 =	vld [tilespmem:s6+$0x60];
	_ =	sdelay $0x1  }
0x1ef: {  	v4 =	vadd.s32 s1, v4;
	_ =	sdelay $0x1  }
0x1f0: {  	[tilespmem:v5+s12+$0x0] =	vst.idx.add.f32.msk $0xffff, v1;
	v2 =	vadd.s32 s2, v2  }
0x1f1: {  	v5 =	vld [tilespmem:s5+$0x50];
	v3 =	vadd.s32 s0, v3;
	_ =	sdelay $0x1  }
0x1f2: {  	[tilespmem:v4+s12+$0x0] =	vst.idx.add.f32.msk $0xffff, v1  }
0x1f3: {  	v4 =	vld [tilespmem:s23+$0x60]  }
0x1f4: {  	[tilespmem:v2+s12+$0x0] =	vst.idx.add.f32.msk $0xffff, v1  }
0x1f5: {  	v5 =	vadd.s32 s28, v5;
	[tilespmem:v3+s12+$0x0] =	vst.idx.add.f32.msk $0xffff, v1  }
0x1f6: {  	v2 =	vld [tilespmem:s7+$0x70]  }
0x1f7: {  	v3 =	vld [tilespmem:s6+$0x70]  }
0x1f8: {  	v4 =	vadd.s32 s1, v4;
	_ =	sdelay $0x1  }
0x1f9: {  	[tilespmem:v5+s12+$0x0] =	vst.idx.add.f32.msk $0xffff, v1  }
0x1fa: {  	v5 =	vld [tilespmem:s5+$0x60];
	v2 =	vadd.s32 s2, v2  }
0x1fb: {  	v3 =	vadd.s32 s0, v3  }
0x1fc: {  	s24 =	sand.u32 $0x7, s3;
	[tilespmem:v4+s12+$0x0] =	vst.idx.add.f32.msk $0xffff, v1  }
0x1fd: {  	s6 =	sshll.u32 s24, $0x7;
	s7 =	simm.s32 $0x1;
	v4 =	vld [tilespmem:s23+$0x70]  }
0x1fe: {  	s6 =	sadd.s32 $0x0, s6;
	s7 =	simm.s32 @!p0 $0x0  }
0x1ff: {  	v5 =	vadd.s32 s28, v5;
	s11 =	sadd.s32 $0x180, s6;
	s26 =	sshll.u32 s7, $0x9;
	[tilespmem:v2+s12+$0x0] =	vst.idx.add.f32.msk $0xffff, v1  }
0x200: {  	s25 =	sor.u32 $0x400, s11;
	s4 =	sadd.s32 $0x0, s26;
	[tilespmem:v3+s12+$0x0] =	vst.idx.add.f32.msk $0xffff, v1  }
0x201: {  	s31 =	sor.u32 $0x400, s4;
	v2 =	vld [tilespmem:s25+$0x8000]  }
0x202: {  	v3 =	vadd.s32 s1, v4;
	v4 =	vld [tilespmem:s31+$0x8000];
	_ =	sdelay $0x1  }
0x203: {  	[tilespmem:v5+s12+$0x0] =	vst.idx.add.f32.msk $0xffff, v1  }
0x204: {  	v5 =	vld [tilespmem:s5+$0x70]  }
0x205: {  	v2 =	vadd.s32 s2, v2  }
0x206: {  	s5 =	sand.u32 $0x3, s3;
	[tilespmem:v3+s12+$0x0] =	vst.idx.add.f32.msk $0xffff, v1;
	v3 =	vadd.s32 s0, v4  }
0x207: {  	s3 =	sshll.u32 s5, $0x8;
	s5 =	sadd.s32 $0x80, s6  }
0x208: {  	s18 =	simm.s32 $0x400;
	s8 =	sor.u32 $0x400, s5  }
0x209: {  	s19 =	simm.s32 $0x380;
	s13 =	sand.u32 $0x7800, s18;
	v5 =	vadd.s32 s28, v5;
	v4 =	vld [tilespmem:s8+$0x8000]  }
0x20a: {  	s15 =	sand.u32 $0x380, s19;
	s14 =	sor.u32 $0x8000, s13;
	[tilespmem:v2+s12+$0x0] =	vst.idx.add.f32.msk $0xffff, v1  }
0x20b: {  	s8 =	sor.u32 s15, s14;
	[tilespmem:v3+s12+$0x0] =	vst.idx.add.f32.msk $0xffff, v1  }
0x20c: {  	s3 =	sadd.s32 $0x0, s3;
	s7 =	sor.u32 $0x410, s11;
	v3 =	vld [tilespmem:s8+$0x0]  }
0x20d: {  	s3 =	sadd.s32 $0x100, s3;
	v2 =	vld [tilespmem:s7+$0x8000]  }
0x20e: {  	s20 =	simm.s32 $0x300;
	s13 =	simm.s32 $0x280;
	s9 =	sor.u32 $0x400, s3;
	[tilespmem:v5+s12+$0x0] =	vst.idx.add.f32.msk $0xffff, v1  }
0x20f: {  	s17 =	sand.u32 $0x280, s13;
	s13 =	sand.u32 $0x300, s20;
	v5 =	vld [tilespmem:s9+$0x8000];
	s9 =	simm.s32 $0x200  }
0x210: {  	s20 =	simm.s32 $0x70;
	s6 =	sor.u32 s13, s14;
	s9 =	sand.u32 $0x200, s9;
	v4 =	vadd.s32 s1, v4  }
0x211: {  	v9 =	vld [tilespmem:s6+$0x0];
	s9 =	sor.u32 s9, s14;
	v3 =	vadd.s32 s20, v3  }
0x212: {  	v7 =	vld [tilespmem:s9+$0x0];
	s7 =	sor.u32 s17, s14;
	v2 =	vadd.s32 s2, v2  }
0x213: {  	s16 =	sor.u32 $0x410, s4;
	v8 =	vld [tilespmem:s7+$0x0]  }
0x214: {  	v6 =	vld [tilespmem:s16+$0x8000]  }
0x215: {  	v5 =	vadd.s32 s28, v5;
	[tilespmem:v4+s12+$0x0] =	vst.idx.add.f32.msk $0xffff, v1  }
0x216: {  	s17 =	simm.s32 $0x40;
	[tilespmem:v3+s12+$0x0] =	vst.idx.add.f32.msk $0xffff, v1  }
0x217: {  	s16 =	simm.s32 $0x50;
	v7 =	vadd.s32 s17, v7;
	[tilespmem:v2+s12+$0x0] =	vst.idx.add.f32.msk $0xffff, v1  }
0x218: {  	s21 =	sor.u32 $0x420, s11;
	v4 =	vadd.s32 s16, v8;
	v3 =	vld [tilespmem:s8+$0x10]  }
0x219: {  	v2 =	vld [tilespmem:s21+$0x8000];
	s21 =	simm.s32 $0x60  }
0x21a: {  	s22 =	sor.u32 $0x410, s5;
	[tilespmem:v5+s12+$0x0] =	vst.idx.add.f32.msk $0xffff, v1;
	v5 =	vadd.s32 s21, v9  }
0x21b: {  	v57 =	vld [tilespmem:s22+$0x8000]  }
0x21c: {  	[tilespmem:v7+s12+$0x0] =	vst.idx.add.f32.msk $0xffff, v1  }
0x21d: {  	[tilespmem:v4+s12+$0x0] =	vst.idx.add.f32.msk $0xffff, v1;
	v3 =	vadd.s32 s20, v3  }
0x21e: {  	v4 =	vld [tilespmem:s9+$0x10];
	v2 =	vadd.s32 s2, v2  }
0x21f: {  	[tilespmem:v5+s12+$0x0] =	vst.idx.add.f32.msk $0xffff, v1  }
0x220: {  	v5 =	vadd.s32 s0, v6;
	v6 =	vld [tilespmem:s7+$0x10]  }
0x221: {  	v58 =	vld [tilespmem:s6+$0x10]  }
0x222: {  	[tilespmem:v3+s12+$0x0] =	vst.idx.add.f32.msk $0xffff, v1  }
0x223: {  	v7 =	vadd.s32 s1, v57;
	[tilespmem:v2+s12+$0x0] =	vst.idx.add.f32.msk $0xffff, v1  }
0x224: {  	s23 =	sor.u32 $0x430, s11;
	v4 =	vadd.s32 s17, v4;
	v3 =	vld [tilespmem:s8+$0x20]  }
0x225: {  	v2 =	vld [tilespmem:s23+$0x8000]  }
0x226: {  	s24 =	sor.u32 $0x410, s3;
	[tilespmem:v5+s12+$0x0] =	vst.idx.add.f32.msk $0xffff, v1;
	v5 =	vadd.s32 s16, v6  }
0x227: {  	v59 =	vld [tilespmem:s24+$0x8000];
	v6 =	vadd.s32 s21, v58  }
0x228: {  	[tilespmem:v7+s12+$0x0] =	vst.idx.add.f32.msk $0xffff, v1  }
0x229: {  	[tilespmem:v4+s12+$0x0] =	vst.idx.add.f32.msk $0xffff, v1  }
0x22a: {  	v4 =	vld [tilespmem:s9+$0x20];
	v3 =	vadd.s32 s20, v3  }
0x22b: {  	v2 =	vadd.s32 s2, v2;
	[tilespmem:v5+s12+$0x0] =	vst.idx.add.f32.msk $0xffff, v1  }
0x22c: {  	[tilespmem:v6+s12+$0x0] =	vst.idx.add.f32.msk $0xffff, v1  }
0x22d: {  	v5 =	vadd.s32 s28, v59;
	v6 =	vld [tilespmem:s7+$0x20]  }
0x22e: {  	v7 =	vld [tilespmem:s6+$0x20]  }
0x22f: {  	v4 =	vadd.s32 s17, v4;
	[tilespmem:v3+s12+$0x0] =	vst.idx.add.f32.msk $0xffff, v1  }
0x230: {  	[tilespmem:v2+s12+$0x0] =	vst.idx.add.f32.msk $0xffff, v1  }
0x231: {  	v3 =	vld [tilespmem:s8+$0x30]  }
0x232: {  	s11 =	sor.u32 $0x438, s11;
	[tilespmem:v5+s12+$0x0] =	vst.idx.add.f32.msk $0xffff, v1  }
0x233: {  	v2 =	vld [tilespmem:s11+$0x8000]  }
0x234: {  	[tilespmem:v4+s12+$0x0] =	vst.idx.add.f32.msk $0xffff, v1;
	v4 =	vadd.s32 s16, v6  }
0x235: {  	v5 =	vld [tilespmem:s9+$0x30]  }
0x236: {  	v6 =	vadd.s32 s21, v7  }
0x237: {  	s26 =	sor.u32 $0x420, s5;
	v3 =	vadd.s32 s20, v3  }
0x238: {  	v7 =	vld [tilespmem:s26+$0x8000];
	v2 =	vadd.s32 s2, v2  }
0x239: {  	[tilespmem:v4+s12+$0x0] =	vst.idx.add.f32.msk $0xffff, v1  }
0x23a: {  	v4 =	vadd.s32 s17, v5;
	v5 =	vld [tilespmem:s7+$0x30]  }
0x23b: {  	[tilespmem:v6+s12+$0x0] =	vst.idx.add.f32.msk $0xffff, v1  }
0x23c: {  	[tilespmem:v3+s12+$0x0] =	vst.idx.add.f32.msk $0xffff, v1  }
0x23d: {  	s25 =	sor.u32 $0x420, s4;
	[tilespmem:v2+s12+$0x0] =	vst.idx.add.f32.msk vm0, v1  }
0x23e: {  	v2 =	vld [tilespmem:s25+$0x8000]  }
0x23f: {  	v3 =	vld [tilespmem:s8+$0x40]  }
0x240: {  	v6 =	vadd.s32 s1, v7;
	[tilespmem:v4+s12+$0x0] =	vst.idx.add.f32.msk $0xffff, v1  }
0x241: {  	v4 =	vadd.s32 s16, v5;
	v5 =	vld [tilespmem:s9+$0x40];
	_ =	sdelay $0x1  }
0x242: {  	s31 =	sor.u32 $0x420, s3;
	v7 =	vld [tilespmem:s6+$0x30];
	v2 =	vadd.s32 s0, v2  }
0x243: {  	v60 =	vld [tilespmem:s31+$0x8000];
	v3 =	vadd.s32 s20, v3  }
0x244: {  	[tilespmem:v6+s12+$0x0] =	vst.idx.add.f32.msk $0xffff, v1  }
0x245: {  	[tilespmem:v4+s12+$0x0] =	vst.idx.add.f32.msk $0xffff, v1;
	v4 =	vadd.s32 s17, v5  }
0x246: {  	v5 =	vld [tilespmem:s7+$0x40]  }
0x247: {  	[tilespmem:v2+s12+$0x0] =	vst.idx.add.f32.msk $0xffff, v1;
	v2 =	vadd.s32 s21, v7  }
0x248: {  	[tilespmem:v3+s12+$0x0] =	vst.idx.add.f32.msk $0xffff, v1  }
0x249: {  	v3 =	vadd.s32 s28, v60;
	v6 =	vld [tilespmem:s8+$0x50]  }
0x24a: {  	[tilespmem:v4+s12+$0x0] =	vst.idx.add.f32.msk $0xffff, v1  }
0x24b: {  	v4 =	vadd.s32 s16, v5;
	v5 =	vld [tilespmem:s9+$0x50]  }
0x24c: {  	[tilespmem:v2+s12+$0x0] =	vst.idx.add.f32.msk $0xffff, v1  }
0x24d: {  	v2 =	vld [tilespmem:s6+$0x40]  }
0x24e: {  	s11 =	sor.u32 $0x430, s4;
	[tilespmem:v3+s12+$0x0] =	vst.idx.add.f32.msk $0xffff, v1;
	v6 =	vadd.s32 s20, v6  }
0x24f: {  	v3 =	vld [tilespmem:s11+$0x8000]  }
0x250: {  	[tilespmem:v4+s12+$0x0] =	vst.idx.add.f32.msk $0xffff, v1;
	v4 =	vadd.s32 s17, v5  }
0x251: {  	s13 =	sor.u32 $0x430, s5;
	v5 =	vld [tilespmem:s7+$0x50]  }
0x252: {  	v7 =	vld [tilespmem:s13+$0x8000];
	v2 =	vadd.s32 s21, v2  }
0x253: {  	[tilespmem:v6+s12+$0x0] =	vst.idx.add.f32.msk $0xffff, v1  }
0x254: {  	v6 =	vld [tilespmem:s8+$0x60]  }
0x255: {  	[tilespmem:v4+s12+$0x0] =	vst.idx.add.f32.msk $0xffff, v1  }
0x256: {  	v3 =	vadd.s32 s0, v3;
	v4 =	vadd.s32 s16, v5;
	v5 =	vld [tilespmem:s9+$0x60]  }
0x257: {  	[tilespmem:v2+s12+$0x0] =	vst.idx.add.f32.msk $0xffff, v1;
	v2 =	vadd.s32 s1, v7  }
0x258: {  	v7 =	vld [tilespmem:s6+$0x50]  }
0x259: {  	s14 =	sor.u32 $0x430, s3  }
0x25a: {  	v61 =	vld [tilespmem:s14+$0x8000];
	v6 =	vadd.s32 s20, v6  }
0x25b: {  	[tilespmem:v3+s12+$0x0] =	vst.idx.add.f32.msk $0xffff, v1  }
0x25c: {  	[tilespmem:v2+s12+$0x0] =	vst.idx.add.f32.msk $0xffff, v1;
	v2 =	vadd.s32 s17, v5  }
0x25d: {  	[tilespmem:v4+s12+$0x0] =	vst.idx.add.f32.msk $0xffff, v1;
	v3 =	vadd.s32 s21, v7  }
0x25e: {  	v4 =	vld [tilespmem:s7+$0x60]  }
0x25f: {  	[tilespmem:v6+s12+$0x0] =	vst.idx.add.f32.msk $0xffff, v1  }
0x260: {  	v6 =	vld [tilespmem:s8+$0x70]  }
0x261: {  	v5 =	vadd.s32 s28, v61;
	[tilespmem:v2+s12+$0x0] =	vst.idx.add.f32.msk $0xffff, v1  }
0x262: {  	[tilespmem:v3+s12+$0x0] =	vst.idx.add.f32.msk $0xffff, v1  }
0x263: {  	v2 =	vadd.s32 s16, v4;
	v4 =	vld [tilespmem:s9+$0x70]  }
0x264: {  	v3 =	vld [tilespmem:s6+$0x60];
	_ =	sdelay $0x1  }
0x265: {  	s15 =	sor.u32 $0x438, s4;
	s23 =	simm.s32 $0x4;
	[tilespmem:v5+s12+$0x0] =	vst.idx.add.f32.msk $0xffff, v1;
	v6 =	vadd.s32 s20, v6  }
0x266: {  	s24 =	sand.u32 $0x7, s23;
	v5 =	vld [tilespmem:s15+$0x8000]  }
0x267: {  	s22 =	sor.u32 $0x438, s5;
	s25 =	sshll.u32 s24, $0x7;
	[tilespmem:v2+s12+$0x0] =	vst.idx.add.f32.msk $0xffff, v1;
	v2 =	vadd.s32 s17, v4  }
0x268: {  	p0 =	por !p0, !p0;
	s2 =	sadd.s32 $0x400, s25;
	v7 =	vld [tilespmem:s22+$0x8000];
	v3 =	vadd.s32 s21, v3  }
0x269: {  	s4 =	simm.s32 $0x1;
	s31 =	simm.s32 $0x2;
	v4 =	vld [tilespmem:s7+$0x70];
	s7 =	sadd.s32 $0x180, s2  }
0x26a: {  	s4 =	simm.s32 @!p0 $0x0;
	s9 =	sand.u32 $0x3, s31;
	[tilespmem:v6+s12+$0x0] =	vst.idx.add.f32.msk $0xffff, v1;
	s26 =	sor.u32 $0x400, s7  }
0x26b: {  	s4 =	sshll.u32 s4, $0x9;
	s11 =	sshll.u32 s9, $0x8;
	v6 =	vld [tilespmem:s26+$0x8000]  }
0x26c: {  	s13 =	sadd.s32 $0x400, s4;
	v5 =	vadd.s32 s0, v5;
	s0 =	sadd.s32 $0x400, s11;
	[tilespmem:v2+s12+$0x0] =	vst.idx.add.f32.msk $0xffff, v1  }
0x26d: {  	s24 =	sor.u32 $0x400, s13;
	s0 =	sadd.s32 $0x100, s0;
	[tilespmem:v3+s12+$0x0] =	vst.idx.add.f32.msk $0xffff, v1  }
0x26e: {  	s25 =	sor.u32 $0x410, s0;
	v2 =	vadd.s32 s16, v4;
	v62 =	vld [tilespmem:s24+$0x8000]  }
0x26f: {  	s26 =	sor.u32 $0x420, s13;
	v3 =	vadd.s32 s1, v7;
	v7 =	vld [tilespmem:s6+$0x70];
	[dreg:$0x4] =	wrdreg s25  }
0x270: {  	s15 =	sor.u32 $0x438, s3;
	[dreg:$0x2] =	wrdreg s26  }
0x271: {  	p0 =	por !p0, !p0;
	s29 =	sor.u32 $0x430, s13;
	s4 =	sor.u32 $0x438, s13;
	v6 =	vadd.s32 s20, v6;
	v63 =	vld [tilespmem:s15+$0x8000]  }
0x272: {  	s22 =	sor.u32 $0x410, s13;
	s8 =	simm.s32 $0x4;
	s31 =	sadd.s32 $0x80, s2;
	[tilespmem:v5+s12+$0x0] =	vst.idx.add.f32.msk vm0, v1  }
0x273: {  	s3 =	simm.s32 $0x4;
	s9 =	sor.u32 $0x420, s31;
	s5 =	sor.u32 $0x438, s31;
	[tilespmem:v2+s12+$0x0] =	vst.idx.add.f32.msk $0xffff, v1  }
0x274: {  	s2 =	sor.u32 $0x400, s31;
	s14 =	sor.u32 $0x400, s0;
	s30 =	sor.u32 $0x420, s0;
	[tilespmem:v3+s12+$0x0] =	vst.idx.add.f32.msk vm0, v1  }
0x275: {  	s24 =	sor.u32 $0x430, s0;
	s1 =	sor.u32 $0x438, s0;
	s26 =	sor.u32 $0x410, s31;
	v4 =	vld [tilespmem:s2+$0x8000]  }
0x276: {  	s6 =	sor.u32 $0x430, s31;
	s2 =	sor.u32 $0x410, s7;
	v3 =	vadd.s32 s17, v62;
	v5 =	vadd.s32 s21, v7;
	[tilespmem:v6+s12+$0x0] =	vst.idx.add.f32.msk $0xffff, v1;
	v2 =	vadd.s32 s28, v63;
	s28 =	simm.s32 $0x70  }
.LBB2_8:
0x277: {  	_ =	sdelay $0x1  }
0x278: {  	[dreg:$0x19] =	wrdreg s24  }
0x279: {  	[dreg:$0x10] =	wrdreg s4;
	v6 =	vld [tilespmem:s2+$0x8000]  }
0x27a: {  	[dreg:$0xb] =	wrdreg s5;
	[tilespmem:v5+s12+$0x0] =	vst.idx.add.f32.msk $0xffff, v1;
	s18 =	sadd.s32 $0x400, s18  }
0x27b: {  	[dreg:$0x8] =	wrdreg s1;
	s19 =	sadd.s32 $0x200, s19;
	[tilespmem:v3+s12+$0x0] =	vst.idx.add.f32.msk $0xffff, v1;
	s24 =	sand.u32 $0x7800, s18  }
0x27c: {  	v5 =	vld [tilespmem:s14+$0x8000];
	s25 =	sand.u32 $0x380, s19;
	s1 =	sadd.s32 $0xFFFFFF00, s19;
	s5 =	sor.u32 $0x8000, s24  }
0x27d: {  	s11 =	sand.u32 $0x3, s8;
	[tilespmem:v2+s12+$0x0] =	vst.idx.add.f32.msk vm0, v1;
	s14 =	sand.u32 $0x280, s1;
	s15 =	sor.u32 s25, s5  }
0x27e: {  	s13 =	simm.s32 $0x1;
	s0 =	sadd.s32 $0xFFFFFE80, s19;
	s2 =	sor.u32 s14, s5;
	v3 =	vadd.s32 s16, v4;
	v7 =	vld [tilespmem:s15+$0x0]  }
0x27f: {  	s31 =	smov.u32 s21;
	s21 =	sadd.s32 $0xFFFFFF80, s19;
	s4 =	sand.u32 $0x200, s0;
	v8 =	vld [tilespmem:s2+$0x0];
	v6 =	vadd.s32 s20, v6  }
0x280: {  	s11 =	sshll.u32 s11, $0x8;
	s24 =	sand.u32 $0x300, s21;
	v4 =	vld [tilespmem:s22+$0x8000];
	s22 =	sor.u32 s4, s5  }
0x281: {  	s13 =	simm.s32 @!p0 $0x0;
	s25 =	sadd.s32 s18, s11;
	s11 =	sor.u32 s24, s5;
	v2 =	vld [tilespmem:s22+$0x0]  }
0x282: {  	s13 =	sshll.u32 s13, $0x9;
	v9 =	vld [tilespmem:s11+$0x0];
	s20 =	sadd.s32 $0x40, s20;
	v5 =	vadd.s32 s31, v5  }
0x283: {  	s0 =	sadd.s32 s13, s18;
	s14 =	sadd.s32 $0xFFFFFFE0, s20;
	v7 =	vadd.s32 s20, v7;
	[tilespmem:v3+s12+$0x0] =	vst.idx.add.f32.msk $0xffff, v1  }
0x284: {  	s13 =	sor.u32 $0x410, s0;
	s1 =	sadd.s32 $0x100, s25;
	s25 =	sor.u32 $0x420, s7;
	v3 =	vadd.s32 s14, v8;
	[tilespmem:v6+s12+$0x0] =	vst.idx.add.f32.msk $0xffff, v1  }
0x285: {  	[dreg:$0x14] =	wrdreg s13;
	s21 =	sor.u32 $0x400, s1;
	s13 =	sadd.s32 $0xFFFFFFD0, s20;
	v58 =	vld [tilespmem:s26+$0x8000]  }
0x286: {  	[dreg:$0xd] =	wrdreg s21;
	s21 =	sadd.s32 $0xFFFFFFF0, s20;
	v2 =	vadd.s32 s13, v2;
	v6 =	vld [tilespmem:s25+$0x8000]  }
0x287: {  	[tilespmem:v5+s12+$0x0] =	vst.idx.add.f32.msk $0xffff, v1;
	v5 =	vadd.s32 s21, v9  }
0x288: {  	[tilespmem:v7+s12+$0x0] =	vst.idx.add.f32.msk $0xffff, v1  }
0x289: {  	v4 =	vadd.s32 s17, v4;
	[tilespmem:v3+s12+$0x0] =	vst.idx.add.f32.msk $0xffff, v1  }
0x28a: {  	v7 =	vld [tilespmem:s15+$0x10]  }
0x28b: {  	[tilespmem:v2+s12+$0x0] =	vst.idx.add.f32.msk $0xffff, v1  }
0x28c: {  	v6 =	vadd.s32 s28, v6;
	[tilespmem:v5+s12+$0x0] =	vst.idx.add.f32.msk $0xffff, v1  }
0x28d: {  	v3 =	vld [tilespmem:s22+$0x10]  }
0x28e: {  	[tilespmem:v4+s12+$0x0] =	vst.idx.add.f32.msk $0xffff, v1  }
0x28f: {  	v59 =	vld [tilespmem:s11+$0x10];
	v5 =	vadd.s32 s20, v7  }
0x290: {  	s24 =	sor.u32 $0x430, s1;
	v7 =	vld [tilespmem:s2+$0x10]  }
0x291: {  	[dreg:$0x1c] =	wrdreg s24;
	s24 =	sor.u32 $0x430, s7;
	v2 =	vadd.s32 s16, v58;
	[tilespmem:v6+s12+$0x0] =	vst.idx.add.f32.msk $0xffff, v1  }
0x292: {  	s26 =	rddreg [dreg:$0x4];
	v3 =	vadd.s32 s13, v3;
	v6 =	vld [tilespmem:s24+$0x8000]  }
0x293: {  	v60 =	vld [tilespmem:s26+$0x8000]  }
0x294: {  	v4 =	vadd.s32 s21, v59;
	[tilespmem:v5+s12+$0x0] =	vst.idx.add.f32.msk $0xffff, v1  }
0x295: {  	v7 =	vadd.s32 s14, v7;
	v5 =	vld [tilespmem:s15+$0x20]  }
0x296: {  	[tilespmem:v2+s12+$0x0] =	vst.idx.add.f32.msk $0xffff, v1  }
0x297: {  	[tilespmem:v3+s12+$0x0] =	vst.idx.add.f32.msk $0xffff, v1;
	v6 =	vadd.s32 s28, v6  }
0x298: {  	v3 =	vld [tilespmem:s22+$0x20]  }
0x299: {  	[tilespmem:v4+s12+$0x0] =	vst.idx.add.f32.msk $0xffff, v1  }
0x29a: {  	[smem:$0x7F7] =	sst s29;
	[tilespmem:v7+s12+$0x0] =	vst.idx.add.f32.msk $0xffff, v1;
	v5 =	vadd.s32 s20, v5  }
0x29b: {  	s4 =	sor.u32 $0x410, s1;
	s29 =	sor.u32 $0x420, s1;
	s1 =	sor.u32 $0x438, s1;
	v4 =	vld [tilespmem:s2+$0x20]  }
0x29c: {  	[dreg:$0x11] =	wrdreg s1;
	s1 =	smov.u32 s4;
	s4 =	sor.u32 $0x438, s7;
	v2 =	vadd.s32 s31, v60;
	[tilespmem:v6+s12+$0x0] =	vst.idx.add.f32.msk $0xffff, v1  }
0x29d: {  	v6 =	vld [tilespmem:s4+$0x8000]  }
0x29e: {  	v7 =	vld [tilespmem:s11+$0x20];
	v3 =	vadd.s32 s13, v3  }
0x29f: {  	[tilespmem:v5+s12+$0x0] =	vst.idx.add.f32.msk $0xffff, v1  }
0x2a0: {  	v5 =	vld [tilespmem:s15+$0x30]  }
0x2a1: {  	[tilespmem:v2+s12+$0x0] =	vst.idx.add.f32.msk $0xffff, v1;
	v2 =	vadd.s32 s14, v4  }
0x2a2: {  	v6 =	vadd.s32 s28, v6  }
0x2a3: {  	[tilespmem:v3+s12+$0x0] =	vst.idx.add.f32.msk $0xffff, v1  }
0x2a4: {  	v3 =	vld [tilespmem:s22+$0x30]  }
0x2a5: {  	v4 =	vadd.s32 s20, v5;
	v5 =	vadd.s32 s21, v7;
	v7 =	vld [tilespmem:s9+$0x8000]  }
0x2a6: {  	[tilespmem:v2+s12+$0x0] =	vst.idx.add.f32.msk $0xffff, v1  }
0x2a7: {  	s7 =	rddreg [dreg:$0x2];
	[tilespmem:v6+s12+$0x0] =	vst.idx.add.f32.msk vm0, v1  }
0x2a8: {  	v6 =	vld [tilespmem:s7+$0x8000]  }
0x2a9: {  	v2 =	vadd.s32 s13, v3;
	v3 =	vld [tilespmem:s2+$0x30]  }
0x2aa: {  	[tilespmem:v4+s12+$0x0] =	vst.idx.add.f32.msk $0xffff, v1  }
0x2ab: {  	v4 =	vld [tilespmem:s15+$0x40]  }
0x2ac: {  	[tilespmem:v5+s12+$0x0] =	vst.idx.add.f32.msk $0xffff, v1;
	v5 =	vadd.s32 s16, v7  }
0x2ad: {  	v6 =	vadd.s32 s17, v6;
	v7 =	vld [tilespmem:s11+$0x30]  }
0x2ae: {  	s5 =	sor.u32 $0x400, s0;
	[tilespmem:v2+s12+$0x0] =	vst.idx.add.f32.msk $0xffff, v1;
	v2 =	vadd.s32 s14, v3  }
0x2af: {  	[dreg:$0xa] =	wrdreg s5;
	s5 =	smov.u32 s30;
	v3 =	vld [tilespmem:s22+$0x40]  }
0x2b0: {  	v61 =	vld [tilespmem:s5+$0x8000];
	v4 =	vadd.s32 s20, v4  }
0x2b1: {  	[tilespmem:v5+s12+$0x0] =	vst.idx.add.f32.msk $0xffff, v1  }
0x2b2: {  	[tilespmem:v6+s12+$0x0] =	vst.idx.add.f32.msk $0xffff, v1;
	v6 =	vadd.s32 s21, v7  }
0x2b3: {  	[tilespmem:v2+s12+$0x0] =	vst.idx.add.f32.msk $0xffff, v1  }
0x2b4: {  	v2 =	vadd.s32 s13, v3;
	v3 =	vld [tilespmem:s2+$0x40]  }
0x2b5: {  	[tilespmem:v4+s12+$0x0] =	vst.idx.add.f32.msk $0xffff, v1  }
0x2b6: {  	v5 =	vld [tilespmem:s15+$0x50]  }
0x2b7: {  	v4 =	vadd.s32 s31, v61;
	[tilespmem:v6+s12+$0x0] =	vst.idx.add.f32.msk $0xffff, v1  }
0x2b8: {  	v6 =	vld [tilespmem:s11+$0x40]  }
0x2b9: {  	[tilespmem:v2+s12+$0x0] =	vst.idx.add.f32.msk $0xffff, v1;
	v2 =	vadd.s32 s14, v3  }
0x2ba: {  	s26 =	sld [smem:$0x7F7];
	v3 =	vld [tilespmem:s22+$0x50]  }
0x2bb: {  	v7 =	vld [tilespmem:s6+$0x8000];
	v5 =	vadd.s32 s20, v5  }
0x2bc: {  	[tilespmem:v4+s12+$0x0] =	vst.idx.add.f32.msk $0xffff, v1  }
0x2bd: {  	v4 =	vld [tilespmem:s26+$0x8000];
	v6 =	vadd.s32 s21, v6  }
0x2be: {  	[tilespmem:v2+s12+$0x0] =	vst.idx.add.f32.msk $0xffff, v1  }
0x2bf: {  	v2 =	vadd.s32 s13, v3;
	v3 =	vld [tilespmem:s2+$0x50]  }
0x2c0: {  	[tilespmem:v5+s12+$0x0] =	vst.idx.add.f32.msk $0xffff, v1  }
0x2c1: {  	v5 =	vld [tilespmem:s15+$0x60]  }
0x2c2: {  	v4 =	vadd.s32 s17, v4;
	[tilespmem:v6+s12+$0x0] =	vst.idx.add.f32.msk $0xffff, v1  }
0x2c3: {  	v6 =	vadd.s32 s16, v7;
	v7 =	vld [tilespmem:s11+$0x50]  }
0x2c4: {  	[dreg:$0x4] =	wrdreg s1;
	[tilespmem:v2+s12+$0x0] =	vst.idx.add.f32.msk $0xffff, v1;
	v2 =	vadd.s32 s14, v3  }
0x2c5: {  	s1 =	rddreg [dreg:$0x19];
	v3 =	vld [tilespmem:s22+$0x60]  }
0x2c6: {  	v62 =	vld [tilespmem:s1+$0x8000];
	v5 =	vadd.s32 s20, v5  }
0x2c7: {  	[tilespmem:v4+s12+$0x0] =	vst.idx.add.f32.msk $0xffff, v1  }
0x2c8: {  	[tilespmem:v6+s12+$0x0] =	vst.idx.add.f32.msk $0xffff, v1;
	v4 =	vadd.s32 s21, v7  }
0x2c9: {  	[tilespmem:v2+s12+$0x0] =	vst.idx.add.f32.msk $0xffff, v1  }
0x2ca: {  	v2 =	vadd.s32 s13, v3;
	v3 =	vld [tilespmem:s2+$0x60]  }
0x2cb: {  	[tilespmem:v5+s12+$0x0] =	vst.idx.add.f32.msk $0xffff, v1  }
0x2cc: {  	v6 =	vld [tilespmem:s15+$0x70]  }
0x2cd: {  	v5 =	vadd.s32 s31, v62;
	[tilespmem:v4+s12+$0x0] =	vst.idx.add.f32.msk $0xffff, v1  }
0x2ce: {  	s30 =	sor.u32 $0x420, s0;
	s25 =	sor.u32 $0x430, s0;
	s0 =	sor.u32 $0x438, s0;
	v4 =	vld [tilespmem:s11+$0x60]  }
0x2cf: {  	[dreg:$0x17] =	wrdreg s0;
	[tilespmem:v2+s12+$0x0] =	vst.idx.add.f32.msk $0xffff, v1;
	v2 =	vadd.s32 s14, v3  }
0x2d0: {  	s24 =	smov.u32 s30;
	s9 =	rddreg [dreg:$0xb];
	v3 =	vld [tilespmem:s22+$0x70]  }
0x2d1: {  	s23 =	sadd.s32 $0x4, s23;
	[dreg:$0x2] =	wrdreg s24;
	v7 =	vld [tilespmem:s9+$0x8000];
	v6 =	vadd.s32 s20, v6  }
0x2d2: {  	s5 =	sand.u32 $0x7, s23;
	s6 =	rddreg [dreg:$0x10];
	[tilespmem:v5+s12+$0x0] =	vst.idx.add.f32.msk $0xffff, v1  }
0x2d3: {  	s4 =	rddreg [dreg:$0x1c];
	s0 =	sshll.u32 s5, $0x7;
	v5 =	vld [tilespmem:s6+$0x8000];
	v4 =	vadd.s32 s21, v4  }
0x2d4: {  	s7 =	rddreg [dreg:$0x17];
	s0 =	sadd.s32 s18, s0;
	[tilespmem:v2+s12+$0x0] =	vst.idx.add.f32.msk $0xffff, v1  }
0x2d5: {  	s24 =	smov.u32 s4;
	s4 =	smov.u32 s7;
	s7 =	sadd.s32 $0x180, s0;
	v2 =	vadd.s32 s13, v3;
	v3 =	vld [tilespmem:s2+$0x70]  }
0x2d6: {  	s30 =	smov.u32 s29;
	s29 =	smov.u32 s25;
	s25 =	sor.u32 $0x400, s7;
	[tilespmem:v6+s12+$0x0] =	vst.idx.add.f32.msk $0xffff, v1  }
0x2d7: {  	s15 =	sadd.s32 $0x80, s0;
	v6 =	vld [tilespmem:s25+$0x8000]  }
0x2d8: {  	s0 =	sor.u32 $0x400, s15;
	v5 =	vadd.s32 s17, v5;
	[tilespmem:v4+s12+$0x0] =	vst.idx.add.f32.msk $0xffff, v1  }
0x2d9: {  	s26 =	sor.u32 $0x410, s15;
	s9 =	sor.u32 $0x420, s15;
	v4 =	vadd.s32 s16, v7;
	s16 =	smov.u32 s14;
	v7 =	vld [tilespmem:s11+$0x70]  }
0x2da: {  	s5 =	sor.u32 $0x438, s15;
	s6 =	sor.u32 $0x430, s15;
	s15 =	rddreg [dreg:$0x8];
	[tilespmem:v2+s12+$0x0] =	vst.idx.add.f32.msk $0xffff, v1;
	v2 =	vadd.s32 s16, v3  }
0x2db: {  	s3 =	sadd.s32 $0x4, s3;
	s17 =	smov.u32 s13;
	s13 =	rddreg [dreg:$0xa];
	v63 =	vld [tilespmem:s15+$0x8000]  }
0x2dc: {  	p1 =	slt.u32 s3, $0x7C;
	v3 =	vld [tilespmem:s13+$0x8000];
	v6 =	vadd.s32 s20, v6  }
.Ltmp3:
0x2dd: {  	[tilespmem:v5+s12+$0x0] =	vst.idx.add.f32.msk vm0, v1;
	(pc) =	sbr.rel @p1 .LBB2_8-.Ltmp3, $4  }
0x2de: {  	[tilespmem:v4+s12+$0x0] =	vst.idx.add.f32.msk vm0, v1  }
0x2df: {  	s8 =	sadd.s32 $0x2, s8;
	s22 =	rddreg [dreg:$0x14];
	[tilespmem:v2+s12+$0x0] =	vst.idx.add.f32.msk $0xffff, v1  }
0x2e0: {  	p0 =	por !p0, !p0;
	s28 =	smov.u32 s20;
	s25 =	rddreg [dreg:$0x11];
	v4 =	vld [tilespmem:s0+$0x8000]  }
0x2e1: {  	s2 =	sor.u32 $0x410, s7;
	s14 =	rddreg [dreg:$0xd];
	s1 =	smov.u32 s25;
	v5 =	vadd.s32 s21, v7;
	v2 =	vadd.s32 s31, v63;
	v3 =	vadd.s32 s17, v3;
	[tilespmem:v6+s12+$0x0] =	vst.idx.add.f32.msk $0xffff, v1  }
0x2e2: {  	_ =	sdelay $0x3  }
0x2e3: {  	[tilespmem:v5+s12+$0x0] =	vst.idx.add.f32.msk $0xffff, v1  }
0x2e4: {  	v5 =	vld [tilespmem:s14+$0x8000];
	_ =	sdelay $0x2  }
0x2e5: {  	v4 =	vadd.s32 s16, v4  }
0x2e6: {  	v6 =	vld [tilespmem:s2+$0x8000]  }
0x2e7: {  	[tilespmem:v3+s12+$0x0] =	vst.idx.add.f32.msk $0xffff, v1;
	v5 =	vadd.s32 s21, v5  }
0x2e8: {  	v3 =	vld [tilespmem:s22+$0x8000];
	_ =	sdelay $0x1  }
0x2e9: {  	[tilespmem:v4+s12+$0x0] =	vst.idx.add.f32.msk $0xffff, v1  }
0x2ea: {  	v4 =	vld [tilespmem:s26+$0x8000]  }
0x2eb: {  	v6 =	vadd.s32 s20, v6;
	[tilespmem:v5+s12+$0x0] =	vst.idx.add.f32.msk $0xffff, v1  }
0x2ec: {  	v3 =	vadd.s32 s17, v3;
	s0 =	rddreg [dreg:$0x4]  }
0x2ed: {  	v5 =	vld [tilespmem:s0+$0x8000];
	_ =	sdelay $0x2  }
0x2ee: {  	[tilespmem:v6+s12+$0x0] =	vst.idx.add.f32.msk $0xffff, v1;
	v4 =	vadd.s32 s16, v4  }
0x2ef: {  	s20 =	sor.u32 $0x420, s7;
	[tilespmem:v3+s12+$0x0] =	vst.idx.add.f32.msk $0xffff, v1  }
0x2f0: {  	v6 =	vld [tilespmem:s20+$0x8000];
	v5 =	vadd.s32 s21, v5  }
0x2f1: {  	s22 =	rddreg [dreg:$0x2]  }
0x2f2: {  	v3 =	vld [tilespmem:s22+$0x8000]  }
0x2f3: {  	[tilespmem:v4+s12+$0x0] =	vst.idx.add.f32.msk $0xffff, v1  }
0x2f4: {  	v4 =	vld [tilespmem:s9+$0x8000]  }
0x2f5: {  	v6 =	vadd.s32 s28, v6;
	[tilespmem:v5+s12+$0x0] =	vst.idx.add.f32.msk $0xffff, v1  }
0x2f6: {  	v5 =	vld [tilespmem:s30+$0x8000]  }
0x2f7: {  	v3 =	vadd.s32 s17, v3;
	_ =	sdelay $0x1  }
0x2f8: {  	v4 =	vadd.s32 s16, v4  }
0x2f9: {  	s23 =	sor.u32 $0x430, s7;
	[tilespmem:v6+s12+$0x0] =	vst.idx.add.f32.msk $0xffff, v1  }
0x2fa: {  	v6 =	vld [tilespmem:s23+$0x8000];
	v5 =	vadd.s32 s21, v5  }
0x2fb: {  	[tilespmem:v3+s12+$0x0] =	vst.idx.add.f32.msk $0xffff, v1  }
0x2fc: {  	v3 =	vld [tilespmem:s29+$0x8000]  }
0x2fd: {  	[tilespmem:v4+s12+$0x0] =	vst.idx.add.f32.msk $0xffff, v1  }
0x2fe: {  	v4 =	vld [tilespmem:s6+$0x8000]  }
0x2ff: {  	v6 =	vadd.s32 s28, v6;
	[tilespmem:v5+s12+$0x0] =	vst.idx.add.f32.msk $0xffff, v1  }
0x300: {  	v5 =	vld [tilespmem:s24+$0x8000]  }
0x301: {  	v3 =	vadd.s32 s17, v3;
	_ =	sdelay $0x1  }
0x302: {  	v4 =	vadd.s32 s16, v4  }
0x303: {  	s25 =	sor.u32 $0x438, s7;
	[tilespmem:v6+s12+$0x0] =	vst.idx.add.f32.msk $0xffff, v1  }
0x304: {  	v6 =	vld [tilespmem:s25+$0x8000];
	v5 =	vadd.s32 s21, v5  }
0x305: {  	[tilespmem:v3+s12+$0x0] =	vst.idx.add.f32.msk $0xffff, v1  }
0x306: {  	v3 =	vld [tilespmem:s4+$0x8000]  }
0x307: {  	[tilespmem:v4+s12+$0x0] =	vst.idx.add.f32.msk $0xffff, v1  }
0x308: {  	v4 =	vld [tilespmem:s5+$0x8000]  }
0x309: {  	[tilespmem:v5+s12+$0x0] =	vst.idx.add.f32.msk $0xffff, v1  }
0x30a: {  	v5 =	vld [tilespmem:s1+$0x8000];
	_ =	sdelay $0x1  }
0x30b: {  	v6 =	vadd.s32 s28, v6  }
0x30c: {  	v3 =	vadd.s32 s17, v3  }
0x30d: {  	v4 =	vadd.s32 s16, v4  }
0x30e: {  	v5 =	vadd.s32 s21, v5  }
0x30f: {  	[tilespmem:v2+s12+$0x0] =	vst.idx.add.f32.msk vm0, v1  }
0x310: {  	[tilespmem:v6+s12+$0x0] =	vst.idx.add.f32.msk vm0, v1  }
0x311: {  	[tilespmem:v3+s12+$0x0] =	vst.idx.add.f32.msk vm0, v1  }
0x312: {  	[tilespmem:v4+s12+$0x0] =	vst.idx.add.f32.msk vm0, v1  }
0x313: {  	[tilespmem:v5+s12+$0x0] =	vst.idx.add.f32.msk vm0, v1  }
0x314: {  	s26 =	sld [smem:$0x7FC];
	_ =	sdelay $0x1  }
0x315: {  	s7 =	simm.s32 $0x0;
	s28 =	simm.s32 $0x3  }
0x316: {  	[hbm4b:s26+s7] =	stream.linear.scatter [tilespmem:s12], [sflag:$0x4], $0x800, $0x38;
	[tilespmem:$0x11000] =	vst v63  }
0x317: {  	_ =	swait.ge [sflag:s28], $0x800  }
0x318: {  	[sflag:s28] =	ssyncset.done $0x0  }
0x319: {  	s29 =	simm.s32 $0x4;
	[sflag:s28] =	ssyncadd.s32 $0xFFFFF800  }
0x31a: {  	_ =	swait.ge [sflag:s29], $0x800  }
0x31b: {  	s30 =	sld [smem:$0x7F8]  }
0x31c: {  	s31 =	sld [smem:$0x7FD];
	_ =	sdelay $0x1  }
0x31d: {  	s2 =	sadd.s32 $0x1, s30  }
0x31e: {  	p0 =	sne.s32 s2, s31  }
.Ltmp4:
0x31f: {  	_ = 	snop;
	(pc) =	sbr.rel @p0 .LBB2_1-.Ltmp4, $3  }
0x320: {  	_ =	sdelay $0x1  }
0x321: {  	[sflag:s29] =	ssyncset.done $0x0  }
0x322: {  	[sflag:s29] =	ssyncadd.s32 $0xFFFFF800  }
0x323: {  	_ =	sfence.sel $0x180000  }
0x324: {  	[bflag:$0x0] =	sbarrier.arrive $0xFFFF  }
0x325: {  	_ =	strace $0x90000047  }
0x326: {  	s0 =	stileid.u32;
	[bflag:$0x2] =	sbarrier.arrive $0xFFFF  }
0x327: {  	p0 =	sne.s32 s0, $0x0;
	s0 =	rddreg [dreg:$0x1]  }
0x328: {  	s0 =	sadd.s32 @!p0 $0x100000, s0  }
0x329: {  	[sflag:s0] =	ssyncadd.tile.s32 @!p0 $0x1;
	_ =	shalt  }
.Lfunc_end2:
_tile_overlayer_lowered:
.L_overlay_start_2:
0x32a: {  	(tag) =	ssettag $0x2  }
0x32b: {  	s0 =	rddreg [dreg:$0x0];
	s2 =	stileid.u32  }
0x32c: {  	s1 =	rddreg [dreg:$0x1];
	p0 =	sne.s32 s2, $0x0  }
0x32d: {  	s3 =	rddreg [dreg:$0x2];
	[bflag:$0x3] =	sbarrier.arrive $0xFFFF;
	s2 =	simm.s32 @!p0 $0x1C05  }
0x32e: {  	[timem:s3], [sflag:s2] =	dma.local @!p0 [hbm:s0], s1  }
0x32f: {  	s0 =	simm.s32 @!p0 $0x5  }
0x330: {  	_ =	swait.ge @!p0 [sflag:s0], s1  }
0x331: {  	s1 =	ssub.s32 @!p0 $0x0, s1;
	[sflag:s0] =	ssyncset.done @!p0 $0x0  }
0x332: {  	[sflag:s0] =	ssyncadd.s32 @!p0 s1  }
0x333: {  	[bflag:$0x3] =	sbarrier.arrive $0xFFFF  }
0x334: {  	_ =	shalt  }

// kernel: kernel.9.cloned.1.call-start
scs
__scs_entry_jumppad:
0x0: {  	(pc) =	sbr.rel $0x88, $3  }
0x1: {  	(tag) =	ssettag $0x0;
	lr =	simm.s32 $0x1  }
0x2: {  	[smem:$0x3F9B] =	sst lr;
	_ =	strace $0xD0000000  }
0x3: {  	_ = 	snop  }
0x4: {  	_ = 	snop  }
0x5: {  	_ = 	snop  }
0x6: {  	_ = 	snop  }
0x7: {  	_ = 	snop  }
__scs_overlays_trampoline_lowered:
0x8: {  	[smem:$0x3FAA] =	sst s0  }
0x9: {  	[smem:$0x3FAB] =	sst s1  }
0xa: {  	[smem:$0x3FAC] =	sst s2  }
0xb: {  	[smem:$0x3FAD] =	sst s3  }
0xc: {  	[smem:$0x3FAE] =	sst s4  }
0xd: {  	[smem:$0x3FAF] =	sst s5  }
0xe: {  	[smem:$0x3FB0] =	sst s6  }
0xf: {  	[smem:$0x3FB1] =	sst s7  }
0x10: {  	[smem:$0x3FB2] =	sst s8  }
0x11: {  	[smem:$0x3FB3] =	sst s9;
	s0 =	simm.s32 @!p0 $0x0  }
0x12: {  	s1 =	sld [smem:$0x3F99];
	s0 =	simm.s32 @p0 $0x1  }
0x13: {  	[smem:$0x3FB4] =	sst s0;
	s0 =	simm.s32 @!p1 $0x0  }
0x14: {  	s2 =	sld [smem:$0x3F98];
	s0 =	simm.s32 @p1 $0x1  }
0x15: {  	[smem:$0x3FB5] =	sst s0;
	s0 =	simm.s32 @!p2 $0x0  }
0x16: {  	s3 =	sld [smem:$0x3FDB];
	s0 =	simm.s32 @p2 $0x1  }
0x17: {  	s4 =	simm.s32 $0x1BF5;
	[smem:$0x3FB7] =	sst s0  }
0x18: {  	s0 =	sld [smem:$0x3F9A];
	_ =	swait.ge [sflag:s4], $0x0  }
0x19: {  	s7 =	sld [smem:$0x3F9B]  }
0x1a: {  	s8 =	sadd.s32 $0xFFFFE003, lr  }
0x1b: {  	s9 =	sadd.s32 $0xFFFFFEF7, lr;
	s5 =	simm.s32 $0xFFFFFFFF;
	p2 =	slt.u32 s8, $0xFFFFF086  }
0x1c: {  	p1 =	slt.u32 s9, $0xF7A;
	s5 =	simm.s32 @!p2 $0x0  }
0x1d: {  	s5 =	simm.s32 @p1 $0x1;
	p0 =	seq.s32 s7, s2  }
0x1e: {  	s7 =	smul.u32 @!p0 $0xF7A, s2;
	p2 =	seq.s32 @!p0 s5, $0x0  }
0x1f: {  	s9 =	smul.u32 $0xF7A, s1;
	s8 =	simm.s32 @!p0 $0x1BF5;
	p2 =	por !p2, p0  }
0x20: {  	[sflag:s8] =	ssyncset.s32 @!p0 $0xFFFFF086;
	s6 =	sadd.s32 @!p0 s3, s7;
	s7 =	simm.s32 @!p0 $0x108  }
0x21: {  	s3 =	sadd.s32 s3, s9;
	s6 =	sadd.s32 @!p0 $0x88, s6;
	s7 =	simm.s32 @p2 $0x1082  }
0x22: {  	[simem:s7], [sflag:s8] =	dma.local @!p0 [hbm:s6], $0xF7A  }
0x23: {  	s9 =	sor.u32 $0xD0000000, s2;
	s6 =	simm.s32 $0x108;
	_ =	swait.ge @!p0 [sflag:s8], $0x0  }
0x24: {  	s3 =	sadd.s32 $0x88, s3;
	s6 =	simm.s32 @!p1 $0x1082;
	[sflag:s4] =	ssyncset.s32 $0xFFFFF086  }
0x25: {  	[simem:s6], [sflag:s4] =	dma.local [hbm:s3], $0xF7A  }
0x26: {  	[smem:$0x3F9B] =	sst s1;
	(tag) =	ssettag s2;
	_ =	strace s9  }
0x27: {  	s1 =	sld [smem:$0x3FAB]  }
0x28: {  	s2 =	sld [smem:$0x3FAC]  }
0x29: {  	s4 =	sld [smem:$0x3FAE]  }
0x2a: {  	p0 =	seq.s32 s5, $0x0;
	s5 =	sld [smem:$0x3FAF]  }
0x2b: {  	s6 =	sld [smem:$0x3FB0]  }
0x2c: {  	s7 =	sld [smem:$0x3FB1]  }
0x2d: {  	s3 =	simm.s32 $0x108;
	s8 =	sld [smem:$0x3FB2]  }
0x2e: {  	s3 =	simm.s32 @!p0 $0x1082;
	s9 =	sld [smem:$0x3FB3]  }
0x2f: {  	lr =	sadd.s32 s0, s3;
	s0 =	sld [smem:$0x3FAA]  }
0x30: {  	s3 =	sld [smem:$0x3FAD]  }
0x31: {  	[smem:$0x3FB6] =	sst s10  }
0x32: {  	s10 =	sld [smem:$0x3FB4];
	_ =	sdelay $0x3  }
0x33: {  	p0 =	seq.s32 s10, $0x1;
	s10 =	sld [smem:$0x3FB6];
	_ =	sdelay $0x3  }
0x34: {  	[smem:$0x3FB6] =	sst s10  }
0x35: {  	s10 =	sld [smem:$0x3FB5];
	_ =	sdelay $0x3  }
0x36: {  	p1 =	seq.s32 s10, $0x1;
	s10 =	sld [smem:$0x3FB6];
	_ =	sdelay $0x3  }
0x37: {  	[smem:$0x3FB6] =	sst s10  }
0x38: {  	s10 =	sld [smem:$0x3FB7]  }
0x39: {  	_ = 	snop;
	(pc) =	sbr.ind lr, $3  }
0x3a: {  	_ = 	snop  }
0x3b: {  	_ = 	snop  }
0x3c: {  	p2 =	seq.s32 s10, $0x1;
	s10 =	sld [smem:$0x3FB6]  }
0x3d: {  	_ =	shalt  }
0x3e: {  	_ =	shalt  }
0x3f: {  	_ =	shalt  }
0x40: {  	_ =	shalt  }
0x41: {  	_ =	shalt  }
0x42: {  	_ =	shalt  }
0x43: {  	_ =	shalt  }
0x44: {  	_ =	shalt  }
0x45: {  	_ =	shalt  }
0x46: {  	_ =	shalt  }
0x47: {  	_ =	shalt  }
0x48: {  	_ =	shalt  }
0x49: {  	_ =	shalt  }
0x4a: {  	_ =	shalt  }
0x4b: {  	_ =	shalt  }
0x4c: {  	_ =	shalt  }
0x4d: {  	_ =	shalt  }
0x4e: {  	_ =	shalt  }
0x4f: {  	_ =	shalt  }
0x50: {  	_ =	shalt  }
0x51: {  	_ =	shalt  }
0x52: {  	_ =	shalt  }
0x53: {  	_ =	shalt  }
0x54: {  	_ =	shalt  }
0x55: {  	_ =	shalt  }
0x56: {  	_ =	shalt  }
0x57: {  	_ =	shalt  }
0x58: {  	_ =	shalt  }
0x59: {  	_ =	shalt  }
0x5a: {  	_ =	shalt  }
0x5b: {  	_ =	shalt  }
0x5c: {  	_ =	shalt  }
0x5d: {  	_ =	shalt  }
0x5e: {  	_ =	shalt  }
0x5f: {  	_ =	shalt  }
0x60: {  	_ =	shalt  }
0x61: {  	_ =	shalt  }
0x62: {  	_ =	shalt  }
0x63: {  	_ =	shalt  }
0x64: {  	_ =	shalt  }
0x65: {  	_ =	shalt  }
0x66: {  	_ =	shalt  }
0x67: {  	_ =	shalt  }
0x68: {  	_ =	shalt  }
0x69: {  	_ =	shalt  }
0x6a: {  	_ =	shalt  }
0x6b: {  	_ =	shalt  }
0x6c: {  	_ =	shalt  }
0x6d: {  	_ =	shalt  }
0x6e: {  	_ =	shalt  }
0x6f: {  	_ =	shalt  }
0x70: {  	_ =	shalt  }
0x71: {  	_ =	shalt  }
0x72: {  	_ =	shalt  }
0x73: {  	_ =	shalt  }
0x74: {  	_ =	shalt  }
0x75: {  	_ =	shalt  }
0x76: {  	_ =	shalt  }
0x77: {  	_ =	shalt  }
0x78: {  	_ =	shalt  }
0x79: {  	_ =	shalt  }
0x7a: {  	_ =	shalt  }
0x7b: {  	_ =	shalt  }
0x7c: {  	_ =	shalt  }
0x7d: {  	_ =	shalt  }
0x7e: {  	_ =	shalt  }
0x7f: {  	_ =	shalt  }
0x80: {  	_ =	shalt  }
0x81: {  	_ =	shalt  }
0x82: {  	_ =	shalt  }
0x83: {  	_ =	shalt  }
0x84: {  	_ =	shalt  }
0x85: {  	_ =	shalt  }
0x86: {  	_ =	shalt  }
0x87: {  	_ =	shalt  }
.Lfunc_end0:
.L_simem_size_0:
called_computation.1_lowered:
.L_overlay_start_0:
0x88: {  	s2 =	sld [smem:$0x3FD9]  }
0x89: {  	s3 =	sld [smem:$0x3FFE];
	_ =	sdelay $0x1  }
0x8a: {  	s1 =	srdreg.scid  }
0x8b: {  	s0 =	sand.u32 $0x1, s1  }
0x8c: {  	s17 =	sshll.u32 s0, $0xA;
	s2 =	sadd.s32 s3, s2  }
0x8d: {  	s2 =	sadd.s32 s2, s17  }
0x8e: {  	[smem:$0x3FC2] =	sst s2  }
0x8f: {  	_ = 	snop  }
0x90: {  	(tm) =	ssettm $0x1  }
0x91: {  	s18 =	sld [smem:$0x3FFB];
	_ =	sdelay $0x3  }
0x92: {  	_ =	strace s18  }
0x93: {  	s2 =	sld [smem:$0x3FFC];
	_ =	sdelay $0x3  }
0x94: {  	_ =	strace s2  }
0x95: {  	s2 =	sld [smem:$0x3FFD];
	_ =	sdelay $0x3  }
0x96: {  	_ =	strace s2  }
0x97: {  	_ =	strace $0x8FFFFFFF  }
0x98: {  	s19 =	sld [smem:$0x3FDB];
	_ =	sdelay $0x1  }
0x99: {  	s20 =	simm.s32 $_scs_section_size  }
0x9a: {  	s4 =	simm.s32 $_size__tile_overlayer_lowered;
	s5 =	simm.s32 $_tile_overlayer_lowered  }
0x9b: {  	s6 =	simm.s32 $0x1BFF;
	s21 =	sshll.u32 s5, $0x1;
	s3 =	sadd.s32 s20, s19  }
0x9c: {  	s22 =	simm.s32 $0x0;
	s4 =	sshll.u32 s4, $0x1;
	s5 =	sadd.s32 s21, s3  }
0x9d: {  	[timem:s22], [sflag:s6] =	dma.local [hbm:s5], s4  }
0x9e: {  	_ =	swait.ge [sflag:s6], s4  }
0x9f: {  	s4 =	ssub.s32 $0x0, s4;
	[sflag:s6] =	ssyncset.done $0x0  }
0xa0: {  	[sflag:s6] =	ssyncadd.s32 s4;
	_ =	sdelay $0x1  }
0xa1: {  	s23 =	simm.s32 $0x1B8B  }
0xa2: {  	_ =	swait.ge [sflag:s23], $0x1  }
0xa3: {  	[sflag:s23] =	ssyncset.done $0x0  }
0xa4: {  	[sflag:s23] =	ssyncadd.s32 $0xFFFFFFFF  }
0xa5: {  	s4 =	sld [smem:$0x0]  }
0xa6: {  	s5 =	sand.u32 $0xFFFFFFFE, s1  }
0xa7: {  	p0 =	sne.s32 s1, s5  }
0xa8: {  	s5 =	sshll.u32 @p0 s5, $0xE  }
0xa9: {  	s5 =	sadd.s32 @p0 $0x11B8D, s5;
	s6 =	sshll.u32 @p0 s4, $0x11  }
0xaa: {  	s5 =	sor.u32 @p0 s6, s5  }
0xab: {  	[sflag:s5] =	ssyncadd.remote.s32 @p0 $0x1;
	_ =	sdelay $0x1  }
0xac: {  	s5 =	simm.s32 @p0 $0x1B8D  }
0xad: {  	_ =	swait.eq @p0 [sflag:s5], $0x1  }
0xae: {  	[sflag:s5] =	ssyncadd.s32 @p0 $0xFFFFFFFF  }
0xaf: {  	s6 =	sshll.u32 @!p0 s1, $0xE  }
0xb0: {  	s6 =	sor.u32 @!p0 $0x4000, s6;
	s5 =	simm.s32 @!p0 $0x1B8D  }
0xb1: {  	s4 =	sshll.u32 @!p0 s4, $0x11;
	s6 =	sadd.s32 @!p0 $0x11B8D, s6;
	_ =	swait.eq @!p0 [sflag:s5], $0x1  }
0xb2: {  	s4 =	sor.u32 @!p0 s4, s6;
	[sflag:s5] =	ssyncadd.s32 @!p0 $0xFFFFFFFF  }
0xb3: {  	s25 =	simm.s32 $0x1B8E;
	s24 =	sld [smem:$0x3FFE];
	[sflag:s4] =	ssyncadd.remote.s32 @!p0 $0x1  }
0xb4: {  	s26 =	simm.s32 $execute0_lowered;
	[smem:$0x3FD2] =	sst s25  }
0xb5: {  	s5 =	sshll.u32 s26, $0x1;
	_ =	strace $0x80000049;
	[dreg:$0x1] =	wrdreg $0xFFFFFFFF  }
0xb6: {  	s28 =	simm.s32 $_size_execute0_lowered;
	s3 =	sadd.s32 s3, s5;
	[dreg:$0x0] =	wrdreg $0x0  }
0xb7: {  	s5 =	sshll.u32 s28, $0x1;
	[dreg:$0x2] =	wrdreg s3  }
0xb8: {  	[dreg:$0x3] =	wrdreg s5  }
0xb9: {  	[dreg:$0x4] =	wrdreg $0xC0  }
0xba: {  	_ =	task [dreg:s22], $0x5FFFF  }
0xbb: {  	[dreg:$0x1] =	wrdreg $0xFFFFFFFF  }
0xbc: {  	[dreg:$0x0] =	wrdreg $0x60  }
0xbd: {  	[dreg:$0x2] =	wrdreg s24  }
0xbe: {  	[dreg:$0x3] =	wrdreg $0xA  }
0xbf: {  	_ =	task.clear_ibuf [dreg:s22], $0x4FFFF;
	_ =	strace $0x90000049  }
0xc0: {  	s29 =	simm.s32 $0xA;
	_ =	strace $0x8000004B  }
0xc1: {  	_ =	swait.ge [sflag:s29], $0x1  }
0xc2: {  	[sflag:s29] =	ssyncadd.s32 $0xFFFFFFFF  }
0xc3: {  	_ =	strace $0x9000004B  }
0xc4: {  	_ =	sfence  }
0xc5: {  	s30 =	sld [smem:$0x0];
	_ =	sdelay $0x2  }
0xc6: {  	s31 =	sshll.u32 s1, $0xD;
	s1 =	sshrl.u32 s1, $0x2  }
0xc7: {  	s4 =	sand.u32 $0x4000, s31;
	s1 =	sadd.s32 s1, s30  }
0xc8: {  	s0 =	sor.u32 s4, s0;
	s1 =	sshll.u32 s1, $0x11  }
0xc9: {  	s0 =	sor.u32 s1, s0  }
0xca: {  	s0 =	sadd.s32 $0x8F2B, s0  }
0xcb: {  	[sflag:s0] =	ssyncadd.remote.s32 $0x1  }
0xcc: {  	_ =	sfence.sel $0xFFFF  }
0xcd: {  	[dreg:$0x0] =	wrdreg $0xFFFFFFFF;
	(pc) =	sbr.abs _section_cstart, $3  }
0xce: {  	[dreg:$0x1] =	wrdreg $0xFFFFFFFF  }
0xcf: {  	_ =	task.clear_ibuf [dreg:s22], $0x2FFFF;
	_ =	strace $0x9FFFFFFF  }
0xd0: {  	(tm) =	ssettm $0x7FFFFFFF  }
0xd1: {  	_ =	shalt  }
tec
execute0_lowered:
.L_overlay_start_1:
0x0: {  	(tag) =	ssettag $0x1  }
0x1: {  	s0 =	rddreg [dreg:$0x0];
	s7 =	simm.s32 $0x0;
	s1 =	srdreg.scid  }
0x2: {  	s3 =	stileid.u32;
	[smem:$0x7FF] =	sst s7;
	s2 =	sadd.s32 $0x45800, s0  }
0x3: {  	s1 =	sand.u32 $0x1, s1;
	s3 =	sshll.u32 s3, $0x1;
	s0 =	sadd.s32 $0x85800, s0  }
0x4: {  	_ =	strace $0x8000004A;
	s4 =	ssub.s32 $0x2, s1;
	s1 =	sor.u32 s1, s3  }
0x5: {  	s28 =	sshrl.u32 s4, $0x1;
	s5 =	sshll.u32 s1, $0x8;
	s6 =	sshll.u32 s1, $0xD  }
0x6: {  	s1 =	sshll.u32 s1, $0x9;
	s3 =	ssub.s32 s4, s28;
	s29 =	sadd.s32 s2, s6  }
0x7: {  	s30 =	sor.u32 $0x80, s5;
	s1 =	sadd.s32 s0, s1;
	[smem:$0x7F9] =	sst s29  }
0x8: {  	s5 =	sshll.u32 s30, $0x5;
	[smem:$0x7FB] =	sst s1;
	s31 =	smax.u32 s3, $0x1  }
0x9: {  	s4 =	sshll.u32 s30, $0x1;
	s2 =	sadd.s32 s2, s5;
	[smem:$0x7FD] =	sst s31  }
0xa: {  	s10 =	simm.s32 $0x10000;
	s0 =	sadd.s32 s0, s4;
	[smem:$0x7FA] =	sst s2  }
0xb: {  	s12 =	simm.s32 $0x10800;
	v0 =	vimm.f32 $0.0e+00;
	v1 =	vimm.f32 $1.000000000e+00;
	vm0 =	vcmask $0x3F20;
	[smem:$0x7FC] =	sst s0;
	s2 =	simm.s32 $0x0  }
.LBB2_1:
0xc: {  	s0 =	sld [smem:$0x7F9];
	_ =	sdelay $0x1  }
0xd: {  	s29 =	sld [smem:$0x7FA]  }
0xe: {  	[tilespmem:s7], [sflag:$0x1] =	stream.linear.gather [hbm4b:s0+s7], $0x8000, $0x38;
	[tilespmem:$0x11000] =	vst v63  }
0xf: {  	[smem:$0x7F8] =	sst s2;
	s1 =	simm.s32 $0x8000;
	s31 =	simm.s32 $0x1  }
0x10: {  	[tilespmem:s1], [sflag:$0x2] =	stream.linear.gather [hbm4b:s29+s7], $0x8000, $0x38;
	[tilespmem:$0x11000] =	vst v63  }
0x11: {  	_ =	swait.ge [sflag:s31], $0x8000  }
0x12: {  	[sflag:s31] =	ssyncset.done $0x0  }
0x13: {  	s0 =	simm.s32 $0x10040;
	[sflag:s31] =	ssyncadd.s32 $0xFFFF8000  }
0x14: {  	[tilespmem:s0+$0xFFFFFFC0] =	vst v0  }
0x15: {  	[tilespmem:s0+$0x30] =	vst v0  }
0x16: {  	[tilespmem:s0+$0x20] =	vst v0  }
0x17: {  	[tilespmem:s0+$0x10] =	vst v0  }
0x18: {  	[tilespmem:s0+$0x0] =	vst v0  }
0x19: {  	s2 =	simm.s32 $0x0;
	[tilespmem:s0+$0xFFFFFFF0] =	vst v0  }
0x1a: {  	p0 =	por $0x0, $0x0;
	s30 =	simm.s32 $0x30;
	s1 =	simm.s32 $0x180;
	[tilespmem:s0+$0xFFFFFFE0] =	vst v0  }
.LBB2_2:
0x1b: {  	s2 =	sadd.s32 $0x80, s2;
	[tilespmem:s0+$0xFFFFFFD0] =	vst v0;
	s0 =	sadd.s32 $0x80, s0  }
0x1c: {  	[tilespmem:s0+$0xFFFFFFC0] =	vst v0;
	p1 =	slt.u32 s2, $0x780  }
0x1d: {  	[tilespmem:s0+$0x30] =	vst v0  }
.Ltmp0:
0x1e: {  	[tilespmem:s0+$0x20] =	vst v0;
	(pc) =	sbr.rel @p1 .LBB2_2-.Ltmp0, $4  }
0x1f: {  	[tilespmem:s0+$0x10] =	vst v0  }
0x20: {  	[tilespmem:s0+$0x0] =	vst v0  }
0x21: {  	[tilespmem:s0+$0xFFFFFFF0] =	vst v0  }
0x22: {  	s3 =	simm.s32 $0x0;
	[tilespmem:s0+$0xFFFFFFE0] =	vst v0  }
0x23: {  	s2 =	simm.s32 $0x100  }
0x24: {  	s5 =	sand.u32 $0x7800, s3;
	s25 =	simm.s32 $0x0;
	s2 =	sand.u32 $0x300, s2  }
0x25: {  	[tilespmem:s0+$0xFFFFFFD0] =	vst v0;
	s0 =	sand.u32 $0x200, s25;
	s7 =	sor.u32 s2, s5  }
0x26: {  	s6 =	sor.u32 s0, s5;
	v2 =	vld [tilespmem:s7+$0x0]  }
0x27: {  	s26 =	simm.s32 $0x80;
	v3 =	vld [tilespmem:s6+$0x0]  }
0x28: {  	s0 =	sand.u32 $0x280, s26  }
0x29: {  	s1 =	sand.u32 $0x380, s1;
	s4 =	sor.u32 s0, s5  }
0x2a: {  	s2 =	simm.s32 $0x20;
	s5 =	sor.u32 s1, s5;
	v4 =	vld [tilespmem:s4+$0x0]  }
0x2b: {  	s0 =	simm.s32 $0x0;
	v5 =	vld [tilespmem:s5+$0x0];
	v2 =	vadd.s32 s2, v2  }
0x2c: {  	v3 =	vadd.s32 s0, v3;
	_ =	sdelay $0x1  }
0x2d: {  	s1 =	simm.s32 $0x10  }
0x2e: {  	v4 =	vadd.s32 s1, v4  }
0x2f: {  	v5 =	vadd.s32 s30, v5;
	[tilespmem:v2+s10+$0x0] =	vst.idx.add.f32.msk $0xffff, v1  }
0x30: {  	[tilespmem:v3+s10+$0x0] =	vst.idx.add.f32.msk $0xffff, v1  }
0x31: {  	v2 =	vld [tilespmem:s7+$0x10]  }
0x32: {  	v3 =	vld [tilespmem:s6+$0x10]  }
0x33: {  	[tilespmem:v4+s10+$0x0] =	vst.idx.add.f32.msk $0xffff, v1  }
0x34: {  	[tilespmem:v5+s10+$0x0] =	vst.idx.add.f32.msk $0xffff, v1  }
0x35: {  	v4 =	vld [tilespmem:s4+$0x10]  }
0x36: {  	v5 =	vld [tilespmem:s5+$0x10];
	v2 =	vadd.s32 s2, v2  }
0x37: {  	v3 =	vadd.s32 s0, v3;
	_ =	sdelay $0x2  }
0x38: {  	v4 =	vadd.s32 s1, v4  }
0x39: {  	v5 =	vadd.s32 s30, v5;
	[tilespmem:v2+s10+$0x0] =	vst.idx.add.f32.msk $0xffff, v1  }
0x3a: {  	[tilespmem:v3+s10+$0x0] =	vst.idx.add.f32.msk $0xffff, v1  }
0x3b: {  	v2 =	vld [tilespmem:s7+$0x20]  }
0x3c: {  	v3 =	vld [tilespmem:s6+$0x20]  }
0x3d: {  	[tilespmem:v4+s10+$0x0] =	vst.idx.add.f32.msk $0xffff, v1  }
0x3e: {  	[tilespmem:v5+s10+$0x0] =	vst.idx.add.f32.msk $0xffff, v1  }
0x3f: {  	v4 =	vld [tilespmem:s4+$0x20]  }
0x40: {  	v5 =	vld [tilespmem:s5+$0x20];
	v2 =	vadd.s32 s2, v2  }
0x41: {  	v3 =	vadd.s32 s0, v3;
	_ =	sdelay $0x2  }
0x42: {  	v4 =	vadd.s32 s1, v4  }
0x43: {  	v5 =	vadd.s32 s30, v5;
	[tilespmem:v2+s10+$0x0] =	vst.idx.add.f32.msk $0xffff, v1  }
0x44: {  	[tilespmem:v3+s10+$0x0] =	vst.idx.add.f32.msk $0xffff, v1  }
0x45: {  	v2 =	vld [tilespmem:s7+$0x30]  }
0x46: {  	v3 =	vld [tilespmem:s6+$0x30]  }
0x47: {  	[tilespmem:v4+s10+$0x0] =	vst.idx.add.f32.msk $0xffff, v1  }
0x48: {  	[tilespmem:v5+s10+$0x0] =	vst.idx.add.f32.msk $0xffff, v1  }
0x49: {  	v4 =	vld [tilespmem:s4+$0x30]  }
0x4a: {  	v5 =	vld [tilespmem:s5+$0x30];
	v2 =	vadd.s32 s2, v2  }
0x4b: {  	v3 =	vadd.s32 s0, v3;
	_ =	sdelay $0x2  }
0x4c: {  	v4 =	vadd.s32 s1, v4  }
0x4d: {  	v5 =	vadd.s32 s30, v5;
	[tilespmem:v2+s10+$0x0] =	vst.idx.add.f32.msk $0xffff, v1  }
0x4e: {  	[tilespmem:v3+s10+$0x0] =	vst.idx.add.f32.msk $0xffff, v1  }
0x4f: {  	v2 =	vld [tilespmem:s7+$0x40]  }
0x50: {  	v3 =	vld [tilespmem:s6+$0x40]  }
0x51: {  	[tilespmem:v4+s10+$0x0] =	vst.idx.add.f32.msk $0xffff, v1  }
0x52: {  	[tilespmem:v5+s10+$0x0] =	vst.idx.add.f32.msk $0xffff, v1  }
0x53: {  	v4 =	vld [tilespmem:s4+$0x40]  }
0x54: {  	v5 =	vld [tilespmem:s5+$0x40];
	v2 =	vadd.s32 s2, v2  }
0x55: {  	v3 =	vadd.s32 s0, v3;
	_ =	sdelay $0x2  }
0x56: {  	v4 =	vadd.s32 s1, v4  }
0x57: {  	v5 =	vadd.s32 s30, v5;
	[tilespmem:v2+s10+$0x0] =	vst.idx.add.f32.msk $0xffff, v1  }
0x58: {  	[tilespmem:v3+s10+$0x0] =	vst.idx.add.f32.msk $0xffff, v1  }
0x59: {  	v3 =	vld [tilespmem:s6+$0x50]  }
0x5a: {  	v2 =	vld [tilespmem:s7+$0x50]  }
0x5b: {  	[tilespmem:v4+s10+$0x0] =	vst.idx.add.f32.msk $0xffff, v1  }
0x5c: {  	[tilespmem:v5+s10+$0x0] =	vst.idx.add.f32.msk $0xffff, v1  }
0x5d: {  	v4 =	vld [tilespmem:s4+$0x50]  }
0x5e: {  	v5 =	vld [tilespmem:s5+$0x50];
	v3 =	vadd.s32 s0, v3;
	_ =	sdelay $0x1  }
0x5f: {  	v2 =	vadd.s32 s2, v2;
	_ =	sdelay $0x1  }
0x60: {  	v4 =	vadd.s32 s1, v4  }
0x61: {  	v5 =	vadd.s32 s30, v5;
	[tilespmem:v3+s10+$0x0] =	vst.idx.add.f32.msk $0xffff, v1  }
0x62: {  	v3 =	vld [tilespmem:s6+$0x60]  }
0x63: {  	[tilespmem:v2+s10+$0x0] =	vst.idx.add.f32.msk $0xffff, v1  }
0x64: {  	v2 =	vld [tilespmem:s7+$0x60]  }
0x65: {  	[tilespmem:v4+s10+$0x0] =	vst.idx.add.f32.msk $0xffff, v1  }
0x66: {  	[tilespmem:v5+s10+$0x0] =	vst.idx.add.f32.msk $0xffff, v1  }
0x67: {  	v4 =	vld [tilespmem:s4+$0x60];
	v3 =	vadd.s32 s0, v3  }
0x68: {  	v5 =	vld [tilespmem:s5+$0x60];
	_ =	sdelay $0x1  }
0x69: {  	v2 =	vadd.s32 s2, v2;
	_ =	sdelay $0x1  }
0x6a: {  	v4 =	vadd.s32 s1, v4;
	[tilespmem:v3+s10+$0x0] =	vst.idx.add.f32.msk $0xffff, v1  }
0x6b: {  	v5 =	vadd.s32 s30, v5;
	v3 =	vld [tilespmem:s6+$0x70];
	_ =	sdelay $0x1  }
0x6c: {  	[tilespmem:v2+s10+$0x0] =	vst.idx.add.f32.msk $0xffff, v1  }
0x6d: {  	s29 =	sand.u32 $0x3, s3;
	v2 =	vld [tilespmem:s7+$0x70]  }
0x6e: {  	s6 =	sshll.u32 s29, $0x8;
	[tilespmem:v4+s10+$0x0] =	vst.idx.add.f32.msk $0xffff, v1  }
0x6f: {  	[tilespmem:v5+s10+$0x0] =	vst.idx.add.f32.msk $0xffff, v1;
	s6 =	sadd.s32 $0x0, s6;
	v3 =	vadd.s32 s0, v3  }
0x70: {  	v4 =	vld [tilespmem:s4+$0x70];
	s11 =	sadd.s32 $0x100, s6;
	s6 =	simm.s32 $0x1  }
0x71: {  	v5 =	vld [tilespmem:s5+$0x70];
	s6 =	simm.s32 @!p0 $0x0  }
0x72: {  	s8 =	sshll.u32 s6, $0x9  }
0x73: {  	v2 =	vadd.s32 s2, v2;
	s4 =	sadd.s32 $0x0, s8  }
0x74: {  	s9 =	sor.u32 $0x400, s4;
	[tilespmem:v3+s10+$0x0] =	vst.idx.add.f32.msk $0xffff, v1  }
0x75: {  	v3 =	vadd.s32 s1, v4;
	v4 =	vld [tilespmem:s9+$0x0]  }
0x76: {  	v5 =	vadd.s32 s30, v5  }
0x77: {  	s13 =	sand.u32 $0x7, s3  }
0x78: {  	s3 =	sshll.u32 s13, $0x7;
	s7 =	sor.u32 $0x400, s11;
	[tilespmem:v2+s10+$0x0] =	vst.idx.add.f32.msk $0xffff, v1  }
0x79: {  	s3 =	sadd.s32 $0x0, s3;
	v2 =	vld [tilespmem:s7+$0x0]  }
0x7a: {  	s20 =	simm.s32 $0x400;
	s5 =	sadd.s32 $0x80, s3;
	[tilespmem:v3+s10+$0x0] =	vst.idx.add.f32.msk $0xffff, v1;
	v3 =	vadd.s32 s0, v4  }
0x7b: {  	s3 =	sadd.s32 $0x180, s3;
	s15 =	sor.u32 $0x400, s5;
	[tilespmem:v5+s10+$0x0] =	vst.idx.add.f32.msk $0xffff, v1;
	s9 =	simm.s32 $0x200  }
0x7c: {  	s18 =	sand.u32 $0x7800, s20;
	s16 =	sor.u32 $0x400, s3;
	s9 =	sand.u32 $0x200, s9;
	v4 =	vld [tilespmem:s15+$0x0]  }
0x7d: {  	s17 =	simm.s32 $0x300;
	v5 =	vld [tilespmem:s16+$0x0];
	s9 =	sor.u32 s9, s18  }
0x7e: {  	s13 =	simm.s32 $0x280;
	s7 =	sand.u32 $0x300, s17;
	v7 =	vld [tilespmem:s9+$0x0]  }
0x7f: {  	s22 =	sand.u32 $0x280, s13;
	s8 =	sor.u32 s7, s18;
	v2 =	vadd.s32 s2, v2;
	[tilespmem:v3+s10+$0x0] =	vst.idx.add.f32.msk $0xffff, v1  }
0x80: {  	s21 =	simm.s32 $0x380;
	s7 =	sor.u32 s22, s18;
	v3 =	vld [tilespmem:s8+$0x0]  }
0x81: {  	s23 =	sand.u32 $0x380, s21;
	v8 =	vld [tilespmem:s7+$0x0];
	v4 =	vadd.s32 s1, v4  }
0x82: {  	s6 =	sor.u32 s23, s18  }
0x83: {  	v9 =	vld [tilespmem:s6+$0x0];
	s17 =	simm.s32 $0x40;
	v5 =	vadd.s32 s30, v5  }
0x84: {  	s14 =	sor.u32 $0x410, s11;
	s16 =	simm.s32 $0x60;
	v7 =	vadd.s32 s17, v7;
	[tilespmem:v2+s10+$0x0] =	vst.idx.add.f32.msk $0xffff, v1  }
0x85: {  	s18 =	simm.s32 $0x50;
	v2 =	vld [tilespmem:s14+$0x0];
	v3 =	vadd.s32 s16, v3  }
0x86: {  	s19 =	sor.u32 $0x410, s4;
	[tilespmem:v4+s10+$0x0] =	vst.idx.add.f32.msk $0xffff, v1;
	v4 =	vadd.s32 s18, v8  }
0x87: {  	v6 =	vld [tilespmem:s19+$0x0]  }
0x88: {  	s19 =	simm.s32 $0x70;
	[tilespmem:v5+s10+$0x0] =	vst.idx.add.f32.msk $0xffff, v1  }
0x89: {  	v5 =	vadd.s32 s19, v9;
	[tilespmem:v7+s10+$0x0] =	vst.idx.add.f32.msk $0xffff, v1  }
0x8a: {  	v2 =	vadd.s32 s2, v2;
	[tilespmem:v3+s10+$0x0] =	vst.idx.add.f32.msk $0xffff, v1  }
0x8b: {  	[tilespmem:v4+s10+$0x0] =	vst.idx.add.f32.msk $0xffff, v1  }
0x8c: {  	v4 =	vld [tilespmem:s9+$0x10]  }
0x8d: {  	v3 =	vld [tilespmem:s8+$0x10]  }
0x8e: {  	[tilespmem:v5+s10+$0x0] =	vst.idx.add.f32.msk $0xffff, v1  }
0x8f: {  	[tilespmem:v2+s10+$0x0] =	vst.idx.add.f32.msk $0xffff, v1  }
0x90: {  	s24 =	sor.u32 $0x420, s11;
	v5 =	vadd.s32 s0, v6;
	v6 =	vld [tilespmem:s7+$0x10]  }
0x91: {  	s29 =	sor.u32 $0x410, s3;
	v2 =	vld [tilespmem:s24+$0x0];
	v4 =	vadd.s32 s17, v4  }
0x92: {  	s25 =	sor.u32 $0x410, s5;
	v59 =	vld [tilespmem:s29+$0x0];
	v3 =	vadd.s32 s16, v3  }
0x93: {  	v57 =	vld [tilespmem:s25+$0x0]  }
0x94: {  	v58 =	vld [tilespmem:s6+$0x10]  }
0x95: {  	[tilespmem:v5+s10+$0x0] =	vst.idx.add.f32.msk $0xffff, v1;
	v5 =	vadd.s32 s18, v6  }
0x96: {  	v2 =	vadd.s32 s2, v2;
	[tilespmem:v4+s10+$0x0] =	vst.idx.add.f32.msk $0xffff, v1  }
0x97: {  	[tilespmem:v3+s10+$0x0] =	vst.idx.add.f32.msk $0xffff, v1  }
0x98: {  	v4 =	vld [tilespmem:s9+$0x20]  }
0x99: {  	v6 =	vadd.s32 s19, v58;
	v3 =	vld [tilespmem:s8+$0x20]  }
0x9a: {  	[tilespmem:v5+s10+$0x0] =	vst.idx.add.f32.msk $0xffff, v1  }
0x9b: {  	s26 =	sor.u32 $0x430, s11;
	v7 =	vadd.s32 s1, v57;
	[tilespmem:v2+s10+$0x0] =	vst.idx.add.f32.msk $0xffff, v1  }
0x9c: {  	v5 =	vadd.s32 s30, v59;
	v2 =	vld [tilespmem:s26+$0x0]  }
0x9d: {  	v4 =	vadd.s32 s17, v4  }
0x9e: {  	[tilespmem:v6+s10+$0x0] =	vst.idx.add.f32.msk $0xffff, v1;
	v3 =	vadd.s32 s16, v3  }
0x9f: {  	v6 =	vld [tilespmem:s7+$0x20]  }
0xa0: {  	[tilespmem:v7+s10+$0x0] =	vst.idx.add.f32.msk $0xffff, v1  }
0xa1: {  	[tilespmem:v5+s10+$0x0] =	vst.idx.add.f32.msk $0xffff, v1;
	v2 =	vadd.s32 s2, v2  }
0xa2: {  	[tilespmem:v4+s10+$0x0] =	vst.idx.add.f32.msk $0xffff, v1  }
0xa3: {  	[tilespmem:v3+s10+$0x0] =	vst.idx.add.f32.msk $0xffff, v1  }
0xa4: {  	v4 =	vadd.s32 s18, v6;
	v5 =	vld [tilespmem:s9+$0x30]  }
0xa5: {  	v3 =	vld [tilespmem:s8+$0x30]  }
0xa6: {  	s11 =	sor.u32 $0x438, s11;
	[tilespmem:v2+s10+$0x0] =	vst.idx.add.f32.msk $0xffff, v1  }
0xa7: {  	v2 =	vld [tilespmem:s11+$0x0]  }
0xa8: {  	v7 =	vld [tilespmem:s6+$0x20]  }
0xa9: {  	[tilespmem:v4+s10+$0x0] =	vst.idx.add.f32.msk $0xffff, v1;
	v4 =	vadd.s32 s17, v5  }
0xaa: {  	v3 =	vadd.s32 s16, v3  }
0xab: {  	v5 =	vld [tilespmem:s7+$0x30]  }
0xac: {  	s13 =	sor.u32 $0x420, s5;
	v2 =	vadd.s32 s2, v2  }
0xad: {  	v6 =	vadd.s32 s19, v7;
	v7 =	vld [tilespmem:s13+$0x0]  }
0xae: {  	[tilespmem:v4+s10+$0x0] =	vst.idx.add.f32.msk $0xffff, v1  }
0xaf: {  	[tilespmem:v3+s10+$0x0] =	vst.idx.add.f32.msk $0xffff, v1  }
0xb0: {  	v4 =	vadd.s32 s18, v5;
	v5 =	vld [tilespmem:s9+$0x40]  }
0xb1: {  	s11 =	sor.u32 $0x420, s4;
	[tilespmem:v2+s10+$0x0] =	vst.idx.add.f32.msk vm0, v1  }
0xb2: {  	v2 =	vld [tilespmem:s11+$0x0]  }
0xb3: {  	v3 =	vld [tilespmem:s8+$0x40];
	_ =	sdelay $0x1  }
0xb4: {  	[tilespmem:v6+s10+$0x0] =	vst.idx.add.f32.msk $0xffff, v1;
	v6 =	vadd.s32 s1, v7  }
0xb5: {  	[tilespmem:v4+s10+$0x0] =	vst.idx.add.f32.msk $0xffff, v1;
	v4 =	vadd.s32 s17, v5  }
0xb6: {  	s14 =	sor.u32 $0x420, s3;
	v7 =	vld [tilespmem:s6+$0x30];
	v2 =	vadd.s32 s0, v2  }
0xb7: {  	v60 =	vld [tilespmem:s14+$0x0];
	v3 =	vadd.s32 s16, v3  }
0xb8: {  	v5 =	vld [tilespmem:s7+$0x40]  }
0xb9: {  	[tilespmem:v6+s10+$0x0] =	vst.idx.add.f32.msk $0xffff, v1  }
0xba: {  	[tilespmem:v4+s10+$0x0] =	vst.idx.add.f32.msk $0xffff, v1  }
0xbb: {  	[tilespmem:v2+s10+$0x0] =	vst.idx.add.f32.msk $0xffff, v1;
	v2 =	vadd.s32 s19, v7  }
0xbc: {  	[tilespmem:v3+s10+$0x0] =	vst.idx.add.f32.msk $0xffff, v1  }
0xbd: {  	v4 =	vadd.s32 s18, v5;
	v5 =	vld [tilespmem:s9+$0x50]  }
0xbe: {  	v3 =	vadd.s32 s30, v60;
	v6 =	vld [tilespmem:s8+$0x50];
	_ =	sdelay $0x1  }
0xbf: {  	[tilespmem:v2+s10+$0x0] =	vst.idx.add.f32.msk $0xffff, v1  }
0xc0: {  	v2 =	vld [tilespmem:s6+$0x40]  }
0xc1: {  	[tilespmem:v4+s10+$0x0] =	vst.idx.add.f32.msk $0xffff, v1;
	v4 =	vadd.s32 s17, v5  }
0xc2: {  	s15 =	sor.u32 $0x430, s4;
	[tilespmem:v3+s10+$0x0] =	vst.idx.add.f32.msk $0xffff, v1;
	v6 =	vadd.s32 s16, v6  }
0xc3: {  	v3 =	vld [tilespmem:s15+$0x0]  }
0xc4: {  	s22 =	sor.u32 $0x430, s5;
	v5 =	vld [tilespmem:s7+$0x50]  }
0xc5: {  	v7 =	vld [tilespmem:s22+$0x0];
	v2 =	vadd.s32 s19, v2  }
0xc6: {  	[tilespmem:v4+s10+$0x0] =	vst.idx.add.f32.msk $0xffff, v1  }
0xc7: {  	[tilespmem:v6+s10+$0x0] =	vst.idx.add.f32.msk $0xffff, v1  }
0xc8: {  	v6 =	vld [tilespmem:s8+$0x60]  }
0xc9: {  	v3 =	vadd.s32 s0, v3;
	v4 =	vadd.s32 s18, v5;
	v5 =	vld [tilespmem:s9+$0x60]  }
0xca: {  	[tilespmem:v2+s10+$0x0] =	vst.idx.add.f32.msk $0xffff, v1;
	v2 =	vadd.s32 s1, v7  }
0xcb: {  	v7 =	vld [tilespmem:s6+$0x50]  }
0xcc: {  	s23 =	sor.u32 $0x430, s3  }
0xcd: {  	v61 =	vld [tilespmem:s23+$0x0];
	v6 =	vadd.s32 s16, v6  }
0xce: {  	[tilespmem:v3+s10+$0x0] =	vst.idx.add.f32.msk $0xffff, v1  }
0xcf: {  	[tilespmem:v2+s10+$0x0] =	vst.idx.add.f32.msk $0xffff, v1;
	v2 =	vadd.s32 s17, v5  }
0xd0: {  	[tilespmem:v4+s10+$0x0] =	vst.idx.add.f32.msk $0xffff, v1;
	v3 =	vadd.s32 s19, v7  }
0xd1: {  	v4 =	vld [tilespmem:s7+$0x60]  }
0xd2: {  	[tilespmem:v6+s10+$0x0] =	vst.idx.add.f32.msk $0xffff, v1  }
0xd3: {  	v6 =	vld [tilespmem:s8+$0x70]  }
0xd4: {  	v5 =	vadd.s32 s30, v61;
	[tilespmem:v2+s10+$0x0] =	vst.idx.add.f32.msk $0xffff, v1  }
0xd5: {  	[tilespmem:v3+s10+$0x0] =	vst.idx.add.f32.msk $0xffff, v1  }
0xd6: {  	v2 =	vadd.s32 s18, v4;
	v4 =	vld [tilespmem:s9+$0x70]  }
0xd7: {  	s25 =	sor.u32 $0x438, s5;
	v3 =	vld [tilespmem:s6+$0x60]  }
0xd8: {  	v7 =	vld [tilespmem:s25+$0x0]  }
0xd9: {  	s24 =	sor.u32 $0x438, s4;
	s22 =	simm.s32 $0x2;
	[tilespmem:v5+s10+$0x0] =	vst.idx.add.f32.msk $0xffff, v1;
	v6 =	vadd.s32 s16, v6  }
0xda: {  	s26 =	sand.u32 $0x3, s22;
	v5 =	vld [tilespmem:s24+$0x0]  }
0xdb: {  	s3 =	sor.u32 $0x438, s3;
	s29 =	sshll.u32 s26, $0x8;
	[tilespmem:v2+s10+$0x0] =	vst.idx.add.f32.msk $0xffff, v1;
	v2 =	vadd.s32 s17, v4  }
0xdc: {  	p0 =	por !p0, !p0;
	s2 =	sadd.s32 $0x400, s29;
	v63 =	vld [tilespmem:s3+$0x0];
	v3 =	vadd.s32 s19, v3  }
0xdd: {  	s13 =	sadd.s32 $0x100, s2;
	s2 =	simm.s32 $0x1;
	v4 =	vld [tilespmem:s7+$0x70];
	s7 =	simm.s32 $0x4  }
0xde: {  	s5 =	sor.u32 $0x400, s13;
	s2 =	simm.s32 @!p0 $0x0;
	[tilespmem:v6+s10+$0x0] =	vst.idx.add.f32.msk $0xffff, v1;
	s8 =	sand.u32 $0x7, s7  }
0xdf: {  	s2 =	sshll.u32 s2, $0x9;
	v6 =	vld [tilespmem:s5+$0x0];
	s9 =	sshll.u32 s8, $0x7  }
0xe0: {  	s2 =	sadd.s32 $0x400, s2;
	v5 =	vadd.s32 s0, v5;
	s0 =	sadd.s32 $0x400, s9;
	[tilespmem:v2+s10+$0x0] =	vst.idx.add.f32.msk $0xffff, v1  }
0xe1: {  	s11 =	sor.u32 $0x400, s2;
	s14 =	sadd.s32 $0x80, s0;
	[tilespmem:v3+s10+$0x0] =	vst.idx.add.f32.msk $0xffff, v1  }
0xe2: {  	s0 =	sadd.s32 $0x180, s0;
	v2 =	vadd.s32 s18, v4;
	s24 =	sor.u32 $0x410, s14;
	v62 =	vld [tilespmem:s11+$0x0]  }
0xe3: {  	s26 =	sor.u32 $0x410, s0;
	v3 =	vadd.s32 s1, v7;
	v7 =	vld [tilespmem:s6+$0x70];
	[dreg:$0x6] =	wrdreg s24  }
0xe4: {  	[dreg:$0x5] =	wrdreg s26  }
0xe5: {  	s4 =	simm.s32 $0x4;
	s29 =	sor.u32 $0x420, s2;
	v6 =	vadd.s32 s16, v6;
	[tilespmem:v5+s10+$0x0] =	vst.idx.add.f32.msk vm0, v1  }
0xe6: {  	p0 =	por !p0, !p0;
	s15 =	sor.u32 $0x410, s2;
	[dreg:$0x3] =	wrdreg s29  }
0xe7: {  	s28 =	sor.u32 $0x430, s2;
	s7 =	sor.u32 $0x438, s2;
	s23 =	sor.u32 $0x400, s14;
	[tilespmem:v2+s10+$0x0] =	vst.idx.add.f32.msk $0xffff, v1  }
0xe8: {  	s25 =	sor.u32 $0x400, s0;
	s31 =	sor.u32 $0x420, s14;
	s8 =	sor.u32 $0x430, s14;
	[tilespmem:v3+s10+$0x0] =	vst.idx.add.f32.msk vm0, v1  }
0xe9: {  	s3 =	sor.u32 $0x438, s0;
	s1 =	sor.u32 $0x438, s14;
	s6 =	sor.u32 $0x420, s0;
	v4 =	vld [tilespmem:s23+$0x0]  }
0xea: {  	s24 =	sor.u32 $0x430, s0;
	s0 =	sor.u32 $0x410, s13;
	v2 =	vadd.s32 s30, v63;
	s30 =	simm.s32 $0x8;
	v3 =	vadd.s32 s17, v62;
	v5 =	vadd.s32 s19, v7;
	[tilespmem:v6+s10+$0x0] =	vst.idx.add.f32.msk $0xffff, v1  }
.LBB2_4:
0xeb: {  	[dreg:$0x1e] =	wrdreg s28  }
0xec: {  	[dreg:$0x1a] =	wrdreg s8  }
0xed: {  	[dreg:$0x16] =	wrdreg s24  }
0xee: {  	[dreg:$0xf] =	wrdreg s1  }
0xef: {  	[dreg:$0xc] =	wrdreg s3  }
0xf0: {  	[dreg:$0x9] =	wrdreg s7;
	s2 =	sand.u32 $0x7, s30  }
0xf1: {  	s9 =	simm.s32 $0x1;
	s5 =	smov.u32 s19;
	s21 =	sadd.s32 $0x200, s21  }
0xf2: {  	v6 =	vld [tilespmem:s0+$0x0];
	s20 =	sadd.s32 $0x400, s20;
	s9 =	simm.s32 @!p0 $0x0;
	s2 =	sshll.u32 s2, $0x7  }
0xf3: {  	[tilespmem:v5+s10+$0x0] =	vst.idx.add.f32.msk $0xffff, v1;
	s7 =	sadd.s32 $0xFFFFFF80, s21;
	s8 =	sand.u32 $0x7800, s20;
	s11 =	sadd.s32 $0xFFFFFE80, s21  }
0xf4: {  	v5 =	vld [tilespmem:s25+$0x0];
	s14 =	sadd.s32 $0xFFFFFF00, s21;
	s25 =	sand.u32 $0x380, s21;
	s3 =	sshll.u32 s9, $0x9  }
0xf5: {  	s9 =	sand.u32 $0x300, s7;
	s23 =	sand.u32 $0x200, s11;
	s24 =	sand.u32 $0x280, s14  }
0xf6: {  	[tilespmem:v3+s10+$0x0] =	vst.idx.add.f32.msk $0xffff, v1;
	s11 =	sor.u32 s25, s8;
	s0 =	sadd.s32 s20, s2;
	s9 =	sor.u32 s9, s8  }
0xf7: {  	[tilespmem:v2+s10+$0x0] =	vst.idx.add.f32.msk vm0, v1;
	s23 =	sor.u32 s23, s8;
	s14 =	sor.u32 s24, s8;
	s8 =	sadd.s32 $0x80, s0  }
0xf8: {  	s1 =	sadd.s32 s3, s20;
	s24 =	sadd.s32 $0x180, s0;
	v3 =	vadd.s32 s18, v4;
	v7 =	vld [tilespmem:s9+$0x0];
	s26 =	sor.u32 $0x400, s8  }
0xf9: {  	v2 =	vld [tilespmem:s23+$0x0];
	s25 =	sor.u32 $0x400, s24;
	s7 =	sor.u32 $0x410, s24;
	s28 =	sor.u32 $0x420, s24;
	v6 =	vadd.s32 s16, v6  }
0xfa: {  	v9 =	vld [tilespmem:s11+$0x0];
	[dreg:$0x7] =	wrdreg s26;
	s26 =	sor.u32 $0x400, s1;
	v5 =	vadd.s32 s19, v5;
	s19 =	sadd.s32 $0x40, s19  }
0xfb: {  	v8 =	vld [tilespmem:s14+$0x0];
	[dreg:$0xe] =	wrdreg s26;
	s26 =	sor.u32 $0x430, s8;
	s0 =	sadd.s32 $0xFFFFFFF0, s19  }
0xfc: {  	v4 =	vld [tilespmem:s15+$0x0];
	[dreg:$0x1f] =	wrdreg s26;
	s26 =	sor.u32 $0x430, s24;
	s24 =	sor.u32 $0x438, s24  }
0xfd: {  	s15 =	sadd.s32 $0xFFFFFFD0, s19;
	[dreg:$0x12] =	wrdreg s24;
	v7 =	vadd.s32 s0, v7;
	[tilespmem:v3+s10+$0x0] =	vst.idx.add.f32.msk $0xffff, v1  }
0xfe: {  	s24 =	rddreg [dreg:$0x6];
	v2 =	vadd.s32 s15, v2;
	[tilespmem:v6+s10+$0x0] =	vst.idx.add.f32.msk $0xffff, v1  }
0xff: {  	s29 =	sor.u32 $0x420, s13;
	s2 =	sadd.s32 $0xFFFFFFE0, s19;
	v58 =	vld [tilespmem:s24+$0x0]  }
0x100: {  	v3 =	vadd.s32 s2, v8;
	v6 =	vld [tilespmem:s29+$0x0]  }
0x101: {  	[tilespmem:v5+s10+$0x0] =	vst.idx.add.f32.msk $0xffff, v1  }
0x102: {  	v4 =	vadd.s32 s17, v4;
	[tilespmem:v7+s10+$0x0] =	vst.idx.add.f32.msk $0xffff, v1  }
0x103: {  	v5 =	vadd.s32 s19, v9;
	[tilespmem:v2+s10+$0x0] =	vst.idx.add.f32.msk $0xffff, v1  }
0x104: {  	v7 =	vld [tilespmem:s9+$0x10]  }
0x105: {  	[tilespmem:v3+s10+$0x0] =	vst.idx.add.f32.msk $0xffff, v1  }
0x106: {  	v3 =	vld [tilespmem:s23+$0x10];
	v6 =	vadd.s32 s16, v6  }
0x107: {  	s3 =	sor.u32 $0x410, s8;
	[tilespmem:v4+s10+$0x0] =	vst.idx.add.f32.msk $0xffff, v1  }
0x108: {  	s24 =	smov.u32 s3;
	[tilespmem:v5+s10+$0x0] =	vst.idx.add.f32.msk $0xffff, v1  }
0x109: {  	s29 =	sor.u32 $0x410, s1;
	[dreg:$0x6] =	wrdreg s24;
	v59 =	vld [tilespmem:s11+$0x10];
	v5 =	vadd.s32 s0, v7  }
0x10a: {  	[dreg:$0x13] =	wrdreg s29;
	s29 =	sor.u32 $0x420, s8;
	s8 =	sor.u32 $0x438, s8;
	v7 =	vld [tilespmem:s14+$0x10]  }
0x10b: {  	[dreg:$0x15] =	wrdreg s8;
	s8 =	sor.u32 $0x430, s13;
	v2 =	vadd.s32 s18, v58;
	[tilespmem:v6+s10+$0x0] =	vst.idx.add.f32.msk $0xffff, v1  }
0x10c: {  	s24 =	rddreg [dreg:$0x5];
	v3 =	vadd.s32 s15, v3;
	v6 =	vld [tilespmem:s8+$0x0]  }
0x10d: {  	v60 =	vld [tilespmem:s24+$0x0]  }
0x10e: {  	v4 =	vadd.s32 s19, v59;
	[tilespmem:v5+s10+$0x0] =	vst.idx.add.f32.msk $0xffff, v1  }
0x10f: {  	v7 =	vadd.s32 s2, v7;
	v5 =	vld [tilespmem:s9+$0x20]  }
0x110: {  	[tilespmem:v2+s10+$0x0] =	vst.idx.add.f32.msk $0xffff, v1  }
0x111: {  	[tilespmem:v3+s10+$0x0] =	vst.idx.add.f32.msk $0xffff, v1;
	v6 =	vadd.s32 s16, v6  }
0x112: {  	v3 =	vld [tilespmem:s23+$0x20]  }
0x113: {  	[tilespmem:v4+s10+$0x0] =	vst.idx.add.f32.msk $0xffff, v1  }
0x114: {  	[tilespmem:v7+s10+$0x0] =	vst.idx.add.f32.msk $0xffff, v1;
	v5 =	vadd.s32 s0, v5  }
0x115: {  	v4 =	vld [tilespmem:s14+$0x20]  }
0x116: {  	s3 =	smov.u32 s7;
	s7 =	sor.u32 $0x438, s13;
	v2 =	vadd.s32 s5, v60;
	[tilespmem:v6+s10+$0x0] =	vst.idx.add.f32.msk $0xffff, v1  }
0x117: {  	v6 =	vld [tilespmem:s7+$0x0]  }
0x118: {  	v7 =	vld [tilespmem:s11+$0x20];
	v3 =	vadd.s32 s15, v3  }
0x119: {  	[tilespmem:v5+s10+$0x0] =	vst.idx.add.f32.msk $0xffff, v1  }
0x11a: {  	v5 =	vld [tilespmem:s9+$0x30]  }
0x11b: {  	[tilespmem:v2+s10+$0x0] =	vst.idx.add.f32.msk $0xffff, v1;
	v2 =	vadd.s32 s2, v4  }
0x11c: {  	v6 =	vadd.s32 s16, v6  }
0x11d: {  	[tilespmem:v3+s10+$0x0] =	vst.idx.add.f32.msk $0xffff, v1  }
0x11e: {  	[dreg:$0x1d] =	wrdreg s6;
	s6 =	smov.u32 s31;
	v3 =	vld [tilespmem:s23+$0x30];
	s16 =	smov.u32 s0  }
0x11f: {  	v4 =	vadd.s32 s16, v5;
	v5 =	vadd.s32 s19, v7;
	v7 =	vld [tilespmem:s6+$0x0]  }
0x120: {  	[tilespmem:v2+s10+$0x0] =	vst.idx.add.f32.msk $0xffff, v1  }
0x121: {  	s8 =	rddreg [dreg:$0x3];
	[tilespmem:v6+s10+$0x0] =	vst.idx.add.f32.msk vm0, v1  }
0x122: {  	v6 =	vld [tilespmem:s8+$0x0]  }
0x123: {  	v2 =	vadd.s32 s15, v3;
	v3 =	vld [tilespmem:s14+$0x30]  }
0x124: {  	[tilespmem:v4+s10+$0x0] =	vst.idx.add.f32.msk $0xffff, v1  }
0x125: {  	[tilespmem:v5+s10+$0x0] =	vst.idx.add.f32.msk $0xffff, v1  }
0x126: {  	v4 =	vld [tilespmem:s9+$0x40]  }
0x127: {  	v5 =	vadd.s32 s18, v7;
	v6 =	vadd.s32 s17, v6;
	v7 =	vld [tilespmem:s11+$0x30];
	_ =	sdelay $0x1  }
0x128: {  	[tilespmem:v2+s10+$0x0] =	vst.idx.add.f32.msk $0xffff, v1;
	v2 =	vadd.s32 s2, v3  }
0x129: {  	s24 =	rddreg [dreg:$0x1d];
	v3 =	vld [tilespmem:s23+$0x40]  }
0x12a: {  	v61 =	vld [tilespmem:s24+$0x0];
	v4 =	vadd.s32 s16, v4  }
0x12b: {  	[tilespmem:v6+s10+$0x0] =	vst.idx.add.f32.msk $0xffff, v1;
	v6 =	vadd.s32 s19, v7  }
0x12c: {  	[tilespmem:v5+s10+$0x0] =	vst.idx.add.f32.msk $0xffff, v1  }
0x12d: {  	[tilespmem:v2+s10+$0x0] =	vst.idx.add.f32.msk $0xffff, v1  }
0x12e: {  	v2 =	vadd.s32 s15, v3;
	v3 =	vld [tilespmem:s14+$0x40]  }
0x12f: {  	[tilespmem:v4+s10+$0x0] =	vst.idx.add.f32.msk $0xffff, v1  }
0x130: {  	[tilespmem:v6+s10+$0x0] =	vst.idx.add.f32.msk $0xffff, v1  }
0x131: {  	v5 =	vld [tilespmem:s9+$0x50]  }
0x132: {  	s31 =	sor.u32 $0x420, s1;
	v4 =	vadd.s32 s5, v61;
	v6 =	vld [tilespmem:s11+$0x40]  }
0x133: {  	[dreg:$0x1b] =	wrdreg s26;
	s26 =	sor.u32 $0x430, s1;
	s1 =	sor.u32 $0x438, s1  }
0x134: {  	[dreg:$0x18] =	wrdreg s1;
	[tilespmem:v2+s10+$0x0] =	vst.idx.add.f32.msk $0xffff, v1;
	v2 =	vadd.s32 s2, v3  }
0x135: {  	s1 =	rddreg [dreg:$0x1a];
	v3 =	vld [tilespmem:s23+$0x50]  }
0x136: {  	v7 =	vld [tilespmem:s1+$0x0];
	v5 =	vadd.s32 s16, v5  }
0x137: {  	s13 =	smov.u32 s31;
	s31 =	smov.u32 s29;
	s29 =	rddreg [dreg:$0x1e];
	[tilespmem:v4+s10+$0x0] =	vst.idx.add.f32.msk $0xffff, v1;
	v6 =	vadd.s32 s19, v6  }
0x138: {  	v4 =	vld [tilespmem:s29+$0x0]  }
0x139: {  	[tilespmem:v2+s10+$0x0] =	vst.idx.add.f32.msk $0xffff, v1  }
0x13a: {  	v2 =	vadd.s32 s15, v3;
	v3 =	vld [tilespmem:s14+$0x50]  }
0x13b: {  	[tilespmem:v5+s10+$0x0] =	vst.idx.add.f32.msk $0xffff, v1  }
0x13c: {  	[tilespmem:v6+s10+$0x0] =	vst.idx.add.f32.msk $0xffff, v1  }
0x13d: {  	v5 =	vld [tilespmem:s9+$0x60]  }
0x13e: {  	v4 =	vadd.s32 s17, v4;
	v6 =	vadd.s32 s18, v7;
	v7 =	vld [tilespmem:s11+$0x50]  }
0x13f: {  	[tilespmem:v2+s10+$0x0] =	vst.idx.add.f32.msk $0xffff, v1  }
0x140: {  	v2 =	vadd.s32 s2, v3;
	v3 =	vld [tilespmem:s23+$0x60]  }
0x141: {  	s7 =	rddreg [dreg:$0x16]  }
0x142: {  	v62 =	vld [tilespmem:s7+$0x0];
	v5 =	vadd.s32 s16, v5  }
0x143: {  	[tilespmem:v4+s10+$0x0] =	vst.idx.add.f32.msk $0xffff, v1;
	v4 =	vadd.s32 s19, v7  }
0x144: {  	[tilespmem:v6+s10+$0x0] =	vst.idx.add.f32.msk $0xffff, v1  }
0x145: {  	[tilespmem:v2+s10+$0x0] =	vst.idx.add.f32.msk $0xffff, v1;
	v2 =	vadd.s32 s15, v3  }
0x146: {  	v3 =	vld [tilespmem:s14+$0x60]  }
0x147: {  	[tilespmem:v5+s10+$0x0] =	vst.idx.add.f32.msk $0xffff, v1  }
0x148: {  	[tilespmem:v4+s10+$0x0] =	vst.idx.add.f32.msk $0xffff, v1  }
0x149: {  	v6 =	vld [tilespmem:s9+$0x70]  }
0x14a: {  	v5 =	vadd.s32 s5, v62;
	[tilespmem:v2+s10+$0x0] =	vst.idx.add.f32.msk $0xffff, v1  }
0x14b: {  	v4 =	vld [tilespmem:s11+$0x60]  }
0x14c: {  	v2 =	vadd.s32 s2, v3;
	v3 =	vld [tilespmem:s23+$0x70]  }
0x14d: {  	s9 =	rddreg [dreg:$0xf]  }
0x14e: {  	s22 =	sadd.s32 $0x2, s22;
	[dreg:$0x3] =	wrdreg s13;
	s6 =	smov.u32 s28;
	v7 =	vld [tilespmem:s9+$0x0];
	v6 =	vadd.s32 s16, v6  }
0x14f: {  	s28 =	smov.u32 s26;
	s26 =	sand.u32 $0x3, s22;
	s29 =	rddreg [dreg:$0x9];
	[tilespmem:v5+s10+$0x0] =	vst.idx.add.f32.msk $0xffff, v1  }
0x150: {  	s13 =	rddreg [dreg:$0x1b];
	s0 =	sshll.u32 s26, $0x8;
	v5 =	vld [tilespmem:s29+$0x0];
	v4 =	vadd.s32 s19, v4  }
0x151: {  	s0 =	sadd.s32 s20, s0;
	s24 =	smov.u32 s13;
	s13 =	rddreg [dreg:$0x15];
	[tilespmem:v2+s10+$0x0] =	vst.idx.add.f32.msk $0xffff, v1;
	v2 =	vadd.s32 s15, v3  }
0x152: {  	s1 =	smov.u32 s13;
	s13 =	sadd.s32 $0x100, s0;
	v3 =	vld [tilespmem:s14+$0x70]  }
0x153: {  	s0 =	sor.u32 $0x400, s13;
	[tilespmem:v6+s10+$0x0] =	vst.idx.add.f32.msk $0xffff, v1  }
0x154: {  	v6 =	vld [tilespmem:s0+$0x0]  }
0x155: {  	v5 =	vadd.s32 s17, v5;
	[tilespmem:v4+s10+$0x0] =	vst.idx.add.f32.msk $0xffff, v1  }
0x156: {  	v4 =	vadd.s32 s18, v7;
	s18 =	smov.u32 s2;
	[tilespmem:v2+s10+$0x0] =	vst.idx.add.f32.msk $0xffff, v1  }
0x157: {  	s14 =	rddreg [dreg:$0xe];
	v7 =	vld [tilespmem:s11+$0x70];
	v2 =	vadd.s32 s18, v3  }
0x158: {  	s4 =	sadd.s32 $0x4, s4;
	s23 =	rddreg [dreg:$0xc];
	v3 =	vld [tilespmem:s14+$0x0]  }
0x159: {  	p1 =	slt.u32 s4, $0x7C;
	[dreg:$0x5] =	wrdreg s3;
	v63 =	vld [tilespmem:s23+$0x0];
	v6 =	vadd.s32 s16, v6  }
.Ltmp1:
0x15a: {  	s3 =	rddreg [dreg:$0x1f];
	[tilespmem:v5+s10+$0x0] =	vst.idx.add.f32.msk vm0, v1;
	(pc) =	sbr.rel @p1 .LBB2_4-.Ltmp1, $4  }
0x15b: {  	s8 =	smov.u32 s3;
	s3 =	rddreg [dreg:$0x18];
	[tilespmem:v4+s10+$0x0] =	vst.idx.add.f32.msk vm0, v1  }
0x15c: {  	s30 =	sadd.s32 $0x4, s30;
	p0 =	por !p0, !p0;
	s29 =	rddreg [dreg:$0x7];
	[tilespmem:v2+s10+$0x0] =	vst.idx.add.f32.msk $0xffff, v1  }
0x15d: {  	s26 =	rddreg [dreg:$0x12];
	s7 =	smov.u32 s3;
	s17 =	smov.u32 s15;
	v4 =	vld [tilespmem:s29+$0x0]  }
0x15e: {  	s3 =	smov.u32 s26;
	s15 =	rddreg [dreg:$0x13];
	s0 =	sor.u32 $0x410, s13;
	v5 =	vadd.s32 s19, v7;
	v3 =	vadd.s32 s17, v3;
	v2 =	vadd.s32 s5, v63;
	[tilespmem:v6+s10+$0x0] =	vst.idx.add.f32.msk $0xffff, v1  }
0x15f: {  	_ =	sdelay $0x3  }
0x160: {  	[tilespmem:v5+s10+$0x0] =	vst.idx.add.f32.msk $0xffff, v1  }
0x161: {  	v5 =	vld [tilespmem:s25+$0x0];
	_ =	sdelay $0x3  }
0x162: {  	v4 =	vadd.s32 s18, v4  }
0x163: {  	v5 =	vadd.s32 s19, v5  }
0x164: {  	v6 =	vld [tilespmem:s0+$0x0]  }
0x165: {  	[tilespmem:v3+s10+$0x0] =	vst.idx.add.f32.msk $0xffff, v1  }
0x166: {  	v3 =	vld [tilespmem:s15+$0x0]  }
0x167: {  	[tilespmem:v4+s10+$0x0] =	vst.idx.add.f32.msk $0xffff, v1  }
0x168: {  	[tilespmem:v5+s10+$0x0] =	vst.idx.add.f32.msk $0xffff, v1  }
0x169: {  	s21 =	rddreg [dreg:$0x6]  }
0x16a: {  	s22 =	rddreg [dreg:$0x5];
	v4 =	vld [tilespmem:s21+$0x0]  }
0x16b: {  	v5 =	vld [tilespmem:s22+$0x0]  }
0x16c: {  	v6 =	vadd.s32 s16, v6  }
0x16d: {  	v3 =	vadd.s32 s17, v3;
	_ =	sdelay $0x1  }
0x16e: {  	v4 =	vadd.s32 s18, v4  }
0x16f: {  	v5 =	vadd.s32 s19, v5  }
0x170: {  	[tilespmem:v6+s10+$0x0] =	vst.idx.add.f32.msk $0xffff, v1  }
0x171: {  	s23 =	sor.u32 $0x420, s13;
	[tilespmem:v3+s10+$0x0] =	vst.idx.add.f32.msk $0xffff, v1  }
0x172: {  	v6 =	vld [tilespmem:s23+$0x0]  }
0x173: {  	[tilespmem:v4+s10+$0x0] =	vst.idx.add.f32.msk $0xffff, v1  }
0x174: {  	[tilespmem:v5+s10+$0x0] =	vst.idx.add.f32.msk $0xffff, v1  }
0x175: {  	v4 =	vld [tilespmem:s31+$0x0]  }
0x176: {  	s25 =	rddreg [dreg:$0x3];
	v5 =	vld [tilespmem:s6+$0x0]  }
0x177: {  	v3 =	vld [tilespmem:s25+$0x0]  }
0x178: {  	v6 =	vadd.s32 s16, v6;
	_ =	sdelay $0x1  }
0x179: {  	v4 =	vadd.s32 s18, v4  }
0x17a: {  	v5 =	vadd.s32 s19, v5  }
0x17b: {  	v3 =	vadd.s32 s17, v3  }
0x17c: {  	s26 =	sor.u32 $0x430, s13;
	[tilespmem:v6+s10+$0x0] =	vst.idx.add.f32.msk $0xffff, v1  }
0x17d: {  	v6 =	vld [tilespmem:s26+$0x0]  }
0x17e: {  	[tilespmem:v4+s10+$0x0] =	vst.idx.add.f32.msk $0xffff, v1  }
0x17f: {  	[tilespmem:v5+s10+$0x0] =	vst.idx.add.f32.msk $0xffff, v1  }
0x180: {  	[tilespmem:v3+s10+$0x0] =	vst.idx.add.f32.msk $0xffff, v1  }
0x181: {  	v4 =	vld [tilespmem:s8+$0x0]  }
0x182: {  	v5 =	vld [tilespmem:s24+$0x0]  }
0x183: {  	v3 =	vld [tilespmem:s28+$0x0]  }
0x184: {  	v6 =	vadd.s32 s16, v6;
	_ =	sdelay $0x1  }
0x185: {  	v4 =	vadd.s32 s18, v4  }
0x186: {  	v5 =	vadd.s32 s19, v5  }
0x187: {  	v3 =	vadd.s32 s17, v3  }
0x188: {  	[tilespmem:v6+s10+$0x0] =	vst.idx.add.f32.msk $0xffff, v1;
	s28 =	sor.u32 $0x438, s13  }
0x189: {  	v6 =	vld [tilespmem:s28+$0x0]  }
0x18a: {  	[tilespmem:v4+s10+$0x0] =	vst.idx.add.f32.msk $0xffff, v1  }
0x18b: {  	[tilespmem:v5+s10+$0x0] =	vst.idx.add.f32.msk $0xffff, v1  }
0x18c: {  	[tilespmem:v3+s10+$0x0] =	vst.idx.add.f32.msk $0xffff, v1  }
0x18d: {  	v4 =	vld [tilespmem:s1+$0x0]  }
0x18e: {  	v5 =	vld [tilespmem:s3+$0x0]  }
0x18f: {  	v3 =	vld [tilespmem:s7+$0x0];
	_ =	sdelay $0x1  }
0x190: {  	v6 =	vadd.s32 s16, v6  }
0x191: {  	v4 =	vadd.s32 s18, v4  }
0x192: {  	v5 =	vadd.s32 s19, v5  }
0x193: {  	v3 =	vadd.s32 s17, v3  }
0x194: {  	[tilespmem:v2+s10+$0x0] =	vst.idx.add.f32.msk vm0, v1  }
0x195: {  	[tilespmem:v6+s10+$0x0] =	vst.idx.add.f32.msk vm0, v1  }
0x196: {  	[tilespmem:v4+s10+$0x0] =	vst.idx.add.f32.msk vm0, v1  }
0x197: {  	[tilespmem:v5+s10+$0x0] =	vst.idx.add.f32.msk vm0, v1  }
0x198: {  	[tilespmem:v3+s10+$0x0] =	vst.idx.add.f32.msk vm0, v1  }
0x199: {  	s30 =	sld [smem:$0x7FB];
	_ =	sdelay $0x1  }
0x19a: {  	s29 =	simm.s32 $0x0;
	s31 =	simm.s32 $0x2  }
0x19b: {  	[hbm4b:s30+s29] =	stream.linear.scatter [tilespmem:s10], [sflag:$0x3], $0x800, $0x38;
	[tilespmem:$0x11000] =	vst v63  }
0x19c: {  	_ =	swait.ge [sflag:s31], $0x8000  }
0x19d: {  	[sflag:s31] =	ssyncset.done $0x0  }
0x19e: {  	s0 =	simm.s32 $0x10840;
	[sflag:s31] =	ssyncadd.s32 $0xFFFF8000  }
0x19f: {  	[tilespmem:s0+$0xFFFFFFC0] =	vst v0  }
0x1a0: {  	[tilespmem:s0+$0x30] =	vst v0  }
0x1a1: {  	[tilespmem:s0+$0x20] =	vst v0  }
0x1a2: {  	[tilespmem:s0+$0x10] =	vst v0  }
0x1a3: {  	[tilespmem:s0+$0x0] =	vst v0  }
0x1a4: {  	[tilespmem:s0+$0xFFFFFFF0] =	vst v0  }
0x1a5: {  	s1 =	simm.s32 $0x0;
	[tilespmem:s0+$0xFFFFFFE0] =	vst v0  }
.LBB2_6:
0x1a6: {  	s1 =	sadd.s32 $0x80, s1;
	[tilespmem:s0+$0xFFFFFFD0] =	vst v0;
	s0 =	sadd.s32 $0x80, s0  }
0x1a7: {  	[tilespmem:s0+$0xFFFFFFC0] =	vst v0;
	p1 =	slt.u32 s1, $0x780  }
0x1a8: {  	[tilespmem:s0+$0x30] =	vst v0  }
.Ltmp2:
0x1a9: {  	[tilespmem:s0+$0x20] =	vst v0;
	(pc) =	sbr.rel @p1 .LBB2_6-.Ltmp2, $4  }
0x1aa: {  	[tilespmem:s0+$0x10] =	vst v0  }
0x1ab: {  	[tilespmem:s0+$0x0] =	vst v0  }
0x1ac: {  	p0 =	por $0x0, $0x0;
	[tilespmem:s0+$0xFFFFFFF0] =	vst v0  }
0x1ad: {  	s4 =	simm.s32 $0x180;
	s2 =	simm.s32 $0x30;
	s3 =	simm.s32 $0x0;
	[tilespmem:s0+$0xFFFFFFE0] =	vst v0  }
0x1ae: {  	s1 =	sand.u32 $0x7800, s3  }
0x1af: {  	s4 =	sand.u32 $0x380, s4;
	s21 =	simm.s32 $0x0;
	s1 =	sor.u32 $0x8000, s1  }
0x1b0: {  	[tilespmem:s0+$0xFFFFFFD0] =	vst v0;
	s0 =	sand.u32 $0x200, s21;
	s7 =	sor.u32 s4, s1  }
0x1b1: {  	s6 =	sor.u32 s0, s1;
	v2 =	vld [tilespmem:s7+$0x0]  }
0x1b2: {  	v3 =	vld [tilespmem:s6+$0x0];
	_ =	sdelay $0x1  }
0x1b3: {  	s22 =	simm.s32 $0x80  }
0x1b4: {  	s0 =	sand.u32 $0x280, s22  }
0x1b5: {  	s23 =	sor.u32 s0, s1;
	s0 =	simm.s32 $0x0;
	v2 =	vadd.s32 s2, v2  }
0x1b6: {  	v3 =	vadd.s32 s0, v3;
	_ =	sdelay $0x2  }
0x1b7: {  	v4 =	vld [tilespmem:s23+$0x0]  }
0x1b8: {  	[tilespmem:v2+s12+$0x0] =	vst.idx.add.f32.msk $0xffff, v1  }
0x1b9: {  	[tilespmem:v3+s12+$0x0] =	vst.idx.add.f32.msk $0xffff, v1  }
0x1ba: {  	s5 =	simm.s32 $0x100;
	v2 =	vld [tilespmem:s7+$0x10]  }
0x1bb: {  	s5 =	sand.u32 $0x300, s5;
	v3 =	vld [tilespmem:s6+$0x10]  }
0x1bc: {  	s5 =	sor.u32 s5, s1;
	s1 =	simm.s32 $0x10  }
0x1bd: {  	v4 =	vadd.s32 s1, v4;
	_ =	sdelay $0x1  }
0x1be: {  	v2 =	vadd.s32 s2, v2  }
0x1bf: {  	v3 =	vadd.s32 s0, v3  }
0x1c0: {  	v5 =	vld [tilespmem:s5+$0x0]  }
0x1c1: {  	[tilespmem:v4+s12+$0x0] =	vst.idx.add.f32.msk $0xffff, v1  }
0x1c2: {  	v4 =	vld [tilespmem:s23+$0x10]  }
0x1c3: {  	[tilespmem:v2+s12+$0x0] =	vst.idx.add.f32.msk $0xffff, v1  }
0x1c4: {  	[tilespmem:v3+s12+$0x0] =	vst.idx.add.f32.msk $0xffff, v1  }
0x1c5: {  	s28 =	simm.s32 $0x20;
	v2 =	vld [tilespmem:s7+$0x20]  }
0x1c6: {  	v5 =	vadd.s32 s28, v5;
	v3 =	vld [tilespmem:s6+$0x20];
	_ =	sdelay $0x1  }
0x1c7: {  	v4 =	vadd.s32 s1, v4;
	_ =	sdelay $0x1  }
0x1c8: {  	v2 =	vadd.s32 s2, v2  }
0x1c9: {  	[tilespmem:v5+s12+$0x0] =	vst.idx.add.f32.msk $0xffff, v1;
	v3 =	vadd.s32 s0, v3  }
0x1ca: {  	v5 =	vld [tilespmem:s5+$0x10]  }
0x1cb: {  	[tilespmem:v4+s12+$0x0] =	vst.idx.add.f32.msk $0xffff, v1  }
0x1cc: {  	v4 =	vld [tilespmem:s23+$0x20]  }
0x1cd: {  	[tilespmem:v2+s12+$0x0] =	vst.idx.add.f32.msk $0xffff, v1  }
0x1ce: {  	[tilespmem:v3+s12+$0x0] =	vst.idx.add.f32.msk $0xffff, v1  }
0x1cf: {  	v2 =	vld [tilespmem:s7+$0x30]  }
0x1d0: {  	v5 =	vadd.s32 s28, v5;
	v3 =	vld [tilespmem:s6+$0x30];
	_ =	sdelay $0x1  }
0x1d1: {  	v4 =	vadd.s32 s1, v4;
	_ =	sdelay $0x1  }
0x1d2: {  	v2 =	vadd.s32 s2, v2  }
0x1d3: {  	[tilespmem:v5+s12+$0x0] =	vst.idx.add.f32.msk $0xffff, v1;
	v3 =	vadd.s32 s0, v3  }
0x1d4: {  	v5 =	vld [tilespmem:s5+$0x20]  }
0x1d5: {  	[tilespmem:v4+s12+$0x0] =	vst.idx.add.f32.msk $0xffff, v1  }
0x1d6: {  	v4 =	vld [tilespmem:s23+$0x30]  }
0x1d7: {  	[tilespmem:v2+s12+$0x0] =	vst.idx.add.f32.msk $0xffff, v1  }
0x1d8: {  	[tilespmem:v3+s12+$0x0] =	vst.idx.add.f32.msk $0xffff, v1  }
0x1d9: {  	v2 =	vld [tilespmem:s7+$0x40]  }
0x1da: {  	v5 =	vadd.s32 s28, v5;
	v3 =	vld [tilespmem:s6+$0x40];
	_ =	sdelay $0x1  }
0x1db: {  	v4 =	vadd.s32 s1, v4;
	_ =	sdelay $0x1  }
0x1dc: {  	v2 =	vadd.s32 s2, v2  }
0x1dd: {  	[tilespmem:v5+s12+$0x0] =	vst.idx.add.f32.msk $0xffff, v1;
	v3 =	vadd.s32 s0, v3  }
0x1de: {  	v5 =	vld [tilespmem:s5+$0x30]  }
0x1df: {  	[tilespmem:v4+s12+$0x0] =	vst.idx.add.f32.msk $0xffff, v1  }
0x1e0: {  	v4 =	vld [tilespmem:s23+$0x40]  }
0x1e1: {  	[tilespmem:v2+s12+$0x0] =	vst.idx.add.f32.msk $0xffff, v1  }
0x1e2: {  	[tilespmem:v3+s12+$0x0] =	vst.idx.add.f32.msk $0xffff, v1  }
0x1e3: {  	v2 =	vld [tilespmem:s7+$0x50]  }
0x1e4: {  	v5 =	vadd.s32 s28, v5;
	v3 =	vld [tilespmem:s6+$0x50];
	_ =	sdelay $0x1  }
0x1e5: {  	v4 =	vadd.s32 s1, v4;
	_ =	sdelay $0x1  }
0x1e6: {  	v2 =	vadd.s32 s2, v2  }
0x1e7: {  	[tilespmem:v5+s12+$0x0] =	vst.idx.add.f32.msk $0xffff, v1;
	v3 =	vadd.s32 s0, v3  }
0x1e8: {  	v5 =	vld [tilespmem:s5+$0x40]  }
0x1e9: {  	[tilespmem:v4+s12+$0x0] =	vst.idx.add.f32.msk $0xffff, v1  }
0x1ea: {  	v4 =	vld [tilespmem:s23+$0x50]  }
0x1eb: {  	[tilespmem:v2+s12+$0x0] =	vst.idx.add.f32.msk $0xffff, v1  }
0x1ec: {  	[tilespmem:v3+s12+$0x0] =	vst.idx.add.f32.msk $0xffff, v1  }
0x1ed: {  	v5 =	vadd.s32 s28, v5;
	v2 =	vld [tilespmem:s7+$0x60]  }
0x1ee: {  	v3 =	vld [tilespmem:s6+$0x60];
	_ =	sdelay $0x1  }
0x1ef: {  	v4 =	vadd.s32 s1, v4;
	_ =	sdelay $0x1  }
0x1f0: {  	[tilespmem:v5+s12+$0x0] =	vst.idx.add.f32.msk $0xffff, v1;
	v2 =	vadd.s32 s2, v2  }
0x1f1: {  	v5 =	vld [tilespmem:s5+$0x50];
	v3 =	vadd.s32 s0, v3;
	_ =	sdelay $0x1  }
0x1f2: {  	[tilespmem:v4+s12+$0x0] =	vst.idx.add.f32.msk $0xffff, v1  }
0x1f3: {  	v4 =	vld [tilespmem:s23+$0x60]  }
0x1f4: {  	[tilespmem:v2+s12+$0x0] =	vst.idx.add.f32.msk $0xffff, v1  }
0x1f5: {  	v5 =	vadd.s32 s28, v5;
	[tilespmem:v3+s12+$0x0] =	vst.idx.add.f32.msk $0xffff, v1  }
0x1f6: {  	v2 =	vld [tilespmem:s7+$0x70]  }
0x1f7: {  	v3 =	vld [tilespmem:s6+$0x70]  }
0x1f8: {  	v4 =	vadd.s32 s1, v4;
	_ =	sdelay $0x1  }
0x1f9: {  	[tilespmem:v5+s12+$0x0] =	vst.idx.add.f32.msk $0xffff, v1  }
0x1fa: {  	v5 =	vld [tilespmem:s5+$0x60];
	v2 =	vadd.s32 s2, v2  }
0x1fb: {  	v3 =	vadd.s32 s0, v3  }
0x1fc: {  	s24 =	sand.u32 $0x7, s3;
	[tilespmem:v4+s12+$0x0] =	vst.idx.add.f32.msk $0xffff, v1  }
0x1fd: {  	s6 =	sshll.u32 s24, $0x7;
	s7 =	simm.s32 $0x1;
	v4 =	vld [tilespmem:s23+$0x70]  }
0x1fe: {  	s6 =	sadd.s32 $0x0, s6;
	s7 =	simm.s32 @!p0 $0x0  }
0x1ff: {  	v5 =	vadd.s32 s28, v5;
	s11 =	sadd.s32 $0x180, s6;
	s26 =	sshll.u32 s7, $0x9;
	[tilespmem:v2+s12+$0x0] =	vst.idx.add.f32.msk $0xffff, v1  }
0x200: {  	s25 =	sor.u32 $0x400, s11;
	s4 =	sadd.s32 $0x0, s26;
	[tilespmem:v3+s12+$0x0] =	vst.idx.add.f32.msk $0xffff, v1  }
0x201: {  	s31 =	sor.u32 $0x400, s4;
	v2 =	vld [tilespmem:s25+$0x8000]  }
0x202: {  	v3 =	vadd.s32 s1, v4;
	v4 =	vld [tilespmem:s31+$0x8000];
	_ =	sdelay $0x1  }
0x203: {  	[tilespmem:v5+s12+$0x0] =	vst.idx.add.f32.msk $0xffff, v1  }
0x204: {  	v5 =	vld [tilespmem:s5+$0x70]  }
0x205: {  	v2 =	vadd.s32 s2, v2  }
0x206: {  	s5 =	sand.u32 $0x3, s3;
	[tilespmem:v3+s12+$0x0] =	vst.idx.add.f32.msk $0xffff, v1;
	v3 =	vadd.s32 s0, v4  }
0x207: {  	s3 =	sshll.u32 s5, $0x8;
	s5 =	sadd.s32 $0x80, s6  }
0x208: {  	s18 =	simm.s32 $0x400;
	s8 =	sor.u32 $0x400, s5  }
0x209: {  	s19 =	simm.s32 $0x380;
	s13 =	sand.u32 $0x7800, s18;
	v5 =	vadd.s32 s28, v5;
	v4 =	vld [tilespmem:s8+$0x8000]  }
0x20a: {  	s15 =	sand.u32 $0x380, s19;
	s14 =	sor.u32 $0x8000, s13;
	[tilespmem:v2+s12+$0x0] =	vst.idx.add.f32.msk $0xffff, v1  }
0x20b: {  	s8 =	sor.u32 s15, s14;
	[tilespmem:v3+s12+$0x0] =	vst.idx.add.f32.msk $0xffff, v1  }
0x20c: {  	s3 =	sadd.s32 $0x0, s3;
	s7 =	sor.u32 $0x410, s11;
	v3 =	vld [tilespmem:s8+$0x0]  }
0x20d: {  	s3 =	sadd.s32 $0x100, s3;
	v2 =	vld [tilespmem:s7+$0x8000]  }
0x20e: {  	s20 =	simm.s32 $0x300;
	s13 =	simm.s32 $0x280;
	s9 =	sor.u32 $0x400, s3;
	[tilespmem:v5+s12+$0x0] =	vst.idx.add.f32.msk $0xffff, v1  }
0x20f: {  	s17 =	sand.u32 $0x280, s13;
	s13 =	sand.u32 $0x300, s20;
	v5 =	vld [tilespmem:s9+$0x8000];
	s9 =	simm.s32 $0x200  }
0x210: {  	s20 =	simm.s32 $0x70;
	s6 =	sor.u32 s13, s14;
	s9 =	sand.u32 $0x200, s9;
	v4 =	vadd.s32 s1, v4  }
0x211: {  	v9 =	vld [tilespmem:s6+$0x0];
	s9 =	sor.u32 s9, s14;
	v3 =	vadd.s32 s20, v3  }
0x212: {  	v7 =	vld [tilespmem:s9+$0x0];
	s7 =	sor.u32 s17, s14;
	v2 =	vadd.s32 s2, v2  }
0x213: {  	s16 =	sor.u32 $0x410, s4;
	v8 =	vld [tilespmem:s7+$0x0]  }
0x214: {  	v6 =	vld [tilespmem:s16+$0x8000]  }
0x215: {  	v5 =	vadd.s32 s28, v5;
	[tilespmem:v4+s12+$0x0] =	vst.idx.add.f32.msk $0xffff, v1  }
0x216: {  	s17 =	simm.s32 $0x40;
	[tilespmem:v3+s12+$0x0] =	vst.idx.add.f32.msk $0xffff, v1  }
0x217: {  	s16 =	simm.s32 $0x50;
	v7 =	vadd.s32 s17, v7;
	[tilespmem:v2+s12+$0x0] =	vst.idx.add.f32.msk $0xffff, v1  }
0x218: {  	s21 =	sor.u32 $0x420, s11;
	v4 =	vadd.s32 s16, v8;
	v3 =	vld [tilespmem:s8+$0x10]  }
0x219: {  	v2 =	vld [tilespmem:s21+$0x8000];
	s21 =	simm.s32 $0x60  }
0x21a: {  	s22 =	sor.u32 $0x410, s5;
	[tilespmem:v5+s12+$0x0] =	vst.idx.add.f32.msk $0xffff, v1;
	v5 =	vadd.s32 s21, v9  }
0x21b: {  	v57 =	vld [tilespmem:s22+$0x8000]  }
0x21c: {  	[tilespmem:v7+s12+$0x0] =	vst.idx.add.f32.msk $0xffff, v1  }
0x21d: {  	[tilespmem:v4+s12+$0x0] =	vst.idx.add.f32.msk $0xffff, v1;
	v3 =	vadd.s32 s20, v3  }
0x21e: {  	v4 =	vld [tilespmem:s9+$0x10];
	v2 =	vadd.s32 s2, v2  }
0x21f: {  	[tilespmem:v5+s12+$0x0] =	vst.idx.add.f32.msk $0xffff, v1  }
0x220: {  	v5 =	vadd.s32 s0, v6;
	v6 =	vld [tilespmem:s7+$0x10]  }
0x221: {  	v58 =	vld [tilespmem:s6+$0x10]  }
0x222: {  	[tilespmem:v3+s12+$0x0] =	vst.idx.add.f32.msk $0xffff, v1  }
0x223: {  	v7 =	vadd.s32 s1, v57;
	[tilespmem:v2+s12+$0x0] =	vst.idx.add.f32.msk $0xffff, v1  }
0x224: {  	s23 =	sor.u32 $0x430, s11;
	v4 =	vadd.s32 s17, v4;
	v3 =	vld [tilespmem:s8+$0x20]  }
0x225: {  	v2 =	vld [tilespmem:s23+$0x8000]  }
0x226: {  	s24 =	sor.u32 $0x410, s3;
	[tilespmem:v5+s12+$0x0] =	vst.idx.add.f32.msk $0xffff, v1;
	v5 =	vadd.s32 s16, v6  }
0x227: {  	v59 =	vld [tilespmem:s24+$0x8000];
	v6 =	vadd.s32 s21, v58  }
0x228: {  	[tilespmem:v7+s12+$0x0] =	vst.idx.add.f32.msk $0xffff, v1  }
0x229: {  	[tilespmem:v4+s12+$0x0] =	vst.idx.add.f32.msk $0xffff, v1  }
0x22a: {  	v4 =	vld [tilespmem:s9+$0x20];
	v3 =	vadd.s32 s20, v3  }
0x22b: {  	v2 =	vadd.s32 s2, v2;
	[tilespmem:v5+s12+$0x0] =	vst.idx.add.f32.msk $0xffff, v1  }
0x22c: {  	[tilespmem:v6+s12+$0x0] =	vst.idx.add.f32.msk $0xffff, v1  }
0x22d: {  	v5 =	vadd.s32 s28, v59;
	v6 =	vld [tilespmem:s7+$0x20]  }
0x22e: {  	v7 =	vld [tilespmem:s6+$0x20]  }
0x22f: {  	v4 =	vadd.s32 s17, v4;
	[tilespmem:v3+s12+$0x0] =	vst.idx.add.f32.msk $0xffff, v1  }
0x230: {  	[tilespmem:v2+s12+$0x0] =	vst.idx.add.f32.msk $0xffff, v1  }
0x231: {  	v3 =	vld [tilespmem:s8+$0x30]  }
0x232: {  	s11 =	sor.u32 $0x438, s11;
	[tilespmem:v5+s12+$0x0] =	vst.idx.add.f32.msk $0xffff, v1  }
0x233: {  	v2 =	vld [tilespmem:s11+$0x8000]  }
0x234: {  	[tilespmem:v4+s12+$0x0] =	vst.idx.add.f32.msk $0xffff, v1;
	v4 =	vadd.s32 s16, v6  }
0x235: {  	v5 =	vld [tilespmem:s9+$0x30]  }
0x236: {  	v6 =	vadd.s32 s21, v7  }
0x237: {  	s26 =	sor.u32 $0x420, s5;
	v3 =	vadd.s32 s20, v3  }
0x238: {  	v7 =	vld [tilespmem:s26+$0x8000];
	v2 =	vadd.s32 s2, v2  }
0x239: {  	[tilespmem:v4+s12+$0x0] =	vst.idx.add.f32.msk $0xffff, v1  }
0x23a: {  	v4 =	vadd.s32 s17, v5;
	v5 =	vld [tilespmem:s7+$0x30]  }
0x23b: {  	[tilespmem:v6+s12+$0x0] =	vst.idx.add.f32.msk $0xffff, v1  }
0x23c: {  	[tilespmem:v3+s12+$0x0] =	vst.idx.add.f32.msk $0xffff, v1  }
0x23d: {  	s25 =	sor.u32 $0x420, s4;
	[tilespmem:v2+s12+$0x0] =	vst.idx.add.f32.msk vm0, v1  }
0x23e: {  	v2 =	vld [tilespmem:s25+$0x8000]  }
0x23f: {  	v3 =	vld [tilespmem:s8+$0x40]  }
0x240: {  	v6 =	vadd.s32 s1, v7;
	[tilespmem:v4+s12+$0x0] =	vst.idx.add.f32.msk $0xffff, v1  }
0x241: {  	v4 =	vadd.s32 s16, v5;
	v5 =	vld [tilespmem:s9+$0x40];
	_ =	sdelay $0x1  }
0x242: {  	s31 =	sor.u32 $0x420, s3;
	v7 =	vld [tilespmem:s6+$0x30];
	v2 =	vadd.s32 s0, v2  }
0x243: {  	v60 =	vld [tilespmem:s31+$0x8000];
	v3 =	vadd.s32 s20, v3  }
0x244: {  	[tilespmem:v6+s12+$0x0] =	vst.idx.add.f32.msk $0xffff, v1  }
0x245: {  	[tilespmem:v4+s12+$0x0] =	vst.idx.add.f32.msk $0xffff, v1;
	v4 =	vadd.s32 s17, v5  }
0x246: {  	v5 =	vld [tilespmem:s7+$0x40]  }
0x247: {  	[tilespmem:v2+s12+$0x0] =	vst.idx.add.f32.msk $0xffff, v1;
	v2 =	vadd.s32 s21, v7  }
0x248: {  	[tilespmem:v3+s12+$0x0] =	vst.idx.add.f32.msk $0xffff, v1  }
0x249: {  	v3 =	vadd.s32 s28, v60;
	v6 =	vld [tilespmem:s8+$0x50]  }
0x24a: {  	[tilespmem:v4+s12+$0x0] =	vst.idx.add.f32.msk $0xffff, v1  }
0x24b: {  	v4 =	vadd.s32 s16, v5;
	v5 =	vld [tilespmem:s9+$0x50]  }
0x24c: {  	[tilespmem:v2+s12+$0x0] =	vst.idx.add.f32.msk $0xffff, v1  }
0x24d: {  	v2 =	vld [tilespmem:s6+$0x40]  }
0x24e: {  	s11 =	sor.u32 $0x430, s4;
	[tilespmem:v3+s12+$0x0] =	vst.idx.add.f32.msk $0xffff, v1;
	v6 =	vadd.s32 s20, v6  }
0x24f: {  	v3 =	vld [tilespmem:s11+$0x8000]  }
0x250: {  	[tilespmem:v4+s12+$0x0] =	vst.idx.add.f32.msk $0xffff, v1;
	v4 =	vadd.s32 s17, v5  }
0x251: {  	s13 =	sor.u32 $0x430, s5;
	v5 =	vld [tilespmem:s7+$0x50]  }
0x252: {  	v7 =	vld [tilespmem:s13+$0x8000];
	v2 =	vadd.s32 s21, v2  }
0x253: {  	[tilespmem:v6+s12+$0x0] =	vst.idx.add.f32.msk $0xffff, v1  }
0x254: {  	v6 =	vld [tilespmem:s8+$0x60]  }
0x255: {  	[tilespmem:v4+s12+$0x0] =	vst.idx.add.f32.msk $0xffff, v1  }
0x256: {  	v3 =	vadd.s32 s0, v3;
	v4 =	vadd.s32 s16, v5;
	v5 =	vld [tilespmem:s9+$0x60]  }
0x257: {  	[tilespmem:v2+s12+$0x0] =	vst.idx.add.f32.msk $0xffff, v1;
	v2 =	vadd.s32 s1, v7  }
0x258: {  	v7 =	vld [tilespmem:s6+$0x50]  }
0x259: {  	s14 =	sor.u32 $0x430, s3  }
0x25a: {  	v61 =	vld [tilespmem:s14+$0x8000];
	v6 =	vadd.s32 s20, v6  }
0x25b: {  	[tilespmem:v3+s12+$0x0] =	vst.idx.add.f32.msk $0xffff, v1  }
0x25c: {  	[tilespmem:v2+s12+$0x0] =	vst.idx.add.f32.msk $0xffff, v1;
	v2 =	vadd.s32 s17, v5  }
0x25d: {  	[tilespmem:v4+s12+$0x0] =	vst.idx.add.f32.msk $0xffff, v1;
	v3 =	vadd.s32 s21, v7  }
0x25e: {  	v4 =	vld [tilespmem:s7+$0x60]  }
0x25f: {  	[tilespmem:v6+s12+$0x0] =	vst.idx.add.f32.msk $0xffff, v1  }
0x260: {  	v6 =	vld [tilespmem:s8+$0x70]  }
0x261: {  	v5 =	vadd.s32 s28, v61;
	[tilespmem:v2+s12+$0x0] =	vst.idx.add.f32.msk $0xffff, v1  }
0x262: {  	[tilespmem:v3+s12+$0x0] =	vst.idx.add.f32.msk $0xffff, v1  }
0x263: {  	v2 =	vadd.s32 s16, v4;
	v4 =	vld [tilespmem:s9+$0x70]  }
0x264: {  	v3 =	vld [tilespmem:s6+$0x60];
	_ =	sdelay $0x1  }
0x265: {  	s15 =	sor.u32 $0x438, s4;
	s23 =	simm.s32 $0x4;
	[tilespmem:v5+s12+$0x0] =	vst.idx.add.f32.msk $0xffff, v1;
	v6 =	vadd.s32 s20, v6  }
0x266: {  	s24 =	sand.u32 $0x7, s23;
	v5 =	vld [tilespmem:s15+$0x8000]  }
0x267: {  	s22 =	sor.u32 $0x438, s5;
	s25 =	sshll.u32 s24, $0x7;
	[tilespmem:v2+s12+$0x0] =	vst.idx.add.f32.msk $0xffff, v1;
	v2 =	vadd.s32 s17, v4  }
0x268: {  	p0 =	por !p0, !p0;
	s2 =	sadd.s32 $0x400, s25;
	v7 =	vld [tilespmem:s22+$0x8000];
	v3 =	vadd.s32 s21, v3  }
0x269: {  	s4 =	simm.s32 $0x1;
	s31 =	simm.s32 $0x2;
	v4 =	vld [tilespmem:s7+$0x70];
	s7 =	sadd.s32 $0x180, s2  }
0x26a: {  	s4 =	simm.s32 @!p0 $0x0;
	s9 =	sand.u32 $0x3, s31;
	[tilespmem:v6+s12+$0x0] =	vst.idx.add.f32.msk $0xffff, v1;
	s26 =	sor.u32 $0x400, s7  }
0x26b: {  	s4 =	sshll.u32 s4, $0x9;
	s11 =	sshll.u32 s9, $0x8;
	v6 =	vld [tilespmem:s26+$0x8000]  }
0x26c: {  	s13 =	sadd.s32 $0x400, s4;
	v5 =	vadd.s32 s0, v5;
	s0 =	sadd.s32 $0x400, s11;
	[tilespmem:v2+s12+$0x0] =	vst.idx.add.f32.msk $0xffff, v1  }
0x26d: {  	s24 =	sor.u32 $0x400, s13;
	s0 =	sadd.s32 $0x100, s0;
	[tilespmem:v3+s12+$0x0] =	vst.idx.add.f32.msk $0xffff, v1  }
0x26e: {  	s25 =	sor.u32 $0x410, s0;
	v2 =	vadd.s32 s16, v4;
	v62 =	vld [tilespmem:s24+$0x8000]  }
0x26f: {  	s26 =	sor.u32 $0x420, s13;
	v3 =	vadd.s32 s1, v7;
	v7 =	vld [tilespmem:s6+$0x70];
	[dreg:$0x4] =	wrdreg s25  }
0x270: {  	s15 =	sor.u32 $0x438, s3;
	[dreg:$0x2] =	wrdreg s26  }
0x271: {  	p0 =	por !p0, !p0;
	s29 =	sor.u32 $0x430, s13;
	s4 =	sor.u32 $0x438, s13;
	v6 =	vadd.s32 s20, v6;
	v63 =	vld [tilespmem:s15+$0x8000]  }
0x272: {  	s22 =	sor.u32 $0x410, s13;
	s8 =	simm.s32 $0x4;
	s31 =	sadd.s32 $0x80, s2;
	[tilespmem:v5+s12+$0x0] =	vst.idx.add.f32.msk vm0, v1  }
0x273: {  	s3 =	simm.s32 $0x4;
	s9 =	sor.u32 $0x420, s31;
	s5 =	sor.u32 $0x438, s31;
	[tilespmem:v2+s12+$0x0] =	vst.idx.add.f32.msk $0xffff, v1  }
0x274: {  	s2 =	sor.u32 $0x400, s31;
	s14 =	sor.u32 $0x400, s0;
	s30 =	sor.u32 $0x420, s0;
	[tilespmem:v3+s12+$0x0] =	vst.idx.add.f32.msk vm0, v1  }
0x275: {  	s24 =	sor.u32 $0x430, s0;
	s1 =	sor.u32 $0x438, s0;
	s26 =	sor.u32 $0x410, s31;
	v4 =	vld [tilespmem:s2+$0x8000]  }
0x276: {  	s6 =	sor.u32 $0x430, s31;
	s2 =	sor.u32 $0x410, s7;
	v3 =	vadd.s32 s17, v62;
	v5 =	vadd.s32 s21, v7;
	[tilespmem:v6+s12+$0x0] =	vst.idx.add.f32.msk $0xffff, v1;
	v2 =	vadd.s32 s28, v63;
	s28 =	simm.s32 $0x70  }
.LBB2_8:
0x277: {  	_ =	sdelay $0x1  }
0x278: {  	[dreg:$0x19] =	wrdreg s24  }
0x279: {  	[dreg:$0x10] =	wrdreg s4;
	v6 =	vld [tilespmem:s2+$0x8000]  }
0x27a: {  	[dreg:$0xb] =	wrdreg s5;
	[tilespmem:v5+s12+$0x0] =	vst.idx.add.f32.msk $0xffff, v1;
	s18 =	sadd.s32 $0x400, s18  }
0x27b: {  	[dreg:$0x8] =	wrdreg s1;
	s19 =	sadd.s32 $0x200, s19;
	[tilespmem:v3+s12+$0x0] =	vst.idx.add.f32.msk $0xffff, v1;
	s24 =	sand.u32 $0x7800, s18  }
0x27c: {  	v5 =	vld [tilespmem:s14+$0x8000];
	s25 =	sand.u32 $0x380, s19;
	s1 =	sadd.s32 $0xFFFFFF00, s19;
	s5 =	sor.u32 $0x8000, s24  }
0x27d: {  	s11 =	sand.u32 $0x3, s8;
	[tilespmem:v2+s12+$0x0] =	vst.idx.add.f32.msk vm0, v1;
	s14 =	sand.u32 $0x280, s1;
	s15 =	sor.u32 s25, s5  }
0x27e: {  	s13 =	simm.s32 $0x1;
	s0 =	sadd.s32 $0xFFFFFE80, s19;
	s2 =	sor.u32 s14, s5;
	v3 =	vadd.s32 s16, v4;
	v7 =	vld [tilespmem:s15+$0x0]  }
0x27f: {  	s31 =	smov.u32 s21;
	s21 =	sadd.s32 $0xFFFFFF80, s19;
	s4 =	sand.u32 $0x200, s0;
	v8 =	vld [tilespmem:s2+$0x0];
	v6 =	vadd.s32 s20, v6  }
0x280: {  	s11 =	sshll.u32 s11, $0x8;
	s24 =	sand.u32 $0x300, s21;
	v4 =	vld [tilespmem:s22+$0x8000];
	s22 =	sor.u32 s4, s5  }
0x281: {  	s13 =	simm.s32 @!p0 $0x0;
	s25 =	sadd.s32 s18, s11;
	s11 =	sor.u32 s24, s5;
	v2 =	vld [tilespmem:s22+$0x0]  }
0x282: {  	s13 =	sshll.u32 s13, $0x9;
	v9 =	vld [tilespmem:s11+$0x0];
	s20 =	sadd.s32 $0x40, s20;
	v5 =	vadd.s32 s31, v5  }
0x283: {  	s0 =	sadd.s32 s13, s18;
	s14 =	sadd.s32 $0xFFFFFFE0, s20;
	v7 =	vadd.s32 s20, v7;
	[tilespmem:v3+s12+$0x0] =	vst.idx.add.f32.msk $0xffff, v1  }
0x284: {  	s13 =	sor.u32 $0x410, s0;
	s1 =	sadd.s32 $0x100, s25;
	s25 =	sor.u32 $0x420, s7;
	v3 =	vadd.s32 s14, v8;
	[tilespmem:v6+s12+$0x0] =	vst.idx.add.f32.msk $0xffff, v1  }
0x285: {  	[dreg:$0x14] =	wrdreg s13;
	s21 =	sor.u32 $0x400, s1;
	s13 =	sadd.s32 $0xFFFFFFD0, s20;
	v58 =	vld [tilespmem:s26+$0x8000]  }
0x286: {  	[dreg:$0xd] =	wrdreg s21;
	s21 =	sadd.s32 $0xFFFFFFF0, s20;
	v2 =	vadd.s32 s13, v2;
	v6 =	vld [tilespmem:s25+$0x8000]  }
0x287: {  	[tilespmem:v5+s12+$0x0] =	vst.idx.add.f32.msk $0xffff, v1;
	v5 =	vadd.s32 s21, v9  }
0x288: {  	[tilespmem:v7+s12+$0x0] =	vst.idx.add.f32.msk $0xffff, v1  }
0x289: {  	v4 =	vadd.s32 s17, v4;
	[tilespmem:v3+s12+$0x0] =	vst.idx.add.f32.msk $0xffff, v1  }
0x28a: {  	v7 =	vld [tilespmem:s15+$0x10]  }
0x28b: {  	[tilespmem:v2+s12+$0x0] =	vst.idx.add.f32.msk $0xffff, v1  }
0x28c: {  	v6 =	vadd.s32 s28, v6;
	[tilespmem:v5+s12+$0x0] =	vst.idx.add.f32.msk $0xffff, v1  }
0x28d: {  	v3 =	vld [tilespmem:s22+$0x10]  }
0x28e: {  	[tilespmem:v4+s12+$0x0] =	vst.idx.add.f32.msk $0xffff, v1  }
0x28f: {  	v59 =	vld [tilespmem:s11+$0x10];
	v5 =	vadd.s32 s20, v7  }
0x290: {  	s24 =	sor.u32 $0x430, s1;
	v7 =	vld [tilespmem:s2+$0x10]  }
0x291: {  	[dreg:$0x1c] =	wrdreg s24;
	s24 =	sor.u32 $0x430, s7;
	v2 =	vadd.s32 s16, v58;
	[tilespmem:v6+s12+$0x0] =	vst.idx.add.f32.msk $0xffff, v1  }
0x292: {  	s26 =	rddreg [dreg:$0x4];
	v3 =	vadd.s32 s13, v3;
	v6 =	vld [tilespmem:s24+$0x8000]  }
0x293: {  	v60 =	vld [tilespmem:s26+$0x8000]  }
0x294: {  	v4 =	vadd.s32 s21, v59;
	[tilespmem:v5+s12+$0x0] =	vst.idx.add.f32.msk $0xffff, v1  }
0x295: {  	v7 =	vadd.s32 s14, v7;
	v5 =	vld [tilespmem:s15+$0x20]  }
0x296: {  	[tilespmem:v2+s12+$0x0] =	vst.idx.add.f32.msk $0xffff, v1  }
0x297: {  	[tilespmem:v3+s12+$0x0] =	vst.idx.add.f32.msk $0xffff, v1;
	v6 =	vadd.s32 s28, v6  }
0x298: {  	v3 =	vld [tilespmem:s22+$0x20]  }
0x299: {  	[tilespmem:v4+s12+$0x0] =	vst.idx.add.f32.msk $0xffff, v1  }
0x29a: {  	[smem:$0x7F7] =	sst s29;
	[tilespmem:v7+s12+$0x0] =	vst.idx.add.f32.msk $0xffff, v1;
	v5 =	vadd.s32 s20, v5  }
0x29b: {  	s4 =	sor.u32 $0x410, s1;
	s29 =	sor.u32 $0x420, s1;
	s1 =	sor.u32 $0x438, s1;
	v4 =	vld [tilespmem:s2+$0x20]  }
0x29c: {  	[dreg:$0x11] =	wrdreg s1;
	s1 =	smov.u32 s4;
	s4 =	sor.u32 $0x438, s7;
	v2 =	vadd.s32 s31, v60;
	[tilespmem:v6+s12+$0x0] =	vst.idx.add.f32.msk $0xffff, v1  }
0x29d: {  	v6 =	vld [tilespmem:s4+$0x8000]  }
0x29e: {  	v7 =	vld [tilespmem:s11+$0x20];
	v3 =	vadd.s32 s13, v3  }
0x29f: {  	[tilespmem:v5+s12+$0x0] =	vst.idx.add.f32.msk $0xffff, v1  }
0x2a0: {  	v5 =	vld [tilespmem:s15+$0x30]  }
0x2a1: {  	[tilespmem:v2+s12+$0x0] =	vst.idx.add.f32.msk $0xffff, v1;
	v2 =	vadd.s32 s14, v4  }
0x2a2: {  	v6 =	vadd.s32 s28, v6  }
0x2a3: {  	[tilespmem:v3+s12+$0x0] =	vst.idx.add.f32.msk $0xffff, v1  }
0x2a4: {  	v3 =	vld [tilespmem:s22+$0x30]  }
0x2a5: {  	v4 =	vadd.s32 s20, v5;
	v5 =	vadd.s32 s21, v7;
	v7 =	vld [tilespmem:s9+$0x8000]  }
0x2a6: {  	[tilespmem:v2+s12+$0x0] =	vst.idx.add.f32.msk $0xffff, v1  }
0x2a7: {  	s7 =	rddreg [dreg:$0x2];
	[tilespmem:v6+s12+$0x0] =	vst.idx.add.f32.msk vm0, v1  }
0x2a8: {  	v6 =	vld [tilespmem:s7+$0x8000]  }
0x2a9: {  	v2 =	vadd.s32 s13, v3;
	v3 =	vld [tilespmem:s2+$0x30]  }
0x2aa: {  	[tilespmem:v4+s12+$0x0] =	vst.idx.add.f32.msk $0xffff, v1  }
0x2ab: {  	v4 =	vld [tilespmem:s15+$0x40]  }
0x2ac: {  	[tilespmem:v5+s12+$0x0] =	vst.idx.add.f32.msk $0xffff, v1;
	v5 =	vadd.s32 s16, v7  }
0x2ad: {  	v6 =	vadd.s32 s17, v6;
	v7 =	vld [tilespmem:s11+$0x30]  }
0x2ae: {  	s5 =	sor.u32 $0x400, s0;
	[tilespmem:v2+s12+$0x0] =	vst.idx.add.f32.msk $0xffff, v1;
	v2 =	vadd.s32 s14, v3  }
0x2af: {  	[dreg:$0xa] =	wrdreg s5;
	s5 =	smov.u32 s30;
	v3 =	vld [tilespmem:s22+$0x40]  }
0x2b0: {  	v61 =	vld [tilespmem:s5+$0x8000];
	v4 =	vadd.s32 s20, v4  }
0x2b1: {  	[tilespmem:v5+s12+$0x0] =	vst.idx.add.f32.msk $0xffff, v1  }
0x2b2: {  	[tilespmem:v6+s12+$0x0] =	vst.idx.add.f32.msk $0xffff, v1;
	v6 =	vadd.s32 s21, v7  }
0x2b3: {  	[tilespmem:v2+s12+$0x0] =	vst.idx.add.f32.msk $0xffff, v1  }
0x2b4: {  	v2 =	vadd.s32 s13, v3;
	v3 =	vld [tilespmem:s2+$0x40]  }
0x2b5: {  	[tilespmem:v4+s12+$0x0] =	vst.idx.add.f32.msk $0xffff, v1  }
0x2b6: {  	v5 =	vld [tilespmem:s15+$0x50]  }
0x2b7: {  	v4 =	vadd.s32 s31, v61;
	[tilespmem:v6+s12+$0x0] =	vst.idx.add.f32.msk $0xffff, v1  }
0x2b8: {  	v6 =	vld [tilespmem:s11+$0x40]  }
0x2b9: {  	[tilespmem:v2+s12+$0x0] =	vst.idx.add.f32.msk $0xffff, v1;
	v2 =	vadd.s32 s14, v3  }
0x2ba: {  	s26 =	sld [smem:$0x7F7];
	v3 =	vld [tilespmem:s22+$0x50]  }
0x2bb: {  	v7 =	vld [tilespmem:s6+$0x8000];
	v5 =	vadd.s32 s20, v5  }
0x2bc: {  	[tilespmem:v4+s12+$0x0] =	vst.idx.add.f32.msk $0xffff, v1  }
0x2bd: {  	v4 =	vld [tilespmem:s26+$0x8000];
	v6 =	vadd.s32 s21, v6  }
0x2be: {  	[tilespmem:v2+s12+$0x0] =	vst.idx.add.f32.msk $0xffff, v1  }
0x2bf: {  	v2 =	vadd.s32 s13, v3;
	v3 =	vld [tilespmem:s2+$0x50]  }
0x2c0: {  	[tilespmem:v5+s12+$0x0] =	vst.idx.add.f32.msk $0xffff, v1  }
0x2c1: {  	v5 =	vld [tilespmem:s15+$0x60]  }
0x2c2: {  	v4 =	vadd.s32 s17, v4;
	[tilespmem:v6+s12+$0x0] =	vst.idx.add.f32.msk $0xffff, v1  }
0x2c3: {  	v6 =	vadd.s32 s16, v7;
	v7 =	vld [tilespmem:s11+$0x50]  }
0x2c4: {  	[dreg:$0x4] =	wrdreg s1;
	[tilespmem:v2+s12+$0x0] =	vst.idx.add.f32.msk $0xffff, v1;
	v2 =	vadd.s32 s14, v3  }
0x2c5: {  	s1 =	rddreg [dreg:$0x19];
	v3 =	vld [tilespmem:s22+$0x60]  }
0x2c6: {  	v62 =	vld [tilespmem:s1+$0x8000];
	v5 =	vadd.s32 s20, v5  }
0x2c7: {  	[tilespmem:v4+s12+$0x0] =	vst.idx.add.f32.msk $0xffff, v1  }
0x2c8: {  	[tilespmem:v6+s12+$0x0] =	vst.idx.add.f32.msk $0xffff, v1;
	v4 =	vadd.s32 s21, v7  }
0x2c9: {  	[tilespmem:v2+s12+$0x0] =	vst.idx.add.f32.msk $0xffff, v1  }
0x2ca: {  	v2 =	vadd.s32 s13, v3;
	v3 =	vld [tilespmem:s2+$0x60]  }
0x2cb: {  	[tilespmem:v5+s12+$0x0] =	vst.idx.add.f32.msk $0xffff, v1  }
0x2cc: {  	v6 =	vld [tilespmem:s15+$0x70]  }
0x2cd: {  	v5 =	vadd.s32 s31, v62;
	[tilespmem:v4+s12+$0x0] =	vst.idx.add.f32.msk $0xffff, v1  }
0x2ce: {  	s30 =	sor.u32 $0x420, s0;
	s25 =	sor.u32 $0x430, s0;
	s0 =	sor.u32 $0x438, s0;
	v4 =	vld [tilespmem:s11+$0x60]  }
0x2cf: {  	[dreg:$0x17] =	wrdreg s0;
	[tilespmem:v2+s12+$0x0] =	vst.idx.add.f32.msk $0xffff, v1;
	v2 =	vadd.s32 s14, v3  }
0x2d0: {  	s24 =	smov.u32 s30;
	s9 =	rddreg [dreg:$0xb];
	v3 =	vld [tilespmem:s22+$0x70]  }
0x2d1: {  	s23 =	sadd.s32 $0x4, s23;
	[dreg:$0x2] =	wrdreg s24;
	v7 =	vld [tilespmem:s9+$0x8000];
	v6 =	vadd.s32 s20, v6  }
0x2d2: {  	s5 =	sand.u32 $0x7, s23;
	s6 =	rddreg [dreg:$0x10];
	[tilespmem:v5+s12+$0x0] =	vst.idx.add.f32.msk $0xffff, v1  }
0x2d3: {  	s4 =	rddreg [dreg:$0x1c];
	s0 =	sshll.u32 s5, $0x7;
	v5 =	vld [tilespmem:s6+$0x8000];
	v4 =	vadd.s32 s21, v4  }
0x2d4: {  	s7 =	rddreg [dreg:$0x17];
	s0 =	sadd.s32 s18, s0;
	[tilespmem:v2+s12+$0x0] =	vst.idx.add.f32.msk $0xffff, v1  }
0x2d5: {  	s24 =	smov.u32 s4;
	s4 =	smov.u32 s7;
	s7 =	sadd.s32 $0x180, s0;
	v2 =	vadd.s32 s13, v3;
	v3 =	vld [tilespmem:s2+$0x70]  }
0x2d6: {  	s30 =	smov.u32 s29;
	s29 =	smov.u32 s25;
	s25 =	sor.u32 $0x400, s7;
	[tilespmem:v6+s12+$0x0] =	vst.idx.add.f32.msk $0xffff, v1  }
0x2d7: {  	s15 =	sadd.s32 $0x80, s0;
	v6 =	vld [tilespmem:s25+$0x8000]  }
0x2d8: {  	s0 =	sor.u32 $0x400, s15;
	v5 =	vadd.s32 s17, v5;
	[tilespmem:v4+s12+$0x0] =	vst.idx.add.f32.msk $0xffff, v1  }
0x2d9: {  	s26 =	sor.u32 $0x410, s15;
	s9 =	sor.u32 $0x420, s15;
	v4 =	vadd.s32 s16, v7;
	s16 =	smov.u32 s14;
	v7 =	vld [tilespmem:s11+$0x70]  }
0x2da: {  	s5 =	sor.u32 $0x438, s15;
	s6 =	sor.u32 $0x430, s15;
	s15 =	rddreg [dreg:$0x8];
	[tilespmem:v2+s12+$0x0] =	vst.idx.add.f32.msk $0xffff, v1;
	v2 =	vadd.s32 s16, v3  }
0x2db: {  	s3 =	sadd.s32 $0x4, s3;
	s17 =	smov.u32 s13;
	s13 =	rddreg [dreg:$0xa];
	v63 =	vld [tilespmem:s15+$0x8000]  }
0x2dc: {  	p1 =	slt.u32 s3, $0x7C;
	v3 =	vld [tilespmem:s13+$0x8000];
	v6 =	vadd.s32 s20, v6  }
.Ltmp3:
0x2dd: {  	[tilespmem:v5+s12+$0x0] =	vst.idx.add.f32.msk vm0, v1;
	(pc) =	sbr.rel @p1 .LBB2_8-.Ltmp3, $4  }
0x2de: {  	[tilespmem:v4+s12+$0x0] =	vst.idx.add.f32.msk vm0, v1  }
0x2df: {  	s8 =	sadd.s32 $0x2, s8;
	s22 =	rddreg [dreg:$0x14];
	[tilespmem:v2+s12+$0x0] =	vst.idx.add.f32.msk $0xffff, v1  }
0x2e0: {  	p0 =	por !p0, !p0;
	s28 =	smov.u32 s20;
	s25 =	rddreg [dreg:$0x11];
	v4 =	vld [tilespmem:s0+$0x8000]  }
0x2e1: {  	s2 =	sor.u32 $0x410, s7;
	s14 =	rddreg [dreg:$0xd];
	s1 =	smov.u32 s25;
	v5 =	vadd.s32 s21, v7;
	v2 =	vadd.s32 s31, v63;
	v3 =	vadd.s32 s17, v3;
	[tilespmem:v6+s12+$0x0] =	vst.idx.add.f32.msk $0xffff, v1  }
0x2e2: {  	_ =	sdelay $0x3  }
0x2e3: {  	[tilespmem:v5+s12+$0x0] =	vst.idx.add.f32.msk $0xffff, v1  }
0x2e4: {  	v5 =	vld [tilespmem:s14+$0x8000];
	_ =	sdelay $0x2  }
0x2e5: {  	v4 =	vadd.s32 s16, v4  }
0x2e6: {  	v6 =	vld [tilespmem:s2+$0x8000]  }
0x2e7: {  	[tilespmem:v3+s12+$0x0] =	vst.idx.add.f32.msk $0xffff, v1;
	v5 =	vadd.s32 s21, v5  }
0x2e8: {  	v3 =	vld [tilespmem:s22+$0x8000];
	_ =	sdelay $0x1  }
0x2e9: {  	[tilespmem:v4+s12+$0x0] =	vst.idx.add.f32.msk $0xffff, v1  }
0x2ea: {  	v4 =	vld [tilespmem:s26+$0x8000]  }
0x2eb: {  	v6 =	vadd.s32 s20, v6;
	[tilespmem:v5+s12+$0x0] =	vst.idx.add.f32.msk $0xffff, v1  }
0x2ec: {  	v3 =	vadd.s32 s17, v3;
	s0 =	rddreg [dreg:$0x4]  }
0x2ed: {  	v5 =	vld [tilespmem:s0+$0x8000];
	_ =	sdelay $0x2  }
0x2ee: {  	[tilespmem:v6+s12+$0x0] =	vst.idx.add.f32.msk $0xffff, v1;
	v4 =	vadd.s32 s16, v4  }
0x2ef: {  	s20 =	sor.u32 $0x420, s7;
	[tilespmem:v3+s12+$0x0] =	vst.idx.add.f32.msk $0xffff, v1  }
0x2f0: {  	v6 =	vld [tilespmem:s20+$0x8000];
	v5 =	vadd.s32 s21, v5  }
0x2f1: {  	s22 =	rddreg [dreg:$0x2]  }
0x2f2: {  	v3 =	vld [tilespmem:s22+$0x8000]  }
0x2f3: {  	[tilespmem:v4+s12+$0x0] =	vst.idx.add.f32.msk $0xffff, v1  }
0x2f4: {  	v4 =	vld [tilespmem:s9+$0x8000]  }
0x2f5: {  	v6 =	vadd.s32 s28, v6;
	[tilespmem:v5+s12+$0x0] =	vst.idx.add.f32.msk $0xffff, v1  }
0x2f6: {  	v5 =	vld [tilespmem:s30+$0x8000]  }
0x2f7: {  	v3 =	vadd.s32 s17, v3;
	_ =	sdelay $0x1  }
0x2f8: {  	v4 =	vadd.s32 s16, v4  }
0x2f9: {  	s23 =	sor.u32 $0x430, s7;
	[tilespmem:v6+s12+$0x0] =	vst.idx.add.f32.msk $0xffff, v1  }
0x2fa: {  	v6 =	vld [tilespmem:s23+$0x8000];
	v5 =	vadd.s32 s21, v5  }
0x2fb: {  	[tilespmem:v3+s12+$0x0] =	vst.idx.add.f32.msk $0xffff, v1  }
0x2fc: {  	v3 =	vld [tilespmem:s29+$0x8000]  }
0x2fd: {  	[tilespmem:v4+s12+$0x0] =	vst.idx.add.f32.msk $0xffff, v1  }
0x2fe: {  	v4 =	vld [tilespmem:s6+$0x8000]  }
0x2ff: {  	v6 =	vadd.s32 s28, v6;
	[tilespmem:v5+s12+$0x0] =	vst.idx.add.f32.msk $0xffff, v1  }
0x300: {  	v5 =	vld [tilespmem:s24+$0x8000]  }
0x301: {  	v3 =	vadd.s32 s17, v3;
	_ =	sdelay $0x1  }
0x302: {  	v4 =	vadd.s32 s16, v4  }
0x303: {  	s25 =	sor.u32 $0x438, s7;
	[tilespmem:v6+s12+$0x0] =	vst.idx.add.f32.msk $0xffff, v1  }
0x304: {  	v6 =	vld [tilespmem:s25+$0x8000];
	v5 =	vadd.s32 s21, v5  }
0x305: {  	[tilespmem:v3+s12+$0x0] =	vst.idx.add.f32.msk $0xffff, v1  }
0x306: {  	v3 =	vld [tilespmem:s4+$0x8000]  }
0x307: {  	[tilespmem:v4+s12+$0x0] =	vst.idx.add.f32.msk $0xffff, v1  }
0x308: {  	v4 =	vld [tilespmem:s5+$0x8000]  }
0x309: {  	[tilespmem:v5+s12+$0x0] =	vst.idx.add.f32.msk $0xffff, v1  }
0x30a: {  	v5 =	vld [tilespmem:s1+$0x8000];
	_ =	sdelay $0x1  }
0x30b: {  	v6 =	vadd.s32 s28, v6  }
0x30c: {  	v3 =	vadd.s32 s17, v3  }
0x30d: {  	v4 =	vadd.s32 s16, v4  }
0x30e: {  	v5 =	vadd.s32 s21, v5  }
0x30f: {  	[tilespmem:v2+s12+$0x0] =	vst.idx.add.f32.msk vm0, v1  }
0x310: {  	[tilespmem:v6+s12+$0x0] =	vst.idx.add.f32.msk vm0, v1  }
0x311: {  	[tilespmem:v3+s12+$0x0] =	vst.idx.add.f32.msk vm0, v1  }
0x312: {  	[tilespmem:v4+s12+$0x0] =	vst.idx.add.f32.msk vm0, v1  }
0x313: {  	[tilespmem:v5+s12+$0x0] =	vst.idx.add.f32.msk vm0, v1  }
0x314: {  	s26 =	sld [smem:$0x7FC];
	_ =	sdelay $0x1  }
0x315: {  	s7 =	simm.s32 $0x0;
	s28 =	simm.s32 $0x3  }
0x316: {  	[hbm4b:s26+s7] =	stream.linear.scatter [tilespmem:s12], [sflag:$0x4], $0x800, $0x38;
	[tilespmem:$0x11000] =	vst v63  }
0x317: {  	_ =	swait.ge [sflag:s28], $0x800  }
0x318: {  	[sflag:s28] =	ssyncset.done $0x0  }
0x319: {  	s29 =	simm.s32 $0x4;
	[sflag:s28] =	ssyncadd.s32 $0xFFFFF800  }
0x31a: {  	_ =	swait.ge [sflag:s29], $0x800  }
0x31b: {  	s30 =	sld [smem:$0x7F8]  }
0x31c: {  	s31 =	sld [smem:$0x7FD];
	_ =	sdelay $0x1  }
0x31d: {  	s2 =	sadd.s32 $0x1, s30  }
0x31e: {  	p0 =	sne.s32 s2, s31  }
.Ltmp4:
0x31f: {  	_ = 	snop;
	(pc) =	sbr.rel @p0 .LBB2_1-.Ltmp4, $3  }
0x320: {  	_ =	sdelay $0x1  }
0x321: {  	[sflag:s29] =	ssyncset.done $0x0  }
0x322: {  	[sflag:s29] =	ssyncadd.s32 $0xFFFFF800  }
0x323: {  	_ =	sfence.sel $0x180000  }
0x324: {  	[bflag:$0x0] =	sbarrier.arrive $0xFFFF  }
0x325: {  	_ =	strace $0x9000004A  }
0x326: {  	s0 =	stileid.u32;
	[bflag:$0x2] =	sbarrier.arrive $0xFFFF  }
0x327: {  	p0 =	sne.s32 s0, $0x0;
	s0 =	rddreg [dreg:$0x1]  }
0x328: {  	s0 =	sadd.s32 @!p0 $0x100000, s0  }
0x329: {  	[sflag:s0] =	ssyncadd.tile.s32 @!p0 $0x1;
	_ =	shalt  }
.Lfunc_end2:
_tile_overlayer_lowered:
.L_overlay_start_2:
0x32a: {  	(tag) =	ssettag $0x2  }
0x32b: {  	s0 =	rddreg [dreg:$0x0];
	s2 =	stileid.u32  }
0x32c: {  	s1 =	rddreg [dreg:$0x1];
	p0 =	sne.s32 s2, $0x0  }
0x32d: {  	s3 =	rddreg [dreg:$0x2];
	[bflag:$0x3] =	sbarrier.arrive $0xFFFF;
	s2 =	simm.s32 @!p0 $0x1C05  }
0x32e: {  	[timem:s3], [sflag:s2] =	dma.local @!p0 [hbm:s0], s1  }
0x32f: {  	s0 =	simm.s32 @!p0 $0x5  }
0x330: {  	_ =	swait.ge @!p0 [sflag:s0], s1  }
0x331: {  	s1 =	ssub.s32 @!p0 $0x0, s1;
	[sflag:s0] =	ssyncset.done @!p0 $0x0  }
0x332: {  	[sflag:s0] =	ssyncadd.s32 @!p0 s1  }
0x333: {  	[bflag:$0x3] =	sbarrier.arrive $0xFFFF  }
0x334: {  	_ =	shalt  }

</sc_bundles>
